<compile_context>
chip_gen: v7x
topology: tpu7x:2x2x1
jax: 0.10.2.dev20260603
libtpu: 0.0.44.dev20260713+nightly
codegen_flags: <defaults>
</compile_context>

<pallas_src>
import functools

import jax
import jax.numpy as jnp
from jax import lax
from jax.experimental import pallas as pl
from jax.experimental.pallas import tpu as pltpu
from jax.experimental.pallas import tpu_sc as plsc

F, B, D, K = 8, 1024, 32, 8192
BT = 1024
NB = B // BT

NC, NS = 2, 16
NW = NC * NS
BPW = (F * B) // NW
ICH = 128
NCH = BPW // ICH


CW = 256
RG = 128
NG = BT // RG
KS = K // NB


def _argmin_body(x_ref, w_ref, idx_ref, wt_ref, w2b_ref):
    f = pl.program_id(0)
    b = pl.program_id(1)
    x = x_ref[0]
    w = w_ref[0]

    wt_ref[0] = w_ref[0, :, pl.ds(b * KS, KS)].T

    @pl.when(b == 0)
    def _():
        w2 = jnp.sum(w * w, axis=0, keepdims=True)
        w2b_ref[...] = jnp.broadcast_to(w2, (RG, K))

    xd = x + x
    x2 = jnp.sum(x * x, axis=1, keepdims=True)

    lane = lax.broadcasted_iota(jnp.int32, (RG, CW), 1)
    outs = []
    for g in range(NG):
        rows = slice(g * RG, (g + 1) * RG)
        xw2 = lax.dot_general(
            xd[rows], w, (((1,), (0,)), ((), ())),
            preferred_element_type=jnp.float32,
        )
        x2b = jnp.broadcast_to(x2[rows], (RG, CW))
        best = (x2b - xw2[:, :CW]) + w2b_ref[:, :CW]
        bj = jnp.zeros((RG, CW), jnp.int32)
        for j in range(1, K // CW):
            cols = slice(j * CW, (j + 1) * CW)
            dj = (x2b - xw2[:, cols]) + w2b_ref[:, cols]
            m = dj < best
            best = jnp.where(m, dj, best)
            bj = jnp.where(m, j, bj)
        dmin = jnp.min(best, axis=1, keepdims=True)
        candk = jnp.where(best == dmin, bj * CW + lane, 2 * K)
        outs.append(jnp.min(candk, axis=1, keepdims=True))
    ki = jnp.concatenate(outs, axis=0) + f * K
    idx_ref[0] = ki.T


def _gather_body(table_hbm, idx_hbm, out_hbm, idx_v, rows_v, sem):
    wid = lax.axis_index("s") * NC + lax.axis_index("c")
    pltpu.sync_copy(idx_hbm.at[pl.ds(wid * NCH, NCH)], idx_v)
    copies = [
        pltpu.async_copy(
            table_hbm.at[idx_v.at[j]], rows_v.at[pl.ds(j * ICH, ICH)], sem
        )
        for j in range(NCH)
    ]
    for cp in copies:
        cp.wait()
    pltpu.sync_copy(rows_v, out_hbm.at[pl.ds(wid * BPW, BPW)])


@functools.partial(jax.jit, static_argnames=("interpret",))
def kernel(inputs, W, interpret=False):
    idx, wt = pl.pallas_call(
        _argmin_body,
        grid=(F, NB),
        in_specs=[
            pl.BlockSpec((1, BT, D), lambda f, b: (f, b, 0)),
            pl.BlockSpec((1, D, K), lambda f, b: (f, 0, 0)),
        ],
        out_specs=[
            pl.BlockSpec((1, 1, BT), lambda f, b: (f * NB + b, 0, 0)),
            pl.BlockSpec((1, KS, D), lambda f, b: (f, b, 0)),
        ],
        out_shape=[
            jax.ShapeDtypeStruct((F * NB, 1, BT), jnp.int32),
            jax.ShapeDtypeStruct((F, K, D), jnp.float32),
        ],
        scratch_shapes=[pltpu.VMEM((RG, K), jnp.float32)],
        compiler_params=pltpu.CompilerParams(
            dimension_semantics=("parallel", "arbitrary"),
        ),
        interpret=interpret,
    )(inputs, W)

    idx2d = idx.reshape(NW * NCH, ICH)
    wt2d = wt.reshape(F * K, D)
    if interpret:
        q = wt2d[idx2d.reshape(-1)]
        return q.reshape(F, B, D)

    gather = functools.partial(
        pl.kernel,
        mesh=plsc.VectorSubcoreMesh(core_axis_name="c", subcore_axis_name="s"),
        out_type=jax.ShapeDtypeStruct((F * B, D), jnp.float32),
        scratch_types=[
            pltpu.VMEM((NCH, ICH), jnp.int32),
            pltpu.VMEM((BPW, D), jnp.float32),
            pltpu.SemaphoreType.DMA,
        ],
        compiler_params=pltpu.CompilerParams(use_tc_tiling_on_sc=False),
    )(_gather_body)
    q = gather(wt2d, idx2d)
    return q.reshape(F, B, D)

# --- scband reference (transcript-rebuilt; emitter-appended) ---
"""Pipeline reference for scband-vector-quantizer-ema-25993142075530 (READ-ONLY COPY).

The authoritative reference and input builder live on the scoring server;
editing this copy changes nothing except your own understanding.
"""

import jax, jax.numpy as jnp
import numpy as np

F, B, D, K = 8, 1024, 32, 8192

def setup_inputs(seed: int = 0) -> dict:
    key = jax.random.key(seed)
    k1, k2 = jax.random.split(key)
    inputs = jax.random.normal(k1, (F, B, D), dtype=jnp.float32)
    # GlorotUniform for weight of shape [F, D, K]: fan_in=D, fan_out=K per tf default on last two dims
    limit = np.sqrt(6.0 / (D + K))
    W = jax.random.uniform(k2, (F, D, K), dtype=jnp.float32, minval=-limit, maxval=limit)
    return {"inputs": inputs, "W": W}

def reference(inputs, W):
    # distances: [F, B, K]
    distances = (jnp.sum(inputs ** 2, axis=2, keepdims=True)
                 - 2.0 * jnp.einsum('fbd,fdk->fbk', inputs, W)
                 + jnp.sum(W ** 2, axis=1, keepdims=True))
    enc_idx = jnp.argmin(distances, axis=2)  # [F, B]
    wT = jnp.transpose(W, (0, 2, 1))  # [F, K, D]
    quantized = jnp.take_along_axis(wT, enc_idx[:, :, None], axis=1)  # [F, B, D]
    # straight-through estimator output (inference path, training=False)
    output = inputs + jax.lax.stop_gradient(quantized - inputs)
    return output

if __name__ == "__main__":
    import jax
    _d = setup_inputs()
    print(jax.jit(kernel)(*tuple(_d.values())))

</pallas_src>

<mosaic_0001>
#map = affine_map<(d0, d1) -> (0, 0)>
module attributes {stable_mosaic.version = 14 : i64} {
  func.func @_gather_body(%arg0: i32, %arg1: i32, %arg2: memref<65536x32xf32, #tpu.memory_space<hbm>>, %arg3: memref<64x128xi32, #tpu.memory_space<hbm>>, %arg4: memref<8192x32xf32, #tpu.memory_space<hbm>>, %arg5: memref<2x128xi32, #tpu.memory_space<vmem>>, %arg6: memref<256x32xf32, #tpu.memory_space<vmem>>, %arg7: memref<!tpu.dma_semaphore, #tpu.memory_space<semaphore_mem>>) attributes {dimension_semantics = [#tpu.dimension_semantics<core_parallel>, #tpu.dimension_semantics<subcore_parallel>], iteration_bounds = array<i64: 2, 16>, scalar_prefetch = 0 : i64, scratch_operands = 3 : i64, tpu.core_type = #tpu.core_type<sc_vector_subcore>, window_params = [{transform_indices = #map}, {transform_indices = #map}, {transform_indices = #map}]} {
    %mul3A = arith.constant 2 : i32
    %mul3A_0 = arith.muli %arg1, %mul3A : i32
    %add3A = arith.addi %mul3A_0, %arg0 : i32
    %mul3A_1 = arith.constant 2 : i32
    %mul3A_2 = arith.muli %add3A, %mul3A_1 : i32
    "tpu.region"() ({
      %run_scoped3A = tpu.sem_alloc : memref<!tpu.dma_semaphore, #tpu.memory_space<semaphore_mem>>
      %dma_start3A_43 = arith.constant 0 : i32
      %dma_start3A_44 = tpu.memref_slice %arg3[%mul3A_2, %dma_start3A_43] : memref<64x128xi32, #tpu.memory_space<hbm>> -> memref<2x128xi32, #tpu.memory_space<hbm>>
      %dma_start3A_45 = arith.constant 0 : i32
      %dma_start3A_46 = tpu.memref_slice %arg3[%mul3A_2, %dma_start3A_45] : memref<64x128xi32, #tpu.memory_space<hbm>> -> memref<2x128xi32, #tpu.memory_space<hbm>>
      tpu.enqueue_dma source(%dma_start3A_46 : memref<2x128xi32, #tpu.memory_space<hbm>>) target(%arg5 : memref<2x128xi32, #tpu.memory_space<vmem>>) target_semaphore(%run_scoped3A : memref<!tpu.dma_semaphore, #tpu.memory_space<semaphore_mem>>)
      %dma_wait3A_47 = arith.constant 0 : i32
      %dma_wait3A_48 = tpu.memref_slice %arg3[%mul3A_2, %dma_wait3A_47] : memref<64x128xi32, #tpu.memory_space<hbm>> -> memref<2x128xi32, #tpu.memory_space<hbm>>
      %dma_wait3A_49 = arith.constant 0 : i32
      %dma_wait3A_50 = tpu.memref_slice %arg3[%mul3A_2, %dma_wait3A_49] : memref<64x128xi32, #tpu.memory_space<hbm>> -> memref<2x128xi32, #tpu.memory_space<hbm>>
      tpu.wait_dma2 semaphore(%run_scoped3A : memref<!tpu.dma_semaphore, #tpu.memory_space<semaphore_mem>>) src(%dma_wait3A_50 : memref<2x128xi32, #tpu.memory_space<hbm>>) dst(%arg5 : memref<2x128xi32, #tpu.memory_space<vmem>>)
      tpu.yield
    }) : () -> ()
    %dma_start3A = arith.constant 0 : i32
    %dma_start3A_3 = arith.constant 0 : i32
    %dma_start3A_4 = arith.constant 0 : i32
    %dma_start3A_5 = tpu.memref_slice %arg6[%dma_start3A_3, %dma_start3A_4] : memref<256x32xf32, #tpu.memory_space<vmem>> -> memref<128x32xf32, #tpu.memory_space<vmem>>
    %dma_start3A_6 = arith.constant 0 : i32
    %dma_start3A_7 = tpu.memref_slice %arg5[%dma_start3A, %dma_start3A_6] : memref<2x128xi32, #tpu.memory_space<vmem>> -> memref<1x128xi32, #tpu.memory_space<vmem>>
    %dma_start3A_8 = tpu.memref_squeeze %dma_start3A_7 : memref<1x128xi32, #tpu.memory_space<vmem>> -> memref<128xi32, #tpu.memory_space<vmem>>
    %dma_start3A_9 = arith.constant 0 : i32
    %dma_start3A_10 = arith.constant 0 : i32
    %dma_start3A_11 = tpu.memref_slice %arg2[%dma_start3A_9, %dma_start3A_10] : memref<65536x32xf32, #tpu.memory_space<hbm>> -> memref<65536x32xf32, #tpu.memory_space<hbm>>
    tpu.enqueue_indirect_dma source(%dma_start3A_11 : memref<65536x32xf32, #tpu.memory_space<hbm>>) target(%dma_start3A_5 : memref<128x32xf32, #tpu.memory_space<vmem>>) offsets(%dma_start3A_8 : memref<128xi32, #tpu.memory_space<vmem>>) semaphore(%arg7 : memref<!tpu.dma_semaphore, #tpu.memory_space<semaphore_mem>>)
    %dma_start3A_12 = arith.constant 1 : i32
    %dma_start3A_13 = arith.constant 128 : i32
    %dma_start3A_14 = arith.constant 0 : i32
    %dma_start3A_15 = tpu.memref_slice %arg6[%dma_start3A_13, %dma_start3A_14] : memref<256x32xf32, #tpu.memory_space<vmem>> -> memref<128x32xf32, #tpu.memory_space<vmem>>
    %dma_start3A_16 = arith.constant 0 : i32
    %dma_start3A_17 = tpu.memref_slice %arg5[%dma_start3A_12, %dma_start3A_16] : memref<2x128xi32, #tpu.memory_space<vmem>> -> memref<1x128xi32, #tpu.memory_space<vmem>>
    %dma_start3A_18 = tpu.memref_squeeze %dma_start3A_17 : memref<1x128xi32, #tpu.memory_space<vmem>> -> memref<128xi32, #tpu.memory_space<vmem>>
    %dma_start3A_19 = arith.constant 0 : i32
    %dma_start3A_20 = arith.constant 0 : i32
    %dma_start3A_21 = tpu.memref_slice %arg2[%dma_start3A_19, %dma_start3A_20] : memref<65536x32xf32, #tpu.memory_space<hbm>> -> memref<65536x32xf32, #tpu.memory_space<hbm>>
    tpu.enqueue_indirect_dma source(%dma_start3A_21 : memref<65536x32xf32, #tpu.memory_space<hbm>>) target(%dma_start3A_15 : memref<128x32xf32, #tpu.memory_space<vmem>>) offsets(%dma_start3A_18 : memref<128xi32, #tpu.memory_space<vmem>>) semaphore(%arg7 : memref<!tpu.dma_semaphore, #tpu.memory_space<semaphore_mem>>)
    %dma_wait3A = arith.constant 0 : i32
    %dma_wait3A_22 = arith.constant 0 : i32
    %dma_wait3A_23 = arith.constant 0 : i32
    %dma_wait3A_24 = tpu.memref_slice %arg6[%dma_wait3A_22, %dma_wait3A_23] : memref<256x32xf32, #tpu.memory_space<vmem>> -> memref<128x32xf32, #tpu.memory_space<vmem>>
    %dma_wait3A_25 = arith.constant 0 : i32
    %dma_wait3A_26 = tpu.memref_slice %arg5[%dma_wait3A, %dma_wait3A_25] : memref<2x128xi32, #tpu.memory_space<vmem>> -> memref<1x128xi32, #tpu.memory_space<vmem>>
    %dma_wait3A_27 = tpu.memref_squeeze %dma_wait3A_26 : memref<1x128xi32, #tpu.memory_space<vmem>> -> memref<128xi32, #tpu.memory_space<vmem>>
    %dma_wait3A_28 = arith.constant 0 : i32
    %dma_wait3A_29 = arith.constant 0 : i32
    %dma_wait3A_30 = tpu.memref_slice %arg2[%dma_wait3A_28, %dma_wait3A_29] : memref<65536x32xf32, #tpu.memory_space<hbm>> -> memref<65536x32xf32, #tpu.memory_space<hbm>>
    tpu.wait_indirect_dma semaphore(%arg7 : memref<!tpu.dma_semaphore, #tpu.memory_space<semaphore_mem>>) src(%dma_wait3A_30 : memref<65536x32xf32, #tpu.memory_space<hbm>>) dst(%dma_wait3A_24 : memref<128x32xf32, #tpu.memory_space<vmem>>)
    %dma_wait3A_31 = arith.constant 1 : i32
    %dma_wait3A_32 = arith.constant 128 : i32
    %dma_wait3A_33 = arith.constant 0 : i32
    %dma_wait3A_34 = tpu.memref_slice %arg6[%dma_wait3A_32, %dma_wait3A_33] : memref<256x32xf32, #tpu.memory_space<vmem>> -> memref<128x32xf32, #tpu.memory_space<vmem>>
    %dma_wait3A_35 = arith.constant 0 : i32
    %dma_wait3A_36 = tpu.memref_slice %arg5[%dma_wait3A_31, %dma_wait3A_35] : memref<2x128xi32, #tpu.memory_space<vmem>> -> memref<1x128xi32, #tpu.memory_space<vmem>>
    %dma_wait3A_37 = tpu.memref_squeeze %dma_wait3A_36 : memref<1x128xi32, #tpu.memory_space<vmem>> -> memref<128xi32, #tpu.memory_space<vmem>>
    %dma_wait3A_38 = arith.constant 0 : i32
    %dma_wait3A_39 = arith.constant 0 : i32
    %dma_wait3A_40 = tpu.memref_slice %arg2[%dma_wait3A_38, %dma_wait3A_39] : memref<65536x32xf32, #tpu.memory_space<hbm>> -> memref<65536x32xf32, #tpu.memory_space<hbm>>
    tpu.wait_indirect_dma semaphore(%arg7 : memref<!tpu.dma_semaphore, #tpu.memory_space<semaphore_mem>>) src(%dma_wait3A_40 : memref<65536x32xf32, #tpu.memory_space<hbm>>) dst(%dma_wait3A_34 : memref<128x32xf32, #tpu.memory_space<vmem>>)
    %mul3A_41 = arith.constant 256 : i32
    %mul3A_42 = arith.muli %add3A, %mul3A_41 : i32
    "tpu.region"() ({
      %run_scoped3A = tpu.sem_alloc : memref<!tpu.dma_semaphore, #tpu.memory_space<semaphore_mem>>
      %dma_start3A_43 = arith.constant 0 : i32
      %dma_start3A_44 = tpu.memref_slice %arg4[%mul3A_42, %dma_start3A_43] : memref<8192x32xf32, #tpu.memory_space<hbm>> -> memref<256x32xf32, #tpu.memory_space<hbm>>
      %dma_start3A_45 = arith.constant 0 : i32
      %dma_start3A_46 = tpu.memref_slice %arg4[%mul3A_42, %dma_start3A_45] : memref<8192x32xf32, #tpu.memory_space<hbm>> -> memref<256x32xf32, #tpu.memory_space<hbm>>
      tpu.enqueue_dma source(%arg6 : memref<256x32xf32, #tpu.memory_space<vmem>>) target(%dma_start3A_46 : memref<256x32xf32, #tpu.memory_space<hbm>>) target_semaphore(%run_scoped3A : memref<!tpu.dma_semaphore, #tpu.memory_space<semaphore_mem>>)
      %dma_wait3A_47 = arith.constant 0 : i32
      %dma_wait3A_48 = tpu.memref_slice %arg4[%mul3A_42, %dma_wait3A_47] : memref<8192x32xf32, #tpu.memory_space<hbm>> -> memref<256x32xf32, #tpu.memory_space<hbm>>
      %dma_wait3A_49 = arith.constant 0 : i32
      %dma_wait3A_50 = tpu.memref_slice %arg4[%mul3A_42, %dma_wait3A_49] : memref<8192x32xf32, #tpu.memory_space<hbm>> -> memref<256x32xf32, #tpu.memory_space<hbm>>
      tpu.wait_dma2 semaphore(%run_scoped3A : memref<!tpu.dma_semaphore, #tpu.memory_space<semaphore_mem>>) src(%arg6 : memref<256x32xf32, #tpu.memory_space<vmem>>) dst(%dma_wait3A_50 : memref<256x32xf32, #tpu.memory_space<hbm>>)
      tpu.yield
    }) : () -> ()
    return
  }
}

module attributes {stable_mosaic.version = 14 : i64} {
  func.func @_argmin_body(%arg0: i32, %arg1: i32, %arg2: memref<1x1024x32xf32, #tpu.memory_space<vmem>>, %arg3: memref<1x32x8192xf32, #tpu.memory_space<vmem>>, %arg4: memref<1x1x1024xi32, #tpu.memory_space<vmem>>, %arg5: memref<1x8192x32xf32, #tpu.memory_space<vmem>>, %arg6: memref<128x8192xf32, #tpu.memory_space<vmem>>) attributes {dimension_semantics = [#tpu.dimension_semantics<parallel>, #tpu.dimension_semantics<arbitrary>], iteration_bounds = array<i64: 8, 1>, scalar_prefetch = 0 : i64, scratch_operands = 1 : i64, tpu.core_type = #tpu.core_type<tc>, window_params = [{transform_indices = @transform_0, window_bounds = array<i64: 1, 1024, 32>}, {transform_indices = @transform_1, window_bounds = array<i64: 1, 32, 8192>}, {transform_indices = @transform_2, window_bounds = array<i64: 1, 1, 1024>}, {transform_indices = @transform_3, window_bounds = array<i64: 1, 8192, 32>}]} {
    %get3A = arith.constant 0 : index
    %get3A_0 = arith.constant 0 : index
    %get3A_1 = arith.constant 0 : index
    %get3A_2 = vector.load %arg2[%get3A, %get3A_0, %get3A_1] : memref<1x1024x32xf32, #tpu.memory_space<vmem>>, vector<1x1024x32xf32>
    %get3A_3 = vector.shape_cast %get3A_2 : vector<1x1024x32xf32> to vector<1024x32xf32>
    %get3A_4 = arith.constant 0 : index
    %get3A_5 = arith.constant 0 : index
    %get3A_6 = arith.constant 0 : index
    %get3A_7 = vector.load %arg3[%get3A_4, %get3A_5, %get3A_6] : memref<1x32x8192xf32, #tpu.memory_space<vmem>>, vector<1x32x8192xf32>
    %get3A_8 = vector.shape_cast %get3A_7 : vector<1x32x8192xf32> to vector<32x8192xf32>
    %mul3A = arith.constant 8192 : i32
    %mul3A_9 = arith.muli %arg1, %mul3A : i32
    %get3A_10 = arith.constant 0 : index
    %get3A_11 = arith.constant 0 : index
    %get3A_12 = arith.index_cast %mul3A_9 : i32 to index
    %get3A_13 = vector.load %arg3[%get3A_10, %get3A_11, %get3A_12] : memref<1x32x8192xf32, #tpu.memory_space<vmem>>, vector<1x32x8192xf32>
    %get3A_14 = vector.shape_cast %get3A_13 : vector<1x32x8192xf32> to vector<32x8192xf32>
    %transpose3A = tpu.transpose %get3A_14, [1, 0] : vector<32x8192xf32> -> vector<8192x32xf32>
    %swap3A = arith.constant 0 : index
    %swap3A_15 = arith.constant 0 : index
    %swap3A_16 = arith.constant 0 : index
    %swap3A_17 = vector.load %arg5[%swap3A, %swap3A_15, %swap3A_16] : memref<1x8192x32xf32, #tpu.memory_space<vmem>>, vector<1x8192x32xf32>
    %swap3A_18 = vector.shape_cast %swap3A_17 : vector<1x8192x32xf32> to vector<8192x32xf32>
    %swap3A_19 = vector.shape_cast %transpose3A : vector<8192x32xf32> to vector<1x8192x32xf32>
    tpu.vector_store %arg5[%swap3A, %swap3A_15, %swap3A_16], %swap3A_19 {strides = array<i32>} : memref<1x8192x32xf32, #tpu.memory_space<vmem>>, vector<1x8192x32xf32>,
    %eq3A = arith.constant 0 : i32
    %eq3A_20 = arith.cmpi eq, %arg1, %eq3A : i32
    %convert_element_type3A = arith.extui %eq3A_20 : i1 to i32
    %cond3A = arith.constant 0 : i32
    %cond3A_21 = arith.cmpi ne, %convert_element_type3A, %cond3A : i32
    scf.if %cond3A_21 {
      %mul3A_2988 = arith.mulf %get3A_8, %get3A_8 : vector<32x8192xf32>
      %reduce_sum3A_2989 = arith.constant dense<0.000000e+00> : vector<8192xf32>
      %reduce_sum3A_2990 = vector.multi_reduction <add>, %mul3A_2988, %reduce_sum3A_2989 [0] : vector<32x8192xf32> to vector<8192xf32>
      %broadcast_in_dim3A_2991 = vector.shape_cast %reduce_sum3A_2990 : vector<8192xf32> to vector<1x8192xf32>
      %broadcast_in_dim3A_2992 = vector.shape_cast %broadcast_in_dim3A_2991 : vector<1x8192xf32> to vector<1x8192xf32>
      %broadcast_in_dim3A_2993 = vector.broadcast %broadcast_in_dim3A_2992 : vector<1x8192xf32> to vector<128x8192xf32>
      %swap3A_2994 = arith.constant 0 : index
      %swap3A_2995 = arith.constant 0 : index
      %swap3A_2996 = vector.load %arg6[%swap3A_2994, %swap3A_2995] : memref<128x8192xf32, #tpu.memory_space<vmem>>, vector<128x8192xf32>
      tpu.vector_store %arg6[%swap3A_2994, %swap3A_2995], %broadcast_in_dim3A_2993 {strides = array<i32>} : memref<128x8192xf32, #tpu.memory_space<vmem>>, vector<128x8192xf32>,
    } else {
    }
    %add3A = arith.addf %get3A_3, %get3A_3 : vector<1024x32xf32>
    %mul3A_22 = arith.mulf %get3A_3, %get3A_3 : vector<1024x32xf32>
    %reduce_sum3A = arith.constant dense<0.000000e+00> : vector<1024xf32>
    %reduce_sum3A_23 = vector.multi_reduction <add>, %mul3A_22, %reduce_sum3A [1] : vector<1024x32xf32> to vector<1024xf32>
    %broadcast_in_dim3A = vector.shape_cast %reduce_sum3A_23 : vector<1024xf32> to vector<1024x1xf32>
    %iota3A = tpu.iota {dimensions = array<i32: 1>} : vector<128x256xi32>
    %slice3A = vector.extract_strided_slice %add3A {offsets = [0, 0], sizes = [128, 32], strides = [1, 1]} : vector<1024x32xf32> to vector<128x32xf32>
    %dot_general3A = arith.constant dense<0.000000e+00> : vector<128x8192xf32>
    %dot_general3A_24 = tpu.matmul %slice3A, %get3A_8, %dot_general3A {dimension_numbers = #tpu.dot_dimension_numbers<[1], [0], [0], [1], [0, 0, 1, 1], [], []>, transpose_lhs_hint = false} : vector<128x32xf32>, vector<32x8192xf32>, vector<128x8192xf32> -> vector<128x8192xf32>
    %slice3A_25 = vector.extract_strided_slice %broadcast_in_dim3A {offsets = [0, 0], sizes = [128, 1], strides = [1, 1]} : vector<1024x1xf32> to vector<128x1xf32>
    %broadcast_in_dim3A_26 = vector.shape_cast %slice3A_25 : vector<128x1xf32> to vector<128x1xf32>
    %broadcast_in_dim3A_27 = vector.broadcast %broadcast_in_dim3A_26 : vector<128x1xf32> to vector<128x256xf32>
    %slice3A_28 = vector.extract_strided_slice %dot_general3A_24 {offsets = [0, 0], sizes = [128, 256], strides = [1, 1]} : vector<128x8192xf32> to vector<128x256xf32>
    %sub3A = arith.subf %broadcast_in_dim3A_27, %slice3A_28 : vector<128x256xf32>
    %get3A_29 = arith.constant 0 : index
    %get3A_30 = arith.constant 0 : index
    %get3A_31 = vector.load %arg6[%get3A_29, %get3A_30] : memref<128x8192xf32, #tpu.memory_space<vmem>>, vector<128x256xf32>
    %add3A_32 = arith.addf %sub3A, %get3A_31 : vector<128x256xf32>
    %broadcast_in_dim3A_33 = arith.constant 0 : i32
    %broadcast_in_dim3A_34 = vector.broadcast %broadcast_in_dim3A_33 : i32 to vector<128x256xi32>
    %slice3A_35 = vector.extract_strided_slice %dot_general3A_24 {offsets = [0, 256], sizes = [128, 256], strides = [1, 1]} : vector<128x8192xf32> to vector<128x256xf32>
    %sub3A_36 = arith.subf %broadcast_in_dim3A_27, %slice3A_35 : vector<128x256xf32>
    %get3A_37 = arith.constant 0 : index
    %get3A_38 = arith.constant 256 : index
    %get3A_39 = vector.load %arg6[%get3A_37, %get3A_38] : memref<128x8192xf32, #tpu.memory_space<vmem>>, vector<128x256xf32>
    %add3A_40 = arith.addf %sub3A_36, %get3A_39 : vector<128x256xf32>
    %lt3A = arith.cmpf olt, %add3A_40, %add3A_32 : vector<128x256xf32>
    %select_n3A = arith.select %lt3A, %add3A_40, %add3A_32 : vector<128x256xi1>, vector<128x256xf32>
    %jit3A = arith.constant 1 : i32
    %broadcast_in_dim3A_41 = vector.broadcast %jit3A : i32 to vector<128x256xi32>
    %select_n3A_42 = arith.select %lt3A, %broadcast_in_dim3A_41, %broadcast_in_dim3A_34 : vector<128x256xi1>, vector<128x256xi32>
    %slice3A_43 = vector.extract_strided_slice %dot_general3A_24 {offsets = [0, 512], sizes = [128, 256], strides = [1, 1]} : vector<128x8192xf32> to vector<128x256xf32>
    %sub3A_44 = arith.subf %broadcast_in_dim3A_27, %slice3A_43 : vector<128x256xf32>
    %get3A_45 = arith.constant 0 : index
    %get3A_46 = arith.constant 512 : index
    %get3A_47 = vector.load %arg6[%get3A_45, %get3A_46] : memref<128x8192xf32, #tpu.memory_space<vmem>>, vector<128x256xf32>
    %add3A_48 = arith.addf %sub3A_44, %get3A_47 : vector<128x256xf32>
    %lt3A_49 = arith.cmpf olt, %add3A_48, %select_n3A : vector<128x256xf32>
    %select_n3A_50 = arith.select %lt3A_49, %add3A_48, %select_n3A : vector<128x256xi1>, vector<128x256xf32>
    %jit3A_51 = arith.constant 2 : i32
    %broadcast_in_dim3A_52 = vector.broadcast %jit3A_51 : i32 to vector<128x256xi32>
    %select_n3A_53 = arith.select %lt3A_49, %broadcast_in_dim3A_52, %select_n3A_42 : vector<128x256xi1>, vector<128x256xi32>
    %slice3A_54 = vector.extract_strided_slice %dot_general3A_24 {offsets = [0, 768], sizes = [128, 256], strides = [1, 1]} : vector<128x8192xf32> to vector<128x256xf32>
    %sub3A_55 = arith.subf %broadcast_in_dim3A_27, %slice3A_54 : vector<128x256xf32>
    %get3A_56 = arith.constant 0 : index
    %get3A_57 = arith.constant 768 : index
    %get3A_58 = vector.load %arg6[%get3A_56, %get3A_57] : memref<128x8192xf32, #tpu.memory_space<vmem>>, vector<128x256xf32>
    %add3A_59 = arith.addf %sub3A_55, %get3A_58 : vector<128x256xf32>
    %lt3A_60 = arith.cmpf olt, %add3A_59, %select_n3A_50 : vector<128x256xf32>
    %select_n3A_61 = arith.select %lt3A_60, %add3A_59, %select_n3A_50 : vector<128x256xi1>, vector<128x256xf32>
    %jit3A_62 = arith.constant 3 : i32
    %broadcast_in_dim3A_63 = vector.broadcast %jit3A_62 : i32 to vector<128x256xi32>
    %select_n3A_64 = arith.select %lt3A_60, %broadcast_in_dim3A_63, %select_n3A_53 : vector<128x256xi1>, vector<128x256xi32>
    %slice3A_65 = vector.extract_strided_slice %dot_general3A_24 {offsets = [0, 1024], sizes = [128, 256], strides = [1, 1]} : vector<128x8192xf32> to vector<128x256xf32>
    %sub3A_66 = arith.subf %broadcast_in_dim3A_27, %slice3A_65 : vector<128x256xf32>
    %get3A_67 = arith.constant 0 : index
    %get3A_68 = arith.constant 1024 : index
    %get3A_69 = vector.load %arg6[%get3A_67, %get3A_68] : memref<128x8192xf32, #tpu.memory_space<vmem>>, vector<128x256xf32>
    %add3A_70 = arith.addf %sub3A_66, %get3A_69 : vector<128x256xf32>
    %lt3A_71 = arith.cmpf olt, %add3A_70, %select_n3A_61 : vector<128x256xf32>
    %select_n3A_72 = arith.select %lt3A_71, %add3A_70, %select_n3A_61 : vector<128x256xi1>, vector<128x256xf32>
    %jit3A_73 = arith.constant 4 : i32
    %broadcast_in_dim3A_74 = vector.broadcast %jit3A_73 : i32 to vector<128x256xi32>
    %select_n3A_75 = arith.select %lt3A_71, %broadcast_in_dim3A_74, %select_n3A_64 : vector<128x256xi1>, vector<128x256xi32>
    %slice3A_76 = vector.extract_strided_slice %dot_general3A_24 {offsets = [0, 1280], sizes = [128, 256], strides = [1, 1]} : vector<128x8192xf32> to vector<128x256xf32>
    %sub3A_77 = arith.subf %broadcast_in_dim3A_27, %slice3A_76 : vector<128x256xf32>
    %get3A_78 = arith.constant 0 : index
    %get3A_79 = arith.constant 1280 : index
    %get3A_80 = vector.load %arg6[%get3A_78, %get3A_79] : memref<128x8192xf32, #tpu.memory_space<vmem>>, vector<128x256xf32>
    %add3A_81 = arith.addf %sub3A_77, %get3A_80 : vector<128x256xf32>
    %lt3A_82 = arith.cmpf olt, %add3A_81, %select_n3A_72 : vector<128x256xf32>
    %select_n3A_83 = arith.select %lt3A_82, %add3A_81, %select_n3A_72 : vector<128x256xi1>, vector<128x256xf32>
    %jit3A_84 = arith.constant 5 : i32
    %broadcast_in_dim3A_85 = vector.broadcast %jit3A_84 : i32 to vector<128x256xi32>
    %select_n3A_86 = arith.select %lt3A_82, %broadcast_in_dim3A_85, %select_n3A_75 : vector<128x256xi1>, vector<128x256xi32>
    %slice3A_87 = vector.extract_strided_slice %dot_general3A_24 {offsets = [0, 1536], sizes = [128, 256], strides = [1, 1]} : vector<128x8192xf32> to vector<128x256xf32>
    %sub3A_88 = arith.subf %broadcast_in_dim3A_27, %slice3A_87 : vector<128x256xf32>
    %get3A_89 = arith.constant 0 : index
    %get3A_90 = arith.constant 1536 : index
    %get3A_91 = vector.load %arg6[%get3A_89, %get3A_90] : memref<128x8192xf32, #tpu.memory_space<vmem>>, vector<128x256xf32>
    %add3A_92 = arith.addf %sub3A_88, %get3A_91 : vector<128x256xf32>
    %lt3A_93 = arith.cmpf olt, %add3A_92, %select_n3A_83 : vector<128x256xf32>
    %select_n3A_94 = arith.select %lt3A_93, %add3A_92, %select_n3A_83 : vector<128x256xi1>, vector<128x256xf32>
    %jit3A_95 = arith.constant 6 : i32
    %broadcast_in_dim3A_96 = vector.broadcast %jit3A_95 : i32 to vector<128x256xi32>
    %select_n3A_97 = arith.select %lt3A_93, %broadcast_in_dim3A_96, %select_n3A_86 : vector<128x256xi1>, vector<128x256xi32>
    %slice3A_98 = vector.extract_strided_slice %dot_general3A_24 {offsets = [0, 1792], sizes = [128, 256], strides = [1, 1]} : vector<128x8192xf32> to vector<128x256xf32>
    %sub3A_99 = arith.subf %broadcast_in_dim3A_27, %slice3A_98 : vector<128x256xf32>
    %get3A_100 = arith.constant 0 : index
    %get3A_101 = arith.constant 1792 : index
    %get3A_102 = vector.load %arg6[%get3A_100, %get3A_101] : memref<128x8192xf32, #tpu.memory_space<vmem>>, vector<128x256xf32>
    %add3A_103 = arith.addf %sub3A_99, %get3A_102 : vector<128x256xf32>
    %lt3A_104 = arith.cmpf olt, %add3A_103, %select_n3A_94 : vector<128x256xf32>
    %select_n3A_105 = arith.select %lt3A_104, %add3A_103, %select_n3A_94 : vector<128x256xi1>, vector<128x256xf32>
    %jit3A_106 = arith.constant 7 : i32
    %broadcast_in_dim3A_107 = vector.broadcast %jit3A_106 : i32 to vector<128x256xi32>
    %select_n3A_108 = arith.select %lt3A_104, %broadcast_in_dim3A_107, %select_n3A_97 : vector<128x256xi1>, vector<128x256xi32>
    %slice3A_109 = vector.extract_strided_slice %dot_general3A_24 {offsets = [0, 2048], sizes = [128, 256], strides = [1, 1]} : vector<128x8192xf32> to vector<128x256xf32>
    %sub3A_110 = arith.subf %broadcast_in_dim3A_27, %slice3A_109 : vector<128x256xf32>
    %get3A_111 = arith.constant 0 : index
    %get3A_112 = arith.constant 2048 : index
    %get3A_113 = vector.load %arg6[%get3A_111, %get3A_112] : memref<128x8192xf32, #tpu.memory_space<vmem>>, vector<128x256xf32>
    %add3A_114 = arith.addf %sub3A_110, %get3A_113 : vector<128x256xf32>
    %lt3A_115 = arith.cmpf olt, %add3A_114, %select_n3A_105 : vector<128x256xf32>
    %select_n3A_116 = arith.select %lt3A_115, %add3A_114, %select_n3A_105 : vector<128x256xi1>, vector<128x256xf32>
    %jit3A_117 = arith.constant 8 : i32
    %broadcast_in_dim3A_118 = vector.broadcast %jit3A_117 : i32 to vector<128x256xi32>
    %select_n3A_119 = arith.select %lt3A_115, %broadcast_in_dim3A_118, %select_n3A_108 : vector<128x256xi1>, vector<128x256xi32>
    %slice3A_120 = vector.extract_strided_slice %dot_general3A_24 {offsets = [0, 2304], sizes = [128, 256], strides = [1, 1]} : vector<128x8192xf32> to vector<128x256xf32>
    %sub3A_121 = arith.subf %broadcast_in_dim3A_27, %slice3A_120 : vector<128x256xf32>
    %get3A_122 = arith.constant 0 : index
    %get3A_123 = arith.constant 2304 : index
    %get3A_124 = vector.load %arg6[%get3A_122, %get3A_123] : memref<128x8192xf32, #tpu.memory_space<vmem>>, vector<128x256xf32>
    %add3A_125 = arith.addf %sub3A_121, %get3A_124 : vector<128x256xf32>
    %lt3A_126 = arith.cmpf olt, %add3A_125, %select_n3A_116 : vector<128x256xf32>
    %select_n3A_127 = arith.select %lt3A_126, %add3A_125, %select_n3A_116 : vector<128x256xi1>, vector<128x256xf32>
    %jit3A_128 = arith.constant 9 : i32
    %broadcast_in_dim3A_129 = vector.broadcast %jit3A_128 : i32 to vector<128x256xi32>
    %select_n3A_130 = arith.select %lt3A_126, %broadcast_in_dim3A_129, %select_n3A_119 : vector<128x256xi1>, vector<128x256xi32>
    %slice3A_131 = vector.extract_strided_slice %dot_general3A_24 {offsets = [0, 2560], sizes = [128, 256], strides = [1, 1]} : vector<128x8192xf32> to vector<128x256xf32>
    %sub3A_132 = arith.subf %broadcast_in_dim3A_27, %slice3A_131 : vector<128x256xf32>
    %get3A_133 = arith.constant 0 : index
    %get3A_134 = arith.constant 2560 : index
    %get3A_135 = vector.load %arg6[%get3A_133, %get3A_134] : memref<128x8192xf32, #tpu.memory_space<vmem>>, vector<128x256xf32>
    %add3A_136 = arith.addf %sub3A_132, %get3A_135 : vector<128x256xf32>
    %lt3A_137 = arith.cmpf olt, %add3A_136, %select_n3A_127 : vector<128x256xf32>
    %select_n3A_138 = arith.select %lt3A_137, %add3A_136, %select_n3A_127 : vector<128x256xi1>, vector<128x256xf32>
    %jit3A_139 = arith.constant 10 : i32
    %broadcast_in_dim3A_140 = vector.broadcast %jit3A_139 : i32 to vector<128x256xi32>
    %select_n3A_141 = arith.select %lt3A_137, %broadcast_in_dim3A_140, %select_n3A_130 : vector<128x256xi1>, vector<128x256xi32>
    %slice3A_142 = vector.extract_strided_slice %dot_general3A_24 {offsets = [0, 2816], sizes = [128, 256], strides = [1, 1]} : vector<128x8192xf32> to vector<128x256xf32>
    %sub3A_143 = arith.subf %broadcast_in_dim3A_27, %slice3A_142 : vector<128x256xf32>
    %get3A_144 = arith.constant 0 : index
    %get3A_145 = arith.constant 2816 : index
    %get3A_146 = vector.load %arg6[%get3A_144, %get3A_145] : memref<128x8192xf32, #tpu.memory_space<vmem>>, vector<128x256xf32>
    %add3A_147 = arith.addf %sub3A_143, %get3A_146 : vector<128x256xf32>
    %lt3A_148 = arith.cmpf olt, %add3A_147, %select_n3A_138 : vector<128x256xf32>
    %select_n3A_149 = arith.select %lt3A_148, %add3A_147, %select_n3A_138 : vector<128x256xi1>, vector<128x256xf32>
    %jit3A_150 = arith.constant 11 : i32
    %broadcast_in_dim3A_151 = vector.broadcast %jit3A_150 : i32 to vector<128x256xi32>
    %select_n3A_152 = arith.select %lt3A_148, %broadcast_in_dim3A_151, %select_n3A_141 : vector<128x256xi1>, vector<128x256xi32>
    %slice3A_153 = vector.extract_strided_slice %dot_general3A_24 {offsets = [0, 3072], sizes = [128, 256], strides = [1, 1]} : vector<128x8192xf32> to vector<128x256xf32>
    %sub3A_154 = arith.subf %broadcast_in_dim3A_27, %slice3A_153 : vector<128x256xf32>
    %get3A_155 = arith.constant 0 : index
    %get3A_156 = arith.constant 3072 : index
    %get3A_157 = vector.load %arg6[%get3A_155, %get3A_156] : memref<128x8192xf32, #tpu.memory_space<vmem>>, vector<128x256xf32>
    %add3A_158 = arith.addf %sub3A_154, %get3A_157 : vector<128x256xf32>
    %lt3A_159 = arith.cmpf olt, %add3A_158, %select_n3A_149 : vector<128x256xf32>
    %select_n3A_160 = arith.select %lt3A_159, %add3A_158, %select_n3A_149 : vector<128x256xi1>, vector<128x256xf32>
    %jit3A_161 = arith.constant 12 : i32
    %broadcast_in_dim3A_162 = vector.broadcast %jit3A_161 : i32 to vector<128x256xi32>
    %select_n3A_163 = arith.select %lt3A_159, %broadcast_in_dim3A_162, %select_n3A_152 : vector<128x256xi1>, vector<128x256xi32>
    %slice3A_164 = vector.extract_strided_slice %dot_general3A_24 {offsets = [0, 3328], sizes = [128, 256], strides = [1, 1]} : vector<128x8192xf32> to vector<128x256xf32>
    %sub3A_165 = arith.subf %broadcast_in_dim3A_27, %slice3A_164 : vector<128x256xf32>
    %get3A_166 = arith.constant 0 : index
    %get3A_167 = arith.constant 3328 : index
    %get3A_168 = vector.load %arg6[%get3A_166, %get3A_167] : memref<128x8192xf32, #tpu.memory_space<vmem>>, vector<128x256xf32>
    %add3A_169 = arith.addf %sub3A_165, %get3A_168 : vector<128x256xf32>
    %lt3A_170 = arith.cmpf olt, %add3A_169, %select_n3A_160 : vector<128x256xf32>
    %select_n3A_171 = arith.select %lt3A_170, %add3A_169, %select_n3A_160 : vector<128x256xi1>, vector<128x256xf32>
    %jit3A_172 = arith.constant 13 : i32
    %broadcast_in_dim3A_173 = vector.broadcast %jit3A_172 : i32 to vector<128x256xi32>
    %select_n3A_174 = arith.select %lt3A_170, %broadcast_in_dim3A_173, %select_n3A_163 : vector<128x256xi1>, vector<128x256xi32>
    %slice3A_175 = vector.extract_strided_slice %dot_general3A_24 {offsets = [0, 3584], sizes = [128, 256], strides = [1, 1]} : vector<128x8192xf32> to vector<128x256xf32>
    %sub3A_176 = arith.subf %broadcast_in_dim3A_27, %slice3A_175 : vector<128x256xf32>
    %get3A_177 = arith.constant 0 : index
    %get3A_178 = arith.constant 3584 : index
    %get3A_179 = vector.load %arg6[%get3A_177, %get3A_178] : memref<128x8192xf32, #tpu.memory_space<vmem>>, vector<128x256xf32>
    %add3A_180 = arith.addf %sub3A_176, %get3A_179 : vector<128x256xf32>
    %lt3A_181 = arith.cmpf olt, %add3A_180, %select_n3A_171 : vector<128x256xf32>
    %select_n3A_182 = arith.select %lt3A_181, %add3A_180, %select_n3A_171 : vector<128x256xi1>, vector<128x256xf32>
    %jit3A_183 = arith.constant 14 : i32
    %broadcast_in_dim3A_184 = vector.broadcast %jit3A_183 : i32 to vector<128x256xi32>
    %select_n3A_185 = arith.select %lt3A_181, %broadcast_in_dim3A_184, %select_n3A_174 : vector<128x256xi1>, vector<128x256xi32>
    %slice3A_186 = vector.extract_strided_slice %dot_general3A_24 {offsets = [0, 3840], sizes = [128, 256], strides = [1, 1]} : vector<128x8192xf32> to vector<128x256xf32>
    %sub3A_187 = arith.subf %broadcast_in_dim3A_27, %slice3A_186 : vector<128x256xf32>
    %get3A_188 = arith.constant 0 : index
    %get3A_189 = arith.constant 3840 : index
    %get3A_190 = vector.load %arg6[%get3A_188, %get3A_189] : memref<128x8192xf32, #tpu.memory_space<vmem>>, vector<128x256xf32>
    %add3A_191 = arith.addf %sub3A_187, %get3A_190 : vector<128x256xf32>
    %lt3A_192 = arith.cmpf olt, %add3A_191, %select_n3A_182 : vector<128x256xf32>
    %select_n3A_193 = arith.select %lt3A_192, %add3A_191, %select_n3A_182 : vector<128x256xi1>, vector<128x256xf32>
    %jit3A_194 = arith.constant 15 : i32
    %broadcast_in_dim3A_195 = vector.broadcast %jit3A_194 : i32 to vector<128x256xi32>
    %select_n3A_196 = arith.select %lt3A_192, %broadcast_in_dim3A_195, %select_n3A_185 : vector<128x256xi1>, vector<128x256xi32>
    %slice3A_197 = vector.extract_strided_slice %dot_general3A_24 {offsets = [0, 4096], sizes = [128, 256], strides = [1, 1]} : vector<128x8192xf32> to vector<128x256xf32>
    %sub3A_198 = arith.subf %broadcast_in_dim3A_27, %slice3A_197 : vector<128x256xf32>
    %get3A_199 = arith.constant 0 : index
    %get3A_200 = arith.constant 4096 : index
    %get3A_201 = vector.load %arg6[%get3A_199, %get3A_200] : memref<128x8192xf32, #tpu.memory_space<vmem>>, vector<128x256xf32>
    %add3A_202 = arith.addf %sub3A_198, %get3A_201 : vector<128x256xf32>
    %lt3A_203 = arith.cmpf olt, %add3A_202, %select_n3A_193 : vector<128x256xf32>
    %select_n3A_204 = arith.select %lt3A_203, %add3A_202, %select_n3A_193 : vector<128x256xi1>, vector<128x256xf32>
    %jit3A_205 = arith.constant 16 : i32
    %broadcast_in_dim3A_206 = vector.broadcast %jit3A_205 : i32 to vector<128x256xi32>
    %select_n3A_207 = arith.select %lt3A_203, %broadcast_in_dim3A_206, %select_n3A_196 : vector<128x256xi1>, vector<128x256xi32>
    %slice3A_208 = vector.extract_strided_slice %dot_general3A_24 {offsets = [0, 4352], sizes = [128, 256], strides = [1, 1]} : vector<128x8192xf32> to vector<128x256xf32>
    %sub3A_209 = arith.subf %broadcast_in_dim3A_27, %slice3A_208 : vector<128x256xf32>
    %get3A_210 = arith.constant 0 : index
    %get3A_211 = arith.constant 4352 : index
    %get3A_212 = vector.load %arg6[%get3A_210, %get3A_211] : memref<128x8192xf32, #tpu.memory_space<vmem>>, vector<128x256xf32>
    %add3A_213 = arith.addf %sub3A_209, %get3A_212 : vector<128x256xf32>
    %lt3A_214 = arith.cmpf olt, %add3A_213, %select_n3A_204 : vector<128x256xf32>
    %select_n3A_215 = arith.select %lt3A_214, %add3A_213, %select_n3A_204 : vector<128x256xi1>, vector<128x256xf32>
    %jit3A_216 = arith.constant 17 : i32
    %broadcast_in_dim3A_217 = vector.broadcast %jit3A_216 : i32 to vector<128x256xi32>
    %select_n3A_218 = arith.select %lt3A_214, %broadcast_in_dim3A_217, %select_n3A_207 : vector<128x256xi1>, vector<128x256xi32>
    %slice3A_219 = vector.extract_strided_slice %dot_general3A_24 {offsets = [0, 4608], sizes = [128, 256], strides = [1, 1]} : vector<128x8192xf32> to vector<128x256xf32>
    %sub3A_220 = arith.subf %broadcast_in_dim3A_27, %slice3A_219 : vector<128x256xf32>
    %get3A_221 = arith.constant 0 : index
    %get3A_222 = arith.constant 4608 : index
    %get3A_223 = vector.load %arg6[%get3A_221, %get3A_222] : memref<128x8192xf32, #tpu.memory_space<vmem>>, vector<128x256xf32>
    %add3A_224 = arith.addf %sub3A_220, %get3A_223 : vector<128x256xf32>
    %lt3A_225 = arith.cmpf olt, %add3A_224, %select_n3A_215 : vector<128x256xf32>
    %select_n3A_226 = arith.select %lt3A_225, %add3A_224, %select_n3A_215 : vector<128x256xi1>, vector<128x256xf32>
    %jit3A_227 = arith.constant 18 : i32
    %broadcast_in_dim3A_228 = vector.broadcast %jit3A_227 : i32 to vector<128x256xi32>
    %select_n3A_229 = arith.select %lt3A_225, %broadcast_in_dim3A_228, %select_n3A_218 : vector<128x256xi1>, vector<128x256xi32>
    %slice3A_230 = vector.extract_strided_slice %dot_general3A_24 {offsets = [0, 4864], sizes = [128, 256], strides = [1, 1]} : vector<128x8192xf32> to vector<128x256xf32>
    %sub3A_231 = arith.subf %broadcast_in_dim3A_27, %slice3A_230 : vector<128x256xf32>
    %get3A_232 = arith.constant 0 : index
    %get3A_233 = arith.constant 4864 : index
    %get3A_234 = vector.load %arg6[%get3A_232, %get3A_233] : memref<128x8192xf32, #tpu.memory_space<vmem>>, vector<128x256xf32>
    %add3A_235 = arith.addf %sub3A_231, %get3A_234 : vector<128x256xf32>
    %lt3A_236 = arith.cmpf olt, %add3A_235, %select_n3A_226 : vector<128x256xf32>
    %select_n3A_237 = arith.select %lt3A_236, %add3A_235, %select_n3A_226 : vector<128x256xi1>, vector<128x256xf32>
    %jit3A_238 = arith.constant 19 : i32
    %broadcast_in_dim3A_239 = vector.broadcast %jit3A_238 : i32 to vector<128x256xi32>
    %select_n3A_240 = arith.select %lt3A_236, %broadcast_in_dim3A_239, %select_n3A_229 : vector<128x256xi1>, vector<128x256xi32>
    %slice3A_241 = vector.extract_strided_slice %dot_general3A_24 {offsets = [0, 5120], sizes = [128, 256], strides = [1, 1]} : vector<128x8192xf32> to vector<128x256xf32>
    %sub3A_242 = arith.subf %broadcast_in_dim3A_27, %slice3A_241 : vector<128x256xf32>
    %get3A_243 = arith.constant 0 : index
    %get3A_244 = arith.constant 5120 : index
    %get3A_245 = vector.load %arg6[%get3A_243, %get3A_244] : memref<128x8192xf32, #tpu.memory_space<vmem>>, vector<128x256xf32>
    %add3A_246 = arith.addf %sub3A_242, %get3A_245 : vector<128x256xf32>
    %lt3A_247 = arith.cmpf olt, %add3A_246, %select_n3A_237 : vector<128x256xf32>
    %select_n3A_248 = arith.select %lt3A_247, %add3A_246, %select_n3A_237 : vector<128x256xi1>, vector<128x256xf32>
    %jit3A_249 = arith.constant 20 : i32
    %broadcast_in_dim3A_250 = vector.broadcast %jit3A_249 : i32 to vector<128x256xi32>
    %select_n3A_251 = arith.select %lt3A_247, %broadcast_in_dim3A_250, %select_n3A_240 : vector<128x256xi1>, vector<128x256xi32>
    %slice3A_252 = vector.extract_strided_slice %dot_general3A_24 {offsets = [0, 5376], sizes = [128, 256], strides = [1, 1]} : vector<128x8192xf32> to vector<128x256xf32>
    %sub3A_253 = arith.subf %broadcast_in_dim3A_27, %slice3A_252 : vector<128x256xf32>
    %get3A_254 = arith.constant 0 : index
    %get3A_255 = arith.constant 5376 : index
    %get3A_256 = vector.load %arg6[%get3A_254, %get3A_255] : memref<128x8192xf32, #tpu.memory_space<vmem>>, vector<128x256xf32>
    %add3A_257 = arith.addf %sub3A_253, %get3A_256 : vector<128x256xf32>
    %lt3A_258 = arith.cmpf olt, %add3A_257, %select_n3A_248 : vector<128x256xf32>
    %select_n3A_259 = arith.select %lt3A_258, %add3A_257, %select_n3A_248 : vector<128x256xi1>, vector<128x256xf32>
    %jit3A_260 = arith.constant 21 : i32
    %broadcast_in_dim3A_261 = vector.broadcast %jit3A_260 : i32 to vector<128x256xi32>
    %select_n3A_262 = arith.select %lt3A_258, %broadcast_in_dim3A_261, %select_n3A_251 : vector<128x256xi1>, vector<128x256xi32>
    %slice3A_263 = vector.extract_strided_slice %dot_general3A_24 {offsets = [0, 5632], sizes = [128, 256], strides = [1, 1]} : vector<128x8192xf32> to vector<128x256xf32>
    %sub3A_264 = arith.subf %broadcast_in_dim3A_27, %slice3A_263 : vector<128x256xf32>
    %get3A_265 = arith.constant 0 : index
    %get3A_266 = arith.constant 5632 : index
    %get3A_267 = vector.load %arg6[%get3A_265, %get3A_266] : memref<128x8192xf32, #tpu.memory_space<vmem>>, vector<128x256xf32>
    %add3A_268 = arith.addf %sub3A_264, %get3A_267 : vector<128x256xf32>
    %lt3A_269 = arith.cmpf olt, %add3A_268, %select_n3A_259 : vector<128x256xf32>
    %select_n3A_270 = arith.select %lt3A_269, %add3A_268, %select_n3A_259 : vector<128x256xi1>, vector<128x256xf32>
    %jit3A_271 = arith.constant 22 : i32
    %broadcast_in_dim3A_272 = vector.broadcast %jit3A_271 : i32 to vector<128x256xi32>
    %select_n3A_273 = arith.select %lt3A_269, %broadcast_in_dim3A_272, %select_n3A_262 : vector<128x256xi1>, vector<128x256xi32>
    %slice3A_274 = vector.extract_strided_slice %dot_general3A_24 {offsets = [0, 5888], sizes = [128, 256], strides = [1, 1]} : vector<128x8192xf32> to vector<128x256xf32>
    %sub3A_275 = arith.subf %broadcast_in_dim3A_27, %slice3A_274 : vector<128x256xf32>
    %get3A_276 = arith.constant 0 : index
    %get3A_277 = arith.constant 5888 : index
    %get3A_278 = vector.load %arg6[%get3A_276, %get3A_277] : memref<128x8192xf32, #tpu.memory_space<vmem>>, vector<128x256xf32>
    %add3A_279 = arith.addf %sub3A_275, %get3A_278 : vector<128x256xf32>
    %lt3A_280 = arith.cmpf olt, %add3A_279, %select_n3A_270 : vector<128x256xf32>
    %select_n3A_281 = arith.select %lt3A_280, %add3A_279, %select_n3A_270 : vector<128x256xi1>, vector<128x256xf32>
    %jit3A_282 = arith.constant 23 : i32
    %broadcast_in_dim3A_283 = vector.broadcast %jit3A_282 : i32 to vector<128x256xi32>
    %select_n3A_284 = arith.select %lt3A_280, %broadcast_in_dim3A_283, %select_n3A_273 : vector<128x256xi1>, vector<128x256xi32>
    %slice3A_285 = vector.extract_strided_slice %dot_general3A_24 {offsets = [0, 6144], sizes = [128, 256], strides = [1, 1]} : vector<128x8192xf32> to vector<128x256xf32>
    %sub3A_286 = arith.subf %broadcast_in_dim3A_27, %slice3A_285 : vector<128x256xf32>
    %get3A_287 = arith.constant 0 : index
    %get3A_288 = arith.constant 6144 : index
    %get3A_289 = vector.load %arg6[%get3A_287, %get3A_288] : memref<128x8192xf32, #tpu.memory_space<vmem>>, vector<128x256xf32>
    %add3A_290 = arith.addf %sub3A_286, %get3A_289 : vector<128x256xf32>
    %lt3A_291 = arith.cmpf olt, %add3A_290, %select_n3A_281 : vector<128x256xf32>
    %select_n3A_292 = arith.select %lt3A_291, %add3A_290, %select_n3A_281 : vector<128x256xi1>, vector<128x256xf32>
    %jit3A_293 = arith.constant 24 : i32
    %broadcast_in_dim3A_294 = vector.broadcast %jit3A_293 : i32 to vector<128x256xi32>
    %select_n3A_295 = arith.select %lt3A_291, %broadcast_in_dim3A_294, %select_n3A_284 : vector<128x256xi1>, vector<128x256xi32>
    %slice3A_296 = vector.extract_strided_slice %dot_general3A_24 {offsets = [0, 6400], sizes = [128, 256], strides = [1, 1]} : vector<128x8192xf32> to vector<128x256xf32>
    %sub3A_297 = arith.subf %broadcast_in_dim3A_27, %slice3A_296 : vector<128x256xf32>
    %get3A_298 = arith.constant 0 : index
    %get3A_299 = arith.constant 6400 : index
    %get3A_300 = vector.load %arg6[%get3A_298, %get3A_299] : memref<128x8192xf32, #tpu.memory_space<vmem>>, vector<128x256xf32>
    %add3A_301 = arith.addf %sub3A_297, %get3A_300 : vector<128x256xf32>
    %lt3A_302 = arith.cmpf olt, %add3A_301, %select_n3A_292 : vector<128x256xf32>
    %select_n3A_303 = arith.select %lt3A_302, %add3A_301, %select_n3A_292 : vector<128x256xi1>, vector<128x256xf32>
    %jit3A_304 = arith.constant 25 : i32
    %broadcast_in_dim3A_305 = vector.broadcast %jit3A_304 : i32 to vector<128x256xi32>
    %select_n3A_306 = arith.select %lt3A_302, %broadcast_in_dim3A_305, %select_n3A_295 : vector<128x256xi1>, vector<128x256xi32>
    %slice3A_307 = vector.extract_strided_slice %dot_general3A_24 {offsets = [0, 6656], sizes = [128, 256], strides = [1, 1]} : vector<128x8192xf32> to vector<128x256xf32>
    %sub3A_308 = arith.subf %broadcast_in_dim3A_27, %slice3A_307 : vector<128x256xf32>
    %get3A_309 = arith.constant 0 : index
    %get3A_310 = arith.constant 6656 : index
    %get3A_311 = vector.load %arg6[%get3A_309, %get3A_310] : memref<128x8192xf32, #tpu.memory_space<vmem>>, vector<128x256xf32>
    %add3A_312 = arith.addf %sub3A_308, %get3A_311 : vector<128x256xf32>
    %lt3A_313 = arith.cmpf olt, %add3A_312, %select_n3A_303 : vector<128x256xf32>
    %select_n3A_314 = arith.select %lt3A_313, %add3A_312, %select_n3A_303 : vector<128x256xi1>, vector<128x256xf32>
    %jit3A_315 = arith.constant 26 : i32
    %broadcast_in_dim3A_316 = vector.broadcast %jit3A_315 : i32 to vector<128x256xi32>
    %select_n3A_317 = arith.select %lt3A_313, %broadcast_in_dim3A_316, %select_n3A_306 : vector<128x256xi1>, vector<128x256xi32>
    %slice3A_318 = vector.extract_strided_slice %dot_general3A_24 {offsets = [0, 6912], sizes = [128, 256], strides = [1, 1]} : vector<128x8192xf32> to vector<128x256xf32>
    %sub3A_319 = arith.subf %broadcast_in_dim3A_27, %slice3A_318 : vector<128x256xf32>
    %get3A_320 = arith.constant 0 : index
    %get3A_321 = arith.constant 6912 : index
    %get3A_322 = vector.load %arg6[%get3A_320, %get3A_321] : memref<128x8192xf32, #tpu.memory_space<vmem>>, vector<128x256xf32>
    %add3A_323 = arith.addf %sub3A_319, %get3A_322 : vector<128x256xf32>
    %lt3A_324 = arith.cmpf olt, %add3A_323, %select_n3A_314 : vector<128x256xf32>
    %select_n3A_325 = arith.select %lt3A_324, %add3A_323, %select_n3A_314 : vector<128x256xi1>, vector<128x256xf32>
    %jit3A_326 = arith.constant 27 : i32
    %broadcast_in_dim3A_327 = vector.broadcast %jit3A_326 : i32 to vector<128x256xi32>
    %select_n3A_328 = arith.select %lt3A_324, %broadcast_in_dim3A_327, %select_n3A_317 : vector<128x256xi1>, vector<128x256xi32>
    %slice3A_329 = vector.extract_strided_slice %dot_general3A_24 {offsets = [0, 7168], sizes = [128, 256], strides = [1, 1]} : vector<128x8192xf32> to vector<128x256xf32>
    %sub3A_330 = arith.subf %broadcast_in_dim3A_27, %slice3A_329 : vector<128x256xf32>
    %get3A_331 = arith.constant 0 : index
    %get3A_332 = arith.constant 7168 : index
    %get3A_333 = vector.load %arg6[%get3A_331, %get3A_332] : memref<128x8192xf32, #tpu.memory_space<vmem>>, vector<128x256xf32>
    %add3A_334 = arith.addf %sub3A_330, %get3A_333 : vector<128x256xf32>
    %lt3A_335 = arith.cmpf olt, %add3A_334, %select_n3A_325 : vector<128x256xf32>
    %select_n3A_336 = arith.select %lt3A_335, %add3A_334, %select_n3A_325 : vector<128x256xi1>, vector<128x256xf32>
    %jit3A_337 = arith.constant 28 : i32
    %broadcast_in_dim3A_338 = vector.broadcast %jit3A_337 : i32 to vector<128x256xi32>
    %select_n3A_339 = arith.select %lt3A_335, %broadcast_in_dim3A_338, %select_n3A_328 : vector<128x256xi1>, vector<128x256xi32>
    %slice3A_340 = vector.extract_strided_slice %dot_general3A_24 {offsets = [0, 7424], sizes = [128, 256], strides = [1, 1]} : vector<128x8192xf32> to vector<128x256xf32>
    %sub3A_341 = arith.subf %broadcast_in_dim3A_27, %slice3A_340 : vector<128x256xf32>
    %get3A_342 = arith.constant 0 : index
    %get3A_343 = arith.constant 7424 : index
    %get3A_344 = vector.load %arg6[%get3A_342, %get3A_343] : memref<128x8192xf32, #tpu.memory_space<vmem>>, vector<128x256xf32>
    %add3A_345 = arith.addf %sub3A_341, %get3A_344 : vector<128x256xf32>
    %lt3A_346 = arith.cmpf olt, %add3A_345, %select_n3A_336 : vector<128x256xf32>
    %select_n3A_347 = arith.select %lt3A_346, %add3A_345, %select_n3A_336 : vector<128x256xi1>, vector<128x256xf32>
    %jit3A_348 = arith.constant 29 : i32
    %broadcast_in_dim3A_349 = vector.broadcast %jit3A_348 : i32 to vector<128x256xi32>
    %select_n3A_350 = arith.select %lt3A_346, %broadcast_in_dim3A_349, %select_n3A_339 : vector<128x256xi1>, vector<128x256xi32>
    %slice3A_351 = vector.extract_strided_slice %dot_general3A_24 {offsets = [0, 7680], sizes = [128, 256], strides = [1, 1]} : vector<128x8192xf32> to vector<128x256xf32>
    %sub3A_352 = arith.subf %broadcast_in_dim3A_27, %slice3A_351 : vector<128x256xf32>
    %get3A_353 = arith.constant 0 : index
    %get3A_354 = arith.constant 7680 : index
    %get3A_355 = vector.load %arg6[%get3A_353, %get3A_354] : memref<128x8192xf32, #tpu.memory_space<vmem>>, vector<128x256xf32>
    %add3A_356 = arith.addf %sub3A_352, %get3A_355 : vector<128x256xf32>
    %lt3A_357 = arith.cmpf olt, %add3A_356, %select_n3A_347 : vector<128x256xf32>
    %select_n3A_358 = arith.select %lt3A_357, %add3A_356, %select_n3A_347 : vector<128x256xi1>, vector<128x256xf32>
    %jit3A_359 = arith.constant 30 : i32
    %broadcast_in_dim3A_360 = vector.broadcast %jit3A_359 : i32 to vector<128x256xi32>
    %select_n3A_361 = arith.select %lt3A_357, %broadcast_in_dim3A_360, %select_n3A_350 : vector<128x256xi1>, vector<128x256xi32>
    %slice3A_362 = vector.extract_strided_slice %dot_general3A_24 {offsets = [0, 7936], sizes = [128, 256], strides = [1, 1]} : vector<128x8192xf32> to vector<128x256xf32>
    %sub3A_363 = arith.subf %broadcast_in_dim3A_27, %slice3A_362 : vector<128x256xf32>
    %get3A_364 = arith.constant 0 : index
    %get3A_365 = arith.constant 7936 : index
    %get3A_366 = vector.load %arg6[%get3A_364, %get3A_365] : memref<128x8192xf32, #tpu.memory_space<vmem>>, vector<128x256xf32>
    %add3A_367 = arith.addf %sub3A_363, %get3A_366 : vector<128x256xf32>
    %lt3A_368 = arith.cmpf olt, %add3A_367, %select_n3A_358 : vector<128x256xf32>
    %select_n3A_369 = arith.select %lt3A_368, %add3A_367, %select_n3A_358 : vector<128x256xi1>, vector<128x256xf32>
    %jit3A_370 = arith.constant 31 : i32
    %broadcast_in_dim3A_371 = vector.broadcast %jit3A_370 : i32 to vector<128x256xi32>
    %select_n3A_372 = arith.select %lt3A_368, %broadcast_in_dim3A_371, %select_n3A_361 : vector<128x256xi1>, vector<128x256xi32>
    %reduce_min3A = arith.constant dense<0x7F800000> : vector<128xf32>
    %reduce_min3A_373 = vector.multi_reduction <minimumf>, %select_n3A_369, %reduce_min3A [1] : vector<128x256xf32> to vector<128xf32>
    %broadcast_in_dim3A_374 = vector.shape_cast %reduce_min3A_373 : vector<128xf32> to vector<128x1xf32>
    %eq3A_375 = vector.broadcast %broadcast_in_dim3A_374 : vector<128x1xf32> to vector<128x256xf32>
    %eq3A_376 = arith.cmpf oeq, %select_n3A_369, %eq3A_375 : vector<128x256xf32>
    %mul3A_377 = arith.constant 256 : i32
    %mul3A_378 = vector.broadcast %mul3A_377 : i32 to vector<128x256xi32>
    %mul3A_379 = arith.muli %select_n3A_372, %mul3A_378 : vector<128x256xi32>
    %add3A_380 = arith.addi %mul3A_379, %iota3A : vector<128x256xi32>
    %jit3A_381 = arith.constant 16384 : i32
    %broadcast_in_dim3A_382 = vector.broadcast %jit3A_381 : i32 to vector<128x256xi32>
    %select_n3A_383 = arith.select %eq3A_376, %add3A_380, %broadcast_in_dim3A_382 : vector<128x256xi1>, vector<128x256xi32>
    %reduce_min3A_384 = arith.constant dense<2147483647> : vector<128xi32>
    %reduce_min3A_385 = vector.multi_reduction <minsi>, %select_n3A_383, %reduce_min3A_384 [1] : vector<128x256xi32> to vector<128xi32>
    %broadcast_in_dim3A_386 = vector.shape_cast %reduce_min3A_385 : vector<128xi32> to vector<128x1xi32>
    %slice3A_387 = vector.extract_strided_slice %add3A {offsets = [128, 0], sizes = [128, 32], strides = [1, 1]} : vector<1024x32xf32> to vector<128x32xf32>
    %dot_general3A_388 = arith.constant dense<0.000000e+00> : vector<128x8192xf32>
    %dot_general3A_389 = tpu.matmul %slice3A_387, %get3A_8, %dot_general3A_388 {dimension_numbers = #tpu.dot_dimension_numbers<[1], [0], [0], [1], [0, 0, 1, 1], [], []>, transpose_lhs_hint = false} : vector<128x32xf32>, vector<32x8192xf32>, vector<128x8192xf32> -> vector<128x8192xf32>
    %slice3A_390 = vector.extract_strided_slice %broadcast_in_dim3A {offsets = [128, 0], sizes = [128, 1], strides = [1, 1]} : vector<1024x1xf32> to vector<128x1xf32>
    %broadcast_in_dim3A_391 = vector.shape_cast %slice3A_390 : vector<128x1xf32> to vector<128x1xf32>
    %broadcast_in_dim3A_392 = vector.broadcast %broadcast_in_dim3A_391 : vector<128x1xf32> to vector<128x256xf32>
    %slice3A_393 = vector.extract_strided_slice %dot_general3A_389 {offsets = [0, 0], sizes = [128, 256], strides = [1, 1]} : vector<128x8192xf32> to vector<128x256xf32>
    %sub3A_394 = arith.subf %broadcast_in_dim3A_392, %slice3A_393 : vector<128x256xf32>
    %get3A_395 = arith.constant 0 : index
    %get3A_396 = arith.constant 0 : index
    %get3A_397 = vector.load %arg6[%get3A_395, %get3A_396] : memref<128x8192xf32, #tpu.memory_space<vmem>>, vector<128x256xf32>
    %add3A_398 = arith.addf %sub3A_394, %get3A_397 : vector<128x256xf32>
    %broadcast_in_dim3A_399 = arith.constant 0 : i32
    %broadcast_in_dim3A_400 = vector.broadcast %broadcast_in_dim3A_399 : i32 to vector<128x256xi32>
    %slice3A_401 = vector.extract_strided_slice %dot_general3A_389 {offsets = [0, 256], sizes = [128, 256], strides = [1, 1]} : vector<128x8192xf32> to vector<128x256xf32>
    %sub3A_402 = arith.subf %broadcast_in_dim3A_392, %slice3A_401 : vector<128x256xf32>
    %get3A_403 = arith.constant 0 : index
    %get3A_404 = arith.constant 256 : index
    %get3A_405 = vector.load %arg6[%get3A_403, %get3A_404] : memref<128x8192xf32, #tpu.memory_space<vmem>>, vector<128x256xf32>
    %add3A_406 = arith.addf %sub3A_402, %get3A_405 : vector<128x256xf32>
    %lt3A_407 = arith.cmpf olt, %add3A_406, %add3A_398 : vector<128x256xf32>
    %select_n3A_408 = arith.select %lt3A_407, %add3A_406, %add3A_398 : vector<128x256xi1>, vector<128x256xf32>
    %jit3A_409 = arith.constant 1 : i32
    %broadcast_in_dim3A_410 = vector.broadcast %jit3A_409 : i32 to vector<128x256xi32>
    %select_n3A_411 = arith.select %lt3A_407, %broadcast_in_dim3A_410, %broadcast_in_dim3A_400 : vector<128x256xi1>, vector<128x256xi32>
    %slice3A_412 = vector.extract_strided_slice %dot_general3A_389 {offsets = [0, 512], sizes = [128, 256], strides = [1, 1]} : vector<128x8192xf32> to vector<128x256xf32>
    %sub3A_413 = arith.subf %broadcast_in_dim3A_392, %slice3A_412 : vector<128x256xf32>
    %get3A_414 = arith.constant 0 : index
    %get3A_415 = arith.constant 512 : index
    %get3A_416 = vector.load %arg6[%get3A_414, %get3A_415] : memref<128x8192xf32, #tpu.memory_space<vmem>>, vector<128x256xf32>
    %add3A_417 = arith.addf %sub3A_413, %get3A_416 : vector<128x256xf32>
    %lt3A_418 = arith.cmpf olt, %add3A_417, %select_n3A_408 : vector<128x256xf32>
    %select_n3A_419 = arith.select %lt3A_418, %add3A_417, %select_n3A_408 : vector<128x256xi1>, vector<128x256xf32>
    %jit3A_420 = arith.constant 2 : i32
    %broadcast_in_dim3A_421 = vector.broadcast %jit3A_420 : i32 to vector<128x256xi32>
    %select_n3A_422 = arith.select %lt3A_418, %broadcast_in_dim3A_421, %select_n3A_411 : vector<128x256xi1>, vector<128x256xi32>
    %slice3A_423 = vector.extract_strided_slice %dot_general3A_389 {offsets = [0, 768], sizes = [128, 256], strides = [1, 1]} : vector<128x8192xf32> to vector<128x256xf32>
    %sub3A_424 = arith.subf %broadcast_in_dim3A_392, %slice3A_423 : vector<128x256xf32>
    %get3A_425 = arith.constant 0 : index
    %get3A_426 = arith.constant 768 : index
    %get3A_427 = vector.load %arg6[%get3A_425, %get3A_426] : memref<128x8192xf32, #tpu.memory_space<vmem>>, vector<128x256xf32>
    %add3A_428 = arith.addf %sub3A_424, %get3A_427 : vector<128x256xf32>
    %lt3A_429 = arith.cmpf olt, %add3A_428, %select_n3A_419 : vector<128x256xf32>
    %select_n3A_430 = arith.select %lt3A_429, %add3A_428, %select_n3A_419 : vector<128x256xi1>, vector<128x256xf32>
    %jit3A_431 = arith.constant 3 : i32
    %broadcast_in_dim3A_432 = vector.broadcast %jit3A_431 : i32 to vector<128x256xi32>
    %select_n3A_433 = arith.select %lt3A_429, %broadcast_in_dim3A_432, %select_n3A_422 : vector<128x256xi1>, vector<128x256xi32>
    %slice3A_434 = vector.extract_strided_slice %dot_general3A_389 {offsets = [0, 1024], sizes = [128, 256], strides = [1, 1]} : vector<128x8192xf32> to vector<128x256xf32>
    %sub3A_435 = arith.subf %broadcast_in_dim3A_392, %slice3A_434 : vector<128x256xf32>
    %get3A_436 = arith.constant 0 : index
    %get3A_437 = arith.constant 1024 : index
    %get3A_438 = vector.load %arg6[%get3A_436, %get3A_437] : memref<128x8192xf32, #tpu.memory_space<vmem>>, vector<128x256xf32>
    %add3A_439 = arith.addf %sub3A_435, %get3A_438 : vector<128x256xf32>
    %lt3A_440 = arith.cmpf olt, %add3A_439, %select_n3A_430 : vector<128x256xf32>
    %select_n3A_441 = arith.select %lt3A_440, %add3A_439, %select_n3A_430 : vector<128x256xi1>, vector<128x256xf32>
    %jit3A_442 = arith.constant 4 : i32
    %broadcast_in_dim3A_443 = vector.broadcast %jit3A_442 : i32 to vector<128x256xi32>
    %select_n3A_444 = arith.select %lt3A_440, %broadcast_in_dim3A_443, %select_n3A_433 : vector<128x256xi1>, vector<128x256xi32>
    %slice3A_445 = vector.extract_strided_slice %dot_general3A_389 {offsets = [0, 1280], sizes = [128, 256], strides = [1, 1]} : vector<128x8192xf32> to vector<128x256xf32>
    %sub3A_446 = arith.subf %broadcast_in_dim3A_392, %slice3A_445 : vector<128x256xf32>
    %get3A_447 = arith.constant 0 : index
    %get3A_448 = arith.constant 1280 : index
    %get3A_449 = vector.load %arg6[%get3A_447, %get3A_448] : memref<128x8192xf32, #tpu.memory_space<vmem>>, vector<128x256xf32>
    %add3A_450 = arith.addf %sub3A_446, %get3A_449 : vector<128x256xf32>
    %lt3A_451 = arith.cmpf olt, %add3A_450, %select_n3A_441 : vector<128x256xf32>
    %select_n3A_452 = arith.select %lt3A_451, %add3A_450, %select_n3A_441 : vector<128x256xi1>, vector<128x256xf32>
    %jit3A_453 = arith.constant 5 : i32
    %broadcast_in_dim3A_454 = vector.broadcast %jit3A_453 : i32 to vector<128x256xi32>
    %select_n3A_455 = arith.select %lt3A_451, %broadcast_in_dim3A_454, %select_n3A_444 : vector<128x256xi1>, vector<128x256xi32>
    %slice3A_456 = vector.extract_strided_slice %dot_general3A_389 {offsets = [0, 1536], sizes = [128, 256], strides = [1, 1]} : vector<128x8192xf32> to vector<128x256xf32>
    %sub3A_457 = arith.subf %broadcast_in_dim3A_392, %slice3A_456 : vector<128x256xf32>
    %get3A_458 = arith.constant 0 : index
    %get3A_459 = arith.constant 1536 : index
    %get3A_460 = vector.load %arg6[%get3A_458, %get3A_459] : memref<128x8192xf32, #tpu.memory_space<vmem>>, vector<128x256xf32>
    %add3A_461 = arith.addf %sub3A_457, %get3A_460 : vector<128x256xf32>
    %lt3A_462 = arith.cmpf olt, %add3A_461, %select_n3A_452 : vector<128x256xf32>
    %select_n3A_463 = arith.select %lt3A_462, %add3A_461, %select_n3A_452 : vector<128x256xi1>, vector<128x256xf32>
    %jit3A_464 = arith.constant 6 : i32
    %broadcast_in_dim3A_465 = vector.broadcast %jit3A_464 : i32 to vector<128x256xi32>
    %select_n3A_466 = arith.select %lt3A_462, %broadcast_in_dim3A_465, %select_n3A_455 : vector<128x256xi1>, vector<128x256xi32>
    %slice3A_467 = vector.extract_strided_slice %dot_general3A_389 {offsets = [0, 1792], sizes = [128, 256], strides = [1, 1]} : vector<128x8192xf32> to vector<128x256xf32>
    %sub3A_468 = arith.subf %broadcast_in_dim3A_392, %slice3A_467 : vector<128x256xf32>
    %get3A_469 = arith.constant 0 : index
    %get3A_470 = arith.constant 1792 : index
    %get3A_471 = vector.load %arg6[%get3A_469, %get3A_470] : memref<128x8192xf32, #tpu.memory_space<vmem>>, vector<128x256xf32>
    %add3A_472 = arith.addf %sub3A_468, %get3A_471 : vector<128x256xf32>
    %lt3A_473 = arith.cmpf olt, %add3A_472, %select_n3A_463 : vector<128x256xf32>
    %select_n3A_474 = arith.select %lt3A_473, %add3A_472, %select_n3A_463 : vector<128x256xi1>, vector<128x256xf32>
    %jit3A_475 = arith.constant 7 : i32
    %broadcast_in_dim3A_476 = vector.broadcast %jit3A_475 : i32 to vector<128x256xi32>
    %select_n3A_477 = arith.select %lt3A_473, %broadcast_in_dim3A_476, %select_n3A_466 : vector<128x256xi1>, vector<128x256xi32>
    %slice3A_478 = vector.extract_strided_slice %dot_general3A_389 {offsets = [0, 2048], sizes = [128, 256], strides = [1, 1]} : vector<128x8192xf32> to vector<128x256xf32>
    %sub3A_479 = arith.subf %broadcast_in_dim3A_392, %slice3A_478 : vector<128x256xf32>
    %get3A_480 = arith.constant 0 : index
    %get3A_481 = arith.constant 2048 : index
    %get3A_482 = vector.load %arg6[%get3A_480, %get3A_481] : memref<128x8192xf32, #tpu.memory_space<vmem>>, vector<128x256xf32>
    %add3A_483 = arith.addf %sub3A_479, %get3A_482 : vector<128x256xf32>
    %lt3A_484 = arith.cmpf olt, %add3A_483, %select_n3A_474 : vector<128x256xf32>
    %select_n3A_485 = arith.select %lt3A_484, %add3A_483, %select_n3A_474 : vector<128x256xi1>, vector<128x256xf32>
    %jit3A_486 = arith.constant 8 : i32
    %broadcast_in_dim3A_487 = vector.broadcast %jit3A_486 : i32 to vector<128x256xi32>
    %select_n3A_488 = arith.select %lt3A_484, %broadcast_in_dim3A_487, %select_n3A_477 : vector<128x256xi1>, vector<128x256xi32>
    %slice3A_489 = vector.extract_strided_slice %dot_general3A_389 {offsets = [0, 2304], sizes = [128, 256], strides = [1, 1]} : vector<128x8192xf32> to vector<128x256xf32>
    %sub3A_490 = arith.subf %broadcast_in_dim3A_392, %slice3A_489 : vector<128x256xf32>
    %get3A_491 = arith.constant 0 : index
    %get3A_492 = arith.constant 2304 : index
    %get3A_493 = vector.load %arg6[%get3A_491, %get3A_492] : memref<128x8192xf32, #tpu.memory_space<vmem>>, vector<128x256xf32>
    %add3A_494 = arith.addf %sub3A_490, %get3A_493 : vector<128x256xf32>
    %lt3A_495 = arith.cmpf olt, %add3A_494, %select_n3A_485 : vector<128x256xf32>
    %select_n3A_496 = arith.select %lt3A_495, %add3A_494, %select_n3A_485 : vector<128x256xi1>, vector<128x256xf32>
    %jit3A_497 = arith.constant 9 : i32
    %broadcast_in_dim3A_498 = vector.broadcast %jit3A_497 : i32 to vector<128x256xi32>
    %select_n3A_499 = arith.select %lt3A_495, %broadcast_in_dim3A_498, %select_n3A_488 : vector<128x256xi1>, vector<128x256xi32>
    %slice3A_500 = vector.extract_strided_slice %dot_general3A_389 {offsets = [0, 2560], sizes = [128, 256], strides = [1, 1]} : vector<128x8192xf32> to vector<128x256xf32>
    %sub3A_501 = arith.subf %broadcast_in_dim3A_392, %slice3A_500 : vector<128x256xf32>
    %get3A_502 = arith.constant 0 : index
    %get3A_503 = arith.constant 2560 : index
    %get3A_504 = vector.load %arg6[%get3A_502, %get3A_503] : memref<128x8192xf32, #tpu.memory_space<vmem>>, vector<128x256xf32>
    %add3A_505 = arith.addf %sub3A_501, %get3A_504 : vector<128x256xf32>
    %lt3A_506 = arith.cmpf olt, %add3A_505, %select_n3A_496 : vector<128x256xf32>
    %select_n3A_507 = arith.select %lt3A_506, %add3A_505, %select_n3A_496 : vector<128x256xi1>, vector<128x256xf32>
    %jit3A_508 = arith.constant 10 : i32
    %broadcast_in_dim3A_509 = vector.broadcast %jit3A_508 : i32 to vector<128x256xi32>
    %select_n3A_510 = arith.select %lt3A_506, %broadcast_in_dim3A_509, %select_n3A_499 : vector<128x256xi1>, vector<128x256xi32>
    %slice3A_511 = vector.extract_strided_slice %dot_general3A_389 {offsets = [0, 2816], sizes = [128, 256], strides = [1, 1]} : vector<128x8192xf32> to vector<128x256xf32>
    %sub3A_512 = arith.subf %broadcast_in_dim3A_392, %slice3A_511 : vector<128x256xf32>
    %get3A_513 = arith.constant 0 : index
    %get3A_514 = arith.constant 2816 : index
    %get3A_515 = vector.load %arg6[%get3A_513, %get3A_514] : memref<128x8192xf32, #tpu.memory_space<vmem>>, vector<128x256xf32>
    %add3A_516 = arith.addf %sub3A_512, %get3A_515 : vector<128x256xf32>
    %lt3A_517 = arith.cmpf olt, %add3A_516, %select_n3A_507 : vector<128x256xf32>
    %select_n3A_518 = arith.select %lt3A_517, %add3A_516, %select_n3A_507 : vector<128x256xi1>, vector<128x256xf32>
    %jit3A_519 = arith.constant 11 : i32
    %broadcast_in_dim3A_520 = vector.broadcast %jit3A_519 : i32 to vector<128x256xi32>
    %select_n3A_521 = arith.select %lt3A_517, %broadcast_in_dim3A_520, %select_n3A_510 : vector<128x256xi1>, vector<128x256xi32>
    %slice3A_522 = vector.extract_strided_slice %dot_general3A_389 {offsets = [0, 3072], sizes = [128, 256], strides = [1, 1]} : vector<128x8192xf32> to vector<128x256xf32>
    %sub3A_523 = arith.subf %broadcast_in_dim3A_392, %slice3A_522 : vector<128x256xf32>
    %get3A_524 = arith.constant 0 : index
    %get3A_525 = arith.constant 3072 : index
    %get3A_526 = vector.load %arg6[%get3A_524, %get3A_525] : memref<128x8192xf32, #tpu.memory_space<vmem>>, vector<128x256xf32>
    %add3A_527 = arith.addf %sub3A_523, %get3A_526 : vector<128x256xf32>
    %lt3A_528 = arith.cmpf olt, %add3A_527, %select_n3A_518 : vector<128x256xf32>
    %select_n3A_529 = arith.select %lt3A_528, %add3A_527, %select_n3A_518 : vector<128x256xi1>, vector<128x256xf32>
    %jit3A_530 = arith.constant 12 : i32
    %broadcast_in_dim3A_531 = vector.broadcast %jit3A_530 : i32 to vector<128x256xi32>
    %select_n3A_532 = arith.select %lt3A_528, %broadcast_in_dim3A_531, %select_n3A_521 : vector<128x256xi1>, vector<128x256xi32>
    %slice3A_533 = vector.extract_strided_slice %dot_general3A_389 {offsets = [0, 3328], sizes = [128, 256], strides = [1, 1]} : vector<128x8192xf32> to vector<128x256xf32>
    %sub3A_534 = arith.subf %broadcast_in_dim3A_392, %slice3A_533 : vector<128x256xf32>
    %get3A_535 = arith.constant 0 : index
    %get3A_536 = arith.constant 3328 : index
    %get3A_537 = vector.load %arg6[%get3A_535, %get3A_536] : memref<128x8192xf32, #tpu.memory_space<vmem>>, vector<128x256xf32>
    %add3A_538 = arith.addf %sub3A_534, %get3A_537 : vector<128x256xf32>
    %lt3A_539 = arith.cmpf olt, %add3A_538, %select_n3A_529 : vector<128x256xf32>
    %select_n3A_540 = arith.select %lt3A_539, %add3A_538, %select_n3A_529 : vector<128x256xi1>, vector<128x256xf32>
    %jit3A_541 = arith.constant 13 : i32
    %broadcast_in_dim3A_542 = vector.broadcast %jit3A_541 : i32 to vector<128x256xi32>
    %select_n3A_543 = arith.select %lt3A_539, %broadcast_in_dim3A_542, %select_n3A_532 : vector<128x256xi1>, vector<128x256xi32>
    %slice3A_544 = vector.extract_strided_slice %dot_general3A_389 {offsets = [0, 3584], sizes = [128, 256], strides = [1, 1]} : vector<128x8192xf32> to vector<128x256xf32>
    %sub3A_545 = arith.subf %broadcast_in_dim3A_392, %slice3A_544 : vector<128x256xf32>
    %get3A_546 = arith.constant 0 : index
    %get3A_547 = arith.constant 3584 : index
    %get3A_548 = vector.load %arg6[%get3A_546, %get3A_547] : memref<128x8192xf32, #tpu.memory_space<vmem>>, vector<128x256xf32>
    %add3A_549 = arith.addf %sub3A_545, %get3A_548 : vector<128x256xf32>
    %lt3A_550 = arith.cmpf olt, %add3A_549, %select_n3A_540 : vector<128x256xf32>
    %select_n3A_551 = arith.select %lt3A_550, %add3A_549, %select_n3A_540 : vector<128x256xi1>, vector<128x256xf32>
    %jit3A_552 = arith.constant 14 : i32
    %broadcast_in_dim3A_553 = vector.broadcast %jit3A_552 : i32 to vector<128x256xi32>
    %select_n3A_554 = arith.select %lt3A_550, %broadcast_in_dim3A_553, %select_n3A_543 : vector<128x256xi1>, vector<128x256xi32>
    %slice3A_555 = vector.extract_strided_slice %dot_general3A_389 {offsets = [0, 3840], sizes = [128, 256], strides = [1, 1]} : vector<128x8192xf32> to vector<128x256xf32>
    %sub3A_556 = arith.subf %broadcast_in_dim3A_392, %slice3A_555 : vector<128x256xf32>
    %get3A_557 = arith.constant 0 : index
    %get3A_558 = arith.constant 3840 : index
    %get3A_559 = vector.load %arg6[%get3A_557, %get3A_558] : memref<128x8192xf32, #tpu.memory_space<vmem>>, vector<128x256xf32>
    %add3A_560 = arith.addf %sub3A_556, %get3A_559 : vector<128x256xf32>
    %lt3A_561 = arith.cmpf olt, %add3A_560, %select_n3A_551 : vector<128x256xf32>
    %select_n3A_562 = arith.select %lt3A_561, %add3A_560, %select_n3A_551 : vector<128x256xi1>, vector<128x256xf32>
    %jit3A_563 = arith.constant 15 : i32
    %broadcast_in_dim3A_564 = vector.broadcast %jit3A_563 : i32 to vector<128x256xi32>
    %select_n3A_565 = arith.select %lt3A_561, %broadcast_in_dim3A_564, %select_n3A_554 : vector<128x256xi1>, vector<128x256xi32>
    %slice3A_566 = vector.extract_strided_slice %dot_general3A_389 {offsets = [0, 4096], sizes = [128, 256], strides = [1, 1]} : vector<128x8192xf32> to vector<128x256xf32>
    %sub3A_567 = arith.subf %broadcast_in_dim3A_392, %slice3A_566 : vector<128x256xf32>
    %get3A_568 = arith.constant 0 : index
    %get3A_569 = arith.constant 4096 : index
    %get3A_570 = vector.load %arg6[%get3A_568, %get3A_569] : memref<128x8192xf32, #tpu.memory_space<vmem>>, vector<128x256xf32>
    %add3A_571 = arith.addf %sub3A_567, %get3A_570 : vector<128x256xf32>
    %lt3A_572 = arith.cmpf olt, %add3A_571, %select_n3A_562 : vector<128x256xf32>
    %select_n3A_573 = arith.select %lt3A_572, %add3A_571, %select_n3A_562 : vector<128x256xi1>, vector<128x256xf32>
    %jit3A_574 = arith.constant 16 : i32
    %broadcast_in_dim3A_575 = vector.broadcast %jit3A_574 : i32 to vector<128x256xi32>
    %select_n3A_576 = arith.select %lt3A_572, %broadcast_in_dim3A_575, %select_n3A_565 : vector<128x256xi1>, vector<128x256xi32>
    %slice3A_577 = vector.extract_strided_slice %dot_general3A_389 {offsets = [0, 4352], sizes = [128, 256], strides = [1, 1]} : vector<128x8192xf32> to vector<128x256xf32>
    %sub3A_578 = arith.subf %broadcast_in_dim3A_392, %slice3A_577 : vector<128x256xf32>
    %get3A_579 = arith.constant 0 : index
    %get3A_580 = arith.constant 4352 : index
    %get3A_581 = vector.load %arg6[%get3A_579, %get3A_580] : memref<128x8192xf32, #tpu.memory_space<vmem>>, vector<128x256xf32>
    %add3A_582 = arith.addf %sub3A_578, %get3A_581 : vector<128x256xf32>
    %lt3A_583 = arith.cmpf olt, %add3A_582, %select_n3A_573 : vector<128x256xf32>
    %select_n3A_584 = arith.select %lt3A_583, %add3A_582, %select_n3A_573 : vector<128x256xi1>, vector<128x256xf32>
    %jit3A_585 = arith.constant 17 : i32
    %broadcast_in_dim3A_586 = vector.broadcast %jit3A_585 : i32 to vector<128x256xi32>
    %select_n3A_587 = arith.select %lt3A_583, %broadcast_in_dim3A_586, %select_n3A_576 : vector<128x256xi1>, vector<128x256xi32>
    %slice3A_588 = vector.extract_strided_slice %dot_general3A_389 {offsets = [0, 4608], sizes = [128, 256], strides = [1, 1]} : vector<128x8192xf32> to vector<128x256xf32>
    %sub3A_589 = arith.subf %broadcast_in_dim3A_392, %slice3A_588 : vector<128x256xf32>
    %get3A_590 = arith.constant 0 : index
    %get3A_591 = arith.constant 4608 : index
    %get3A_592 = vector.load %arg6[%get3A_590, %get3A_591] : memref<128x8192xf32, #tpu.memory_space<vmem>>, vector<128x256xf32>
    %add3A_593 = arith.addf %sub3A_589, %get3A_592 : vector<128x256xf32>
    %lt3A_594 = arith.cmpf olt, %add3A_593, %select_n3A_584 : vector<128x256xf32>
    %select_n3A_595 = arith.select %lt3A_594, %add3A_593, %select_n3A_584 : vector<128x256xi1>, vector<128x256xf32>
    %jit3A_596 = arith.constant 18 : i32
    %broadcast_in_dim3A_597 = vector.broadcast %jit3A_596 : i32 to vector<128x256xi32>
    %select_n3A_598 = arith.select %lt3A_594, %broadcast_in_dim3A_597, %select_n3A_587 : vector<128x256xi1>, vector<128x256xi32>
    %slice3A_599 = vector.extract_strided_slice %dot_general3A_389 {offsets = [0, 4864], sizes = [128, 256], strides = [1, 1]} : vector<128x8192xf32> to vector<128x256xf32>
    %sub3A_600 = arith.subf %broadcast_in_dim3A_392, %slice3A_599 : vector<128x256xf32>
    %get3A_601 = arith.constant 0 : index
    %get3A_602 = arith.constant 4864 : index
    %get3A_603 = vector.load %arg6[%get3A_601, %get3A_602] : memref<128x8192xf32, #tpu.memory_space<vmem>>, vector<128x256xf32>
    %add3A_604 = arith.addf %sub3A_600, %get3A_603 : vector<128x256xf32>
    %lt3A_605 = arith.cmpf olt, %add3A_604, %select_n3A_595 : vector<128x256xf32>
    %select_n3A_606 = arith.select %lt3A_605, %add3A_604, %select_n3A_595 : vector<128x256xi1>, vector<128x256xf32>
    %jit3A_607 = arith.constant 19 : i32
    %broadcast_in_dim3A_608 = vector.broadcast %jit3A_607 : i32 to vector<128x256xi32>
    %select_n3A_609 = arith.select %lt3A_605, %broadcast_in_dim3A_608, %select_n3A_598 : vector<128x256xi1>, vector<128x256xi32>
    %slice3A_610 = vector.extract_strided_slice %dot_general3A_389 {offsets = [0, 5120], sizes = [128, 256], strides = [1, 1]} : vector<128x8192xf32> to vector<128x256xf32>
    %sub3A_611 = arith.subf %broadcast_in_dim3A_392, %slice3A_610 : vector<128x256xf32>
    %get3A_612 = arith.constant 0 : index
    %get3A_613 = arith.constant 5120 : index
    %get3A_614 = vector.load %arg6[%get3A_612, %get3A_613] : memref<128x8192xf32, #tpu.memory_space<vmem>>, vector<128x256xf32>
    %add3A_615 = arith.addf %sub3A_611, %get3A_614 : vector<128x256xf32>
    %lt3A_616 = arith.cmpf olt, %add3A_615, %select_n3A_606 : vector<128x256xf32>
    %select_n3A_617 = arith.select %lt3A_616, %add3A_615, %select_n3A_606 : vector<128x256xi1>, vector<128x256xf32>
    %jit3A_618 = arith.constant 20 : i32
    %broadcast_in_dim3A_619 = vector.broadcast %jit3A_618 : i32 to vector<128x256xi32>
    %select_n3A_620 = arith.select %lt3A_616, %broadcast_in_dim3A_619, %select_n3A_609 : vector<128x256xi1>, vector<128x256xi32>
    %slice3A_621 = vector.extract_strided_slice %dot_general3A_389 {offsets = [0, 5376], sizes = [128, 256], strides = [1, 1]} : vector<128x8192xf32> to vector<128x256xf32>
    %sub3A_622 = arith.subf %broadcast_in_dim3A_392, %slice3A_621 : vector<128x256xf32>
    %get3A_623 = arith.constant 0 : index
    %get3A_624 = arith.constant 5376 : index
    %get3A_625 = vector.load %arg6[%get3A_623, %get3A_624] : memref<128x8192xf32, #tpu.memory_space<vmem>>, vector<128x256xf32>
    %add3A_626 = arith.addf %sub3A_622, %get3A_625 : vector<128x256xf32>
    %lt3A_627 = arith.cmpf olt, %add3A_626, %select_n3A_617 : vector<128x256xf32>
    %select_n3A_628 = arith.select %lt3A_627, %add3A_626, %select_n3A_617 : vector<128x256xi1>, vector<128x256xf32>
    %jit3A_629 = arith.constant 21 : i32
    %broadcast_in_dim3A_630 = vector.broadcast %jit3A_629 : i32 to vector<128x256xi32>
    %select_n3A_631 = arith.select %lt3A_627, %broadcast_in_dim3A_630, %select_n3A_620 : vector<128x256xi1>, vector<128x256xi32>
    %slice3A_632 = vector.extract_strided_slice %dot_general3A_389 {offsets = [0, 5632], sizes = [128, 256], strides = [1, 1]} : vector<128x8192xf32> to vector<128x256xf32>
    %sub3A_633 = arith.subf %broadcast_in_dim3A_392, %slice3A_632 : vector<128x256xf32>
    %get3A_634 = arith.constant 0 : index
    %get3A_635 = arith.constant 5632 : index
    %get3A_636 = vector.load %arg6[%get3A_634, %get3A_635] : memref<128x8192xf32, #tpu.memory_space<vmem>>, vector<128x256xf32>
    %add3A_637 = arith.addf %sub3A_633, %get3A_636 : vector<128x256xf32>
    %lt3A_638 = arith.cmpf olt, %add3A_637, %select_n3A_628 : vector<128x256xf32>
    %select_n3A_639 = arith.select %lt3A_638, %add3A_637, %select_n3A_628 : vector<128x256xi1>, vector<128x256xf32>
    %jit3A_640 = arith.constant 22 : i32
    %broadcast_in_dim3A_641 = vector.broadcast %jit3A_640 : i32 to vector<128x256xi32>
    %select_n3A_642 = arith.select %lt3A_638, %broadcast_in_dim3A_641, %select_n3A_631 : vector<128x256xi1>, vector<128x256xi32>
    %slice3A_643 = vector.extract_strided_slice %dot_general3A_389 {offsets = [0, 5888], sizes = [128, 256], strides = [1, 1]} : vector<128x8192xf32> to vector<128x256xf32>
    %sub3A_644 = arith.subf %broadcast_in_dim3A_392, %slice3A_643 : vector<128x256xf32>
    %get3A_645 = arith.constant 0 : index
    %get3A_646 = arith.constant 5888 : index
    %get3A_647 = vector.load %arg6[%get3A_645, %get3A_646] : memref<128x8192xf32, #tpu.memory_space<vmem>>, vector<128x256xf32>
    %add3A_648 = arith.addf %sub3A_644, %get3A_647 : vector<128x256xf32>
    %lt3A_649 = arith.cmpf olt, %add3A_648, %select_n3A_639 : vector<128x256xf32>
    %select_n3A_650 = arith.select %lt3A_649, %add3A_648, %select_n3A_639 : vector<128x256xi1>, vector<128x256xf32>
    %jit3A_651 = arith.constant 23 : i32
    %broadcast_in_dim3A_652 = vector.broadcast %jit3A_651 : i32 to vector<128x256xi32>
    %select_n3A_653 = arith.select %lt3A_649, %broadcast_in_dim3A_652, %select_n3A_642 : vector<128x256xi1>, vector<128x256xi32>
    %slice3A_654 = vector.extract_strided_slice %dot_general3A_389 {offsets = [0, 6144], sizes = [128, 256], strides = [1, 1]} : vector<128x8192xf32> to vector<128x256xf32>
    %sub3A_655 = arith.subf %broadcast_in_dim3A_392, %slice3A_654 : vector<128x256xf32>
    %get3A_656 = arith.constant 0 : index
    %get3A_657 = arith.constant 6144 : index
    %get3A_658 = vector.load %arg6[%get3A_656, %get3A_657] : memref<128x8192xf32, #tpu.memory_space<vmem>>, vector<128x256xf32>
    %add3A_659 = arith.addf %sub3A_655, %get3A_658 : vector<128x256xf32>
    %lt3A_660 = arith.cmpf olt, %add3A_659, %select_n3A_650 : vector<128x256xf32>
    %select_n3A_661 = arith.select %lt3A_660, %add3A_659, %select_n3A_650 : vector<128x256xi1>, vector<128x256xf32>
    %jit3A_662 = arith.constant 24 : i32
    %broadcast_in_dim3A_663 = vector.broadcast %jit3A_662 : i32 to vector<128x256xi32>
    %select_n3A_664 = arith.select %lt3A_660, %broadcast_in_dim3A_663, %select_n3A_653 : vector<128x256xi1>, vector<128x256xi32>
    %slice3A_665 = vector.extract_strided_slice %dot_general3A_389 {offsets = [0, 6400], sizes = [128, 256], strides = [1, 1]} : vector<128x8192xf32> to vector<128x256xf32>
    %sub3A_666 = arith.subf %broadcast_in_dim3A_392, %slice3A_665 : vector<128x256xf32>
    %get3A_667 = arith.constant 0 : index
    %get3A_668 = arith.constant 6400 : index
    %get3A_669 = vector.load %arg6[%get3A_667, %get3A_668] : memref<128x8192xf32, #tpu.memory_space<vmem>>, vector<128x256xf32>
    %add3A_670 = arith.addf %sub3A_666, %get3A_669 : vector<128x256xf32>
    %lt3A_671 = arith.cmpf olt, %add3A_670, %select_n3A_661 : vector<128x256xf32>
    %select_n3A_672 = arith.select %lt3A_671, %add3A_670, %select_n3A_661 : vector<128x256xi1>, vector<128x256xf32>
    %jit3A_673 = arith.constant 25 : i32
    %broadcast_in_dim3A_674 = vector.broadcast %jit3A_673 : i32 to vector<128x256xi32>
    %select_n3A_675 = arith.select %lt3A_671, %broadcast_in_dim3A_674, %select_n3A_664 : vector<128x256xi1>, vector<128x256xi32>
    %slice3A_676 = vector.extract_strided_slice %dot_general3A_389 {offsets = [0, 6656], sizes = [128, 256], strides = [1, 1]} : vector<128x8192xf32> to vector<128x256xf32>
    %sub3A_677 = arith.subf %broadcast_in_dim3A_392, %slice3A_676 : vector<128x256xf32>
    %get3A_678 = arith.constant 0 : index
    %get3A_679 = arith.constant 6656 : index
    %get3A_680 = vector.load %arg6[%get3A_678, %get3A_679] : memref<128x8192xf32, #tpu.memory_space<vmem>>, vector<128x256xf32>
    %add3A_681 = arith.addf %sub3A_677, %get3A_680 : vector<128x256xf32>
    %lt3A_682 = arith.cmpf olt, %add3A_681, %select_n3A_672 : vector<128x256xf32>
    %select_n3A_683 = arith.select %lt3A_682, %add3A_681, %select_n3A_672 : vector<128x256xi1>, vector<128x256xf32>
    %jit3A_684 = arith.constant 26 : i32
    %broadcast_in_dim3A_685 = vector.broadcast %jit3A_684 : i32 to vector<128x256xi32>
    %select_n3A_686 = arith.select %lt3A_682, %broadcast_in_dim3A_685, %select_n3A_675 : vector<128x256xi1>, vector<128x256xi32>
    %slice3A_687 = vector.extract_strided_slice %dot_general3A_389 {offsets = [0, 6912], sizes = [128, 256], strides = [1, 1]} : vector<128x8192xf32> to vector<128x256xf32>
    %sub3A_688 = arith.subf %broadcast_in_dim3A_392, %slice3A_687 : vector<128x256xf32>
    %get3A_689 = arith.constant 0 : index
    %get3A_690 = arith.constant 6912 : index
    %get3A_691 = vector.load %arg6[%get3A_689, %get3A_690] : memref<128x8192xf32, #tpu.memory_space<vmem>>, vector<128x256xf32>
    %add3A_692 = arith.addf %sub3A_688, %get3A_691 : vector<128x256xf32>
    %lt3A_693 = arith.cmpf olt, %add3A_692, %select_n3A_683 : vector<128x256xf32>
    %select_n3A_694 = arith.select %lt3A_693, %add3A_692, %select_n3A_683 : vector<128x256xi1>, vector<128x256xf32>
    %jit3A_695 = arith.constant 27 : i32
    %broadcast_in_dim3A_696 = vector.broadcast %jit3A_695 : i32 to vector<128x256xi32>
    %select_n3A_697 = arith.select %lt3A_693, %broadcast_in_dim3A_696, %select_n3A_686 : vector<128x256xi1>, vector<128x256xi32>
    %slice3A_698 = vector.extract_strided_slice %dot_general3A_389 {offsets = [0, 7168], sizes = [128, 256], strides = [1, 1]} : vector<128x8192xf32> to vector<128x256xf32>
    %sub3A_699 = arith.subf %broadcast_in_dim3A_392, %slice3A_698 : vector<128x256xf32>
    %get3A_700 = arith.constant 0 : index
    %get3A_701 = arith.constant 7168 : index
    %get3A_702 = vector.load %arg6[%get3A_700, %get3A_701] : memref<128x8192xf32, #tpu.memory_space<vmem>>, vector<128x256xf32>
    %add3A_703 = arith.addf %sub3A_699, %get3A_702 : vector<128x256xf32>
    %lt3A_704 = arith.cmpf olt, %add3A_703, %select_n3A_694 : vector<128x256xf32>
    %select_n3A_705 = arith.select %lt3A_704, %add3A_703, %select_n3A_694 : vector<128x256xi1>, vector<128x256xf32>
    %jit3A_706 = arith.constant 28 : i32
    %broadcast_in_dim3A_707 = vector.broadcast %jit3A_706 : i32 to vector<128x256xi32>
    %select_n3A_708 = arith.select %lt3A_704, %broadcast_in_dim3A_707, %select_n3A_697 : vector<128x256xi1>, vector<128x256xi32>
    %slice3A_709 = vector.extract_strided_slice %dot_general3A_389 {offsets = [0, 7424], sizes = [128, 256], strides = [1, 1]} : vector<128x8192xf32> to vector<128x256xf32>
    %sub3A_710 = arith.subf %broadcast_in_dim3A_392, %slice3A_709 : vector<128x256xf32>
    %get3A_711 = arith.constant 0 : index
    %get3A_712 = arith.constant 7424 : index
    %get3A_713 = vector.load %arg6[%get3A_711, %get3A_712] : memref<128x8192xf32, #tpu.memory_space<vmem>>, vector<128x256xf32>
    %add3A_714 = arith.addf %sub3A_710, %get3A_713 : vector<128x256xf32>
    %lt3A_715 = arith.cmpf olt, %add3A_714, %select_n3A_705 : vector<128x256xf32>
    %select_n3A_716 = arith.select %lt3A_715, %add3A_714, %select_n3A_705 : vector<128x256xi1>, vector<128x256xf32>
    %jit3A_717 = arith.constant 29 : i32
    %broadcast_in_dim3A_718 = vector.broadcast %jit3A_717 : i32 to vector<128x256xi32>
    %select_n3A_719 = arith.select %lt3A_715, %broadcast_in_dim3A_718, %select_n3A_708 : vector<128x256xi1>, vector<128x256xi32>
    %slice3A_720 = vector.extract_strided_slice %dot_general3A_389 {offsets = [0, 7680], sizes = [128, 256], strides = [1, 1]} : vector<128x8192xf32> to vector<128x256xf32>
    %sub3A_721 = arith.subf %broadcast_in_dim3A_392, %slice3A_720 : vector<128x256xf32>
    %get3A_722 = arith.constant 0 : index
    %get3A_723 = arith.constant 7680 : index
    %get3A_724 = vector.load %arg6[%get3A_722, %get3A_723] : memref<128x8192xf32, #tpu.memory_space<vmem>>, vector<128x256xf32>
    %add3A_725 = arith.addf %sub3A_721, %get3A_724 : vector<128x256xf32>
    %lt3A_726 = arith.cmpf olt, %add3A_725, %select_n3A_716 : vector<128x256xf32>
    %select_n3A_727 = arith.select %lt3A_726, %add3A_725, %select_n3A_716 : vector<128x256xi1>, vector<128x256xf32>
    %jit3A_728 = arith.constant 30 : i32
    %broadcast_in_dim3A_729 = vector.broadcast %jit3A_728 : i32 to vector<128x256xi32>
    %select_n3A_730 = arith.select %lt3A_726, %broadcast_in_dim3A_729, %select_n3A_719 : vector<128x256xi1>, vector<128x256xi32>
    %slice3A_731 = vector.extract_strided_slice %dot_general3A_389 {offsets = [0, 7936], sizes = [128, 256], strides = [1, 1]} : vector<128x8192xf32> to vector<128x256xf32>
    %sub3A_732 = arith.subf %broadcast_in_dim3A_392, %slice3A_731 : vector<128x256xf32>
    %get3A_733 = arith.constant 0 : index
    %get3A_734 = arith.constant 7936 : index
    %get3A_735 = vector.load %arg6[%get3A_733, %get3A_734] : memref<128x8192xf32, #tpu.memory_space<vmem>>, vector<128x256xf32>
    %add3A_736 = arith.addf %sub3A_732, %get3A_735 : vector<128x256xf32>
    %lt3A_737 = arith.cmpf olt, %add3A_736, %select_n3A_727 : vector<128x256xf32>
    %select_n3A_738 = arith.select %lt3A_737, %add3A_736, %select_n3A_727 : vector<128x256xi1>, vector<128x256xf32>
    %jit3A_739 = arith.constant 31 : i32
    %broadcast_in_dim3A_740 = vector.broadcast %jit3A_739 : i32 to vector<128x256xi32>
    %select_n3A_741 = arith.select %lt3A_737, %broadcast_in_dim3A_740, %select_n3A_730 : vector<128x256xi1>, vector<128x256xi32>
    %reduce_min3A_742 = arith.constant dense<0x7F800000> : vector<128xf32>
    %reduce_min3A_743 = vector.multi_reduction <minimumf>, %select_n3A_738, %reduce_min3A_742 [1] : vector<128x256xf32> to vector<128xf32>
    %broadcast_in_dim3A_744 = vector.shape_cast %reduce_min3A_743 : vector<128xf32> to vector<128x1xf32>
    %eq3A_745 = vector.broadcast %broadcast_in_dim3A_744 : vector<128x1xf32> to vector<128x256xf32>
    %eq3A_746 = arith.cmpf oeq, %select_n3A_738, %eq3A_745 : vector<128x256xf32>
    %mul3A_747 = arith.constant 256 : i32
    %mul3A_748 = vector.broadcast %mul3A_747 : i32 to vector<128x256xi32>
    %mul3A_749 = arith.muli %select_n3A_741, %mul3A_748 : vector<128x256xi32>
    %add3A_750 = arith.addi %mul3A_749, %iota3A : vector<128x256xi32>
    %jit3A_751 = arith.constant 16384 : i32
    %broadcast_in_dim3A_752 = vector.broadcast %jit3A_751 : i32 to vector<128x256xi32>
    %select_n3A_753 = arith.select %eq3A_746, %add3A_750, %broadcast_in_dim3A_752 : vector<128x256xi1>, vector<128x256xi32>
    %reduce_min3A_754 = arith.constant dense<2147483647> : vector<128xi32>
    %reduce_min3A_755 = vector.multi_reduction <minsi>, %select_n3A_753, %reduce_min3A_754 [1] : vector<128x256xi32> to vector<128xi32>
    %broadcast_in_dim3A_756 = vector.shape_cast %reduce_min3A_755 : vector<128xi32> to vector<128x1xi32>
    %slice3A_757 = vector.extract_strided_slice %add3A {offsets = [256, 0], sizes = [128, 32], strides = [1, 1]} : vector<1024x32xf32> to vector<128x32xf32>
    %dot_general3A_758 = arith.constant dense<0.000000e+00> : vector<128x8192xf32>
    %dot_general3A_759 = tpu.matmul %slice3A_757, %get3A_8, %dot_general3A_758 {dimension_numbers = #tpu.dot_dimension_numbers<[1], [0], [0], [1], [0, 0, 1, 1], [], []>, transpose_lhs_hint = false} : vector<128x32xf32>, vector<32x8192xf32>, vector<128x8192xf32> -> vector<128x8192xf32>
    %slice3A_760 = vector.extract_strided_slice %broadcast_in_dim3A {offsets = [256, 0], sizes = [128, 1], strides = [1, 1]} : vector<1024x1xf32> to vector<128x1xf32>
    %broadcast_in_dim3A_761 = vector.shape_cast %slice3A_760 : vector<128x1xf32> to vector<128x1xf32>
    %broadcast_in_dim3A_762 = vector.broadcast %broadcast_in_dim3A_761 : vector<128x1xf32> to vector<128x256xf32>
    %slice3A_763 = vector.extract_strided_slice %dot_general3A_759 {offsets = [0, 0], sizes = [128, 256], strides = [1, 1]} : vector<128x8192xf32> to vector<128x256xf32>
    %sub3A_764 = arith.subf %broadcast_in_dim3A_762, %slice3A_763 : vector<128x256xf32>
    %get3A_765 = arith.constant 0 : index
    %get3A_766 = arith.constant 0 : index
    %get3A_767 = vector.load %arg6[%get3A_765, %get3A_766] : memref<128x8192xf32, #tpu.memory_space<vmem>>, vector<128x256xf32>
    %add3A_768 = arith.addf %sub3A_764, %get3A_767 : vector<128x256xf32>
    %broadcast_in_dim3A_769 = arith.constant 0 : i32
    %broadcast_in_dim3A_770 = vector.broadcast %broadcast_in_dim3A_769 : i32 to vector<128x256xi32>
    %slice3A_771 = vector.extract_strided_slice %dot_general3A_759 {offsets = [0, 256], sizes = [128, 256], strides = [1, 1]} : vector<128x8192xf32> to vector<128x256xf32>
    %sub3A_772 = arith.subf %broadcast_in_dim3A_762, %slice3A_771 : vector<128x256xf32>
    %get3A_773 = arith.constant 0 : index
    %get3A_774 = arith.constant 256 : index
    %get3A_775 = vector.load %arg6[%get3A_773, %get3A_774] : memref<128x8192xf32, #tpu.memory_space<vmem>>, vector<128x256xf32>
    %add3A_776 = arith.addf %sub3A_772, %get3A_775 : vector<128x256xf32>
    %lt3A_777 = arith.cmpf olt, %add3A_776, %add3A_768 : vector<128x256xf32>
    %select_n3A_778 = arith.select %lt3A_777, %add3A_776, %add3A_768 : vector<128x256xi1>, vector<128x256xf32>
    %jit3A_779 = arith.constant 1 : i32
    %broadcast_in_dim3A_780 = vector.broadcast %jit3A_779 : i32 to vector<128x256xi32>
    %select_n3A_781 = arith.select %lt3A_777, %broadcast_in_dim3A_780, %broadcast_in_dim3A_770 : vector<128x256xi1>, vector<128x256xi32>
    %slice3A_782 = vector.extract_strided_slice %dot_general3A_759 {offsets = [0, 512], sizes = [128, 256], strides = [1, 1]} : vector<128x8192xf32> to vector<128x256xf32>
    %sub3A_783 = arith.subf %broadcast_in_dim3A_762, %slice3A_782 : vector<128x256xf32>
    %get3A_784 = arith.constant 0 : index
    %get3A_785 = arith.constant 512 : index
    %get3A_786 = vector.load %arg6[%get3A_784, %get3A_785] : memref<128x8192xf32, #tpu.memory_space<vmem>>, vector<128x256xf32>
    %add3A_787 = arith.addf %sub3A_783, %get3A_786 : vector<128x256xf32>
    %lt3A_788 = arith.cmpf olt, %add3A_787, %select_n3A_778 : vector<128x256xf32>
    %select_n3A_789 = arith.select %lt3A_788, %add3A_787, %select_n3A_778 : vector<128x256xi1>, vector<128x256xf32>
    %jit3A_790 = arith.constant 2 : i32
    %broadcast_in_dim3A_791 = vector.broadcast %jit3A_790 : i32 to vector<128x256xi32>
    %select_n3A_792 = arith.select %lt3A_788, %broadcast_in_dim3A_791, %select_n3A_781 : vector<128x256xi1>, vector<128x256xi32>
    %slice3A_793 = vector.extract_strided_slice %dot_general3A_759 {offsets = [0, 768], sizes = [128, 256], strides = [1, 1]} : vector<128x8192xf32> to vector<128x256xf32>
    %sub3A_794 = arith.subf %broadcast_in_dim3A_762, %slice3A_793 : vector<128x256xf32>
    %get3A_795 = arith.constant 0 : index
    %get3A_796 = arith.constant 768 : index
    %get3A_797 = vector.load %arg6[%get3A_795, %get3A_796] : memref<128x8192xf32, #tpu.memory_space<vmem>>, vector<128x256xf32>
    %add3A_798 = arith.addf %sub3A_794, %get3A_797 : vector<128x256xf32>
    %lt3A_799 = arith.cmpf olt, %add3A_798, %select_n3A_789 : vector<128x256xf32>
    %select_n3A_800 = arith.select %lt3A_799, %add3A_798, %select_n3A_789 : vector<128x256xi1>, vector<128x256xf32>
    %jit3A_801 = arith.constant 3 : i32
    %broadcast_in_dim3A_802 = vector.broadcast %jit3A_801 : i32 to vector<128x256xi32>
    %select_n3A_803 = arith.select %lt3A_799, %broadcast_in_dim3A_802, %select_n3A_792 : vector<128x256xi1>, vector<128x256xi32>
    %slice3A_804 = vector.extract_strided_slice %dot_general3A_759 {offsets = [0, 1024], sizes = [128, 256], strides = [1, 1]} : vector<128x8192xf32> to vector<128x256xf32>
    %sub3A_805 = arith.subf %broadcast_in_dim3A_762, %slice3A_804 : vector<128x256xf32>
    %get3A_806 = arith.constant 0 : index
    %get3A_807 = arith.constant 1024 : index
    %get3A_808 = vector.load %arg6[%get3A_806, %get3A_807] : memref<128x8192xf32, #tpu.memory_space<vmem>>, vector<128x256xf32>
    %add3A_809 = arith.addf %sub3A_805, %get3A_808 : vector<128x256xf32>
    %lt3A_810 = arith.cmpf olt, %add3A_809, %select_n3A_800 : vector<128x256xf32>
    %select_n3A_811 = arith.select %lt3A_810, %add3A_809, %select_n3A_800 : vector<128x256xi1>, vector<128x256xf32>
    %jit3A_812 = arith.constant 4 : i32
    %broadcast_in_dim3A_813 = vector.broadcast %jit3A_812 : i32 to vector<128x256xi32>
    %select_n3A_814 = arith.select %lt3A_810, %broadcast_in_dim3A_813, %select_n3A_803 : vector<128x256xi1>, vector<128x256xi32>
    %slice3A_815 = vector.extract_strided_slice %dot_general3A_759 {offsets = [0, 1280], sizes = [128, 256], strides = [1, 1]} : vector<128x8192xf32> to vector<128x256xf32>
    %sub3A_816 = arith.subf %broadcast_in_dim3A_762, %slice3A_815 : vector<128x256xf32>
    %get3A_817 = arith.constant 0 : index
    %get3A_818 = arith.constant 1280 : index
    %get3A_819 = vector.load %arg6[%get3A_817, %get3A_818] : memref<128x8192xf32, #tpu.memory_space<vmem>>, vector<128x256xf32>
    %add3A_820 = arith.addf %sub3A_816, %get3A_819 : vector<128x256xf32>
    %lt3A_821 = arith.cmpf olt, %add3A_820, %select_n3A_811 : vector<128x256xf32>
    %select_n3A_822 = arith.select %lt3A_821, %add3A_820, %select_n3A_811 : vector<128x256xi1>, vector<128x256xf32>
    %jit3A_823 = arith.constant 5 : i32
    %broadcast_in_dim3A_824 = vector.broadcast %jit3A_823 : i32 to vector<128x256xi32>
    %select_n3A_825 = arith.select %lt3A_821, %broadcast_in_dim3A_824, %select_n3A_814 : vector<128x256xi1>, vector<128x256xi32>
    %slice3A_826 = vector.extract_strided_slice %dot_general3A_759 {offsets = [0, 1536], sizes = [128, 256], strides = [1, 1]} : vector<128x8192xf32> to vector<128x256xf32>
    %sub3A_827 = arith.subf %broadcast_in_dim3A_762, %slice3A_826 : vector<128x256xf32>
    %get3A_828 = arith.constant 0 : index
    %get3A_829 = arith.constant 1536 : index
    %get3A_830 = vector.load %arg6[%get3A_828, %get3A_829] : memref<128x8192xf32, #tpu.memory_space<vmem>>, vector<128x256xf32>
    %add3A_831 = arith.addf %sub3A_827, %get3A_830 : vector<128x256xf32>
    %lt3A_832 = arith.cmpf olt, %add3A_831, %select_n3A_822 : vector<128x256xf32>
    %select_n3A_833 = arith.select %lt3A_832, %add3A_831, %select_n3A_822 : vector<128x256xi1>, vector<128x256xf32>
    %jit3A_834 = arith.constant 6 : i32
    %broadcast_in_dim3A_835 = vector.broadcast %jit3A_834 : i32 to vector<128x256xi32>
    %select_n3A_836 = arith.select %lt3A_832, %broadcast_in_dim3A_835, %select_n3A_825 : vector<128x256xi1>, vector<128x256xi32>
    %slice3A_837 = vector.extract_strided_slice %dot_general3A_759 {offsets = [0, 1792], sizes = [128, 256], strides = [1, 1]} : vector<128x8192xf32> to vector<128x256xf32>
    %sub3A_838 = arith.subf %broadcast_in_dim3A_762, %slice3A_837 : vector<128x256xf32>
    %get3A_839 = arith.constant 0 : index
    %get3A_840 = arith.constant 1792 : index
    %get3A_841 = vector.load %arg6[%get3A_839, %get3A_840] : memref<128x8192xf32, #tpu.memory_space<vmem>>, vector<128x256xf32>
    %add3A_842 = arith.addf %sub3A_838, %get3A_841 : vector<128x256xf32>
    %lt3A_843 = arith.cmpf olt, %add3A_842, %select_n3A_833 : vector<128x256xf32>
    %select_n3A_844 = arith.select %lt3A_843, %add3A_842, %select_n3A_833 : vector<128x256xi1>, vector<128x256xf32>
    %jit3A_845 = arith.constant 7 : i32
    %broadcast_in_dim3A_846 = vector.broadcast %jit3A_845 : i32 to vector<128x256xi32>
    %select_n3A_847 = arith.select %lt3A_843, %broadcast_in_dim3A_846, %select_n3A_836 : vector<128x256xi1>, vector<128x256xi32>
    %slice3A_848 = vector.extract_strided_slice %dot_general3A_759 {offsets = [0, 2048], sizes = [128, 256], strides = [1, 1]} : vector<128x8192xf32> to vector<128x256xf32>
    %sub3A_849 = arith.subf %broadcast_in_dim3A_762, %slice3A_848 : vector<128x256xf32>
    %get3A_850 = arith.constant 0 : index
    %get3A_851 = arith.constant 2048 : index
    %get3A_852 = vector.load %arg6[%get3A_850, %get3A_851] : memref<128x8192xf32, #tpu.memory_space<vmem>>, vector<128x256xf32>
    %add3A_853 = arith.addf %sub3A_849, %get3A_852 : vector<128x256xf32>
    %lt3A_854 = arith.cmpf olt, %add3A_853, %select_n3A_844 : vector<128x256xf32>
    %select_n3A_855 = arith.select %lt3A_854, %add3A_853, %select_n3A_844 : vector<128x256xi1>, vector<128x256xf32>
    %jit3A_856 = arith.constant 8 : i32
    %broadcast_in_dim3A_857 = vector.broadcast %jit3A_856 : i32 to vector<128x256xi32>
    %select_n3A_858 = arith.select %lt3A_854, %broadcast_in_dim3A_857, %select_n3A_847 : vector<128x256xi1>, vector<128x256xi32>
    %slice3A_859 = vector.extract_strided_slice %dot_general3A_759 {offsets = [0, 2304], sizes = [128, 256], strides = [1, 1]} : vector<128x8192xf32> to vector<128x256xf32>
    %sub3A_860 = arith.subf %broadcast_in_dim3A_762, %slice3A_859 : vector<128x256xf32>
    %get3A_861 = arith.constant 0 : index
    %get3A_862 = arith.constant 2304 : index
    %get3A_863 = vector.load %arg6[%get3A_861, %get3A_862] : memref<128x8192xf32, #tpu.memory_space<vmem>>, vector<128x256xf32>
    %add3A_864 = arith.addf %sub3A_860, %get3A_863 : vector<128x256xf32>
    %lt3A_865 = arith.cmpf olt, %add3A_864, %select_n3A_855 : vector<128x256xf32>
    %select_n3A_866 = arith.select %lt3A_865, %add3A_864, %select_n3A_855 : vector<128x256xi1>, vector<128x256xf32>
    %jit3A_867 = arith.constant 9 : i32
    %broadcast_in_dim3A_868 = vector.broadcast %jit3A_867 : i32 to vector<128x256xi32>
    %select_n3A_869 = arith.select %lt3A_865, %broadcast_in_dim3A_868, %select_n3A_858 : vector<128x256xi1>, vector<128x256xi32>
    %slice3A_870 = vector.extract_strided_slice %dot_general3A_759 {offsets = [0, 2560], sizes = [128, 256], strides = [1, 1]} : vector<128x8192xf32> to vector<128x256xf32>
    %sub3A_871 = arith.subf %broadcast_in_dim3A_762, %slice3A_870 : vector<128x256xf32>
    %get3A_872 = arith.constant 0 : index
    %get3A_873 = arith.constant 2560 : index
    %get3A_874 = vector.load %arg6[%get3A_872, %get3A_873] : memref<128x8192xf32, #tpu.memory_space<vmem>>, vector<128x256xf32>
    %add3A_875 = arith.addf %sub3A_871, %get3A_874 : vector<128x256xf32>
    %lt3A_876 = arith.cmpf olt, %add3A_875, %select_n3A_866 : vector<128x256xf32>
    %select_n3A_877 = arith.select %lt3A_876, %add3A_875, %select_n3A_866 : vector<128x256xi1>, vector<128x256xf32>
    %jit3A_878 = arith.constant 10 : i32
    %broadcast_in_dim3A_879 = vector.broadcast %jit3A_878 : i32 to vector<128x256xi32>
    %select_n3A_880 = arith.select %lt3A_876, %broadcast_in_dim3A_879, %select_n3A_869 : vector<128x256xi1>, vector<128x256xi32>
    %slice3A_881 = vector.extract_strided_slice %dot_general3A_759 {offsets = [0, 2816], sizes = [128, 256], strides = [1, 1]} : vector<128x8192xf32> to vector<128x256xf32>
    %sub3A_882 = arith.subf %broadcast_in_dim3A_762, %slice3A_881 : vector<128x256xf32>
    %get3A_883 = arith.constant 0 : index
    %get3A_884 = arith.constant 2816 : index
    %get3A_885 = vector.load %arg6[%get3A_883, %get3A_884] : memref<128x8192xf32, #tpu.memory_space<vmem>>, vector<128x256xf32>
    %add3A_886 = arith.addf %sub3A_882, %get3A_885 : vector<128x256xf32>
    %lt3A_887 = arith.cmpf olt, %add3A_886, %select_n3A_877 : vector<128x256xf32>
    %select_n3A_888 = arith.select %lt3A_887, %add3A_886, %select_n3A_877 : vector<128x256xi1>, vector<128x256xf32>
    %jit3A_889 = arith.constant 11 : i32
    %broadcast_in_dim3A_890 = vector.broadcast %jit3A_889 : i32 to vector<128x256xi32>
    %select_n3A_891 = arith.select %lt3A_887, %broadcast_in_dim3A_890, %select_n3A_880 : vector<128x256xi1>, vector<128x256xi32>
    %slice3A_892 = vector.extract_strided_slice %dot_general3A_759 {offsets = [0, 3072], sizes = [128, 256], strides = [1, 1]} : vector<128x8192xf32> to vector<128x256xf32>
    %sub3A_893 = arith.subf %broadcast_in_dim3A_762, %slice3A_892 : vector<128x256xf32>
    %get3A_894 = arith.constant 0 : index
    %get3A_895 = arith.constant 3072 : index
    %get3A_896 = vector.load %arg6[%get3A_894, %get3A_895] : memref<128x8192xf32, #tpu.memory_space<vmem>>, vector<128x256xf32>
    %add3A_897 = arith.addf %sub3A_893, %get3A_896 : vector<128x256xf32>
    %lt3A_898 = arith.cmpf olt, %add3A_897, %select_n3A_888 : vector<128x256xf32>
    %select_n3A_899 = arith.select %lt3A_898, %add3A_897, %select_n3A_888 : vector<128x256xi1>, vector<128x256xf32>
    %jit3A_900 = arith.constant 12 : i32
    %broadcast_in_dim3A_901 = vector.broadcast %jit3A_900 : i32 to vector<128x256xi32>
    %select_n3A_902 = arith.select %lt3A_898, %broadcast_in_dim3A_901, %select_n3A_891 : vector<128x256xi1>, vector<128x256xi32>
    %slice3A_903 = vector.extract_strided_slice %dot_general3A_759 {offsets = [0, 3328], sizes = [128, 256], strides = [1, 1]} : vector<128x8192xf32> to vector<128x256xf32>
    %sub3A_904 = arith.subf %broadcast_in_dim3A_762, %slice3A_903 : vector<128x256xf32>
    %get3A_905 = arith.constant 0 : index
    %get3A_906 = arith.constant 3328 : index
    %get3A_907 = vector.load %arg6[%get3A_905, %get3A_906] : memref<128x8192xf32, #tpu.memory_space<vmem>>, vector<128x256xf32>
    %add3A_908 = arith.addf %sub3A_904, %get3A_907 : vector<128x256xf32>
    %lt3A_909 = arith.cmpf olt, %add3A_908, %select_n3A_899 : vector<128x256xf32>
    %select_n3A_910 = arith.select %lt3A_909, %add3A_908, %select_n3A_899 : vector<128x256xi1>, vector<128x256xf32>
    %jit3A_911 = arith.constant 13 : i32
    %broadcast_in_dim3A_912 = vector.broadcast %jit3A_911 : i32 to vector<128x256xi32>
    %select_n3A_913 = arith.select %lt3A_909, %broadcast_in_dim3A_912, %select_n3A_902 : vector<128x256xi1>, vector<128x256xi32>
    %slice3A_914 = vector.extract_strided_slice %dot_general3A_759 {offsets = [0, 3584], sizes = [128, 256], strides = [1, 1]} : vector<128x8192xf32> to vector<128x256xf32>
    %sub3A_915 = arith.subf %broadcast_in_dim3A_762, %slice3A_914 : vector<128x256xf32>
    %get3A_916 = arith.constant 0 : index
    %get3A_917 = arith.constant 3584 : index
    %get3A_918 = vector.load %arg6[%get3A_916, %get3A_917] : memref<128x8192xf32, #tpu.memory_space<vmem>>, vector<128x256xf32>
    %add3A_919 = arith.addf %sub3A_915, %get3A_918 : vector<128x256xf32>
    %lt3A_920 = arith.cmpf olt, %add3A_919, %select_n3A_910 : vector<128x256xf32>
    %select_n3A_921 = arith.select %lt3A_920, %add3A_919, %select_n3A_910 : vector<128x256xi1>, vector<128x256xf32>
    %jit3A_922 = arith.constant 14 : i32
    %broadcast_in_dim3A_923 = vector.broadcast %jit3A_922 : i32 to vector<128x256xi32>
    %select_n3A_924 = arith.select %lt3A_920, %broadcast_in_dim3A_923, %select_n3A_913 : vector<128x256xi1>, vector<128x256xi32>
    %slice3A_925 = vector.extract_strided_slice %dot_general3A_759 {offsets = [0, 3840], sizes = [128, 256], strides = [1, 1]} : vector<128x8192xf32> to vector<128x256xf32>
    %sub3A_926 = arith.subf %broadcast_in_dim3A_762, %slice3A_925 : vector<128x256xf32>
    %get3A_927 = arith.constant 0 : index
    %get3A_928 = arith.constant 3840 : index
    %get3A_929 = vector.load %arg6[%get3A_927, %get3A_928] : memref<128x8192xf32, #tpu.memory_space<vmem>>, vector<128x256xf32>
    %add3A_930 = arith.addf %sub3A_926, %get3A_929 : vector<128x256xf32>
    %lt3A_931 = arith.cmpf olt, %add3A_930, %select_n3A_921 : vector<128x256xf32>
    %select_n3A_932 = arith.select %lt3A_931, %add3A_930, %select_n3A_921 : vector<128x256xi1>, vector<128x256xf32>
    %jit3A_933 = arith.constant 15 : i32
    %broadcast_in_dim3A_934 = vector.broadcast %jit3A_933 : i32 to vector<128x256xi32>
    %select_n3A_935 = arith.select %lt3A_931, %broadcast_in_dim3A_934, %select_n3A_924 : vector<128x256xi1>, vector<128x256xi32>
    %slice3A_936 = vector.extract_strided_slice %dot_general3A_759 {offsets = [0, 4096], sizes = [128, 256], strides = [1, 1]} : vector<128x8192xf32> to vector<128x256xf32>
    %sub3A_937 = arith.subf %broadcast_in_dim3A_762, %slice3A_936 : vector<128x256xf32>
    %get3A_938 = arith.constant 0 : index
    %get3A_939 = arith.constant 4096 : index
    %get3A_940 = vector.load %arg6[%get3A_938, %get3A_939] : memref<128x8192xf32, #tpu.memory_space<vmem>>, vector<128x256xf32>
    %add3A_941 = arith.addf %sub3A_937, %get3A_940 : vector<128x256xf32>
    %lt3A_942 = arith.cmpf olt, %add3A_941, %select_n3A_932 : vector<128x256xf32>
    %select_n3A_943 = arith.select %lt3A_942, %add3A_941, %select_n3A_932 : vector<128x256xi1>, vector<128x256xf32>
    %jit3A_944 = arith.constant 16 : i32
    %broadcast_in_dim3A_945 = vector.broadcast %jit3A_944 : i32 to vector<128x256xi32>
    %select_n3A_946 = arith.select %lt3A_942, %broadcast_in_dim3A_945, %select_n3A_935 : vector<128x256xi1>, vector<128x256xi32>
    %slice3A_947 = vector.extract_strided_slice %dot_general3A_759 {offsets = [0, 4352], sizes = [128, 256], strides = [1, 1]} : vector<128x8192xf32> to vector<128x256xf32>
    %sub3A_948 = arith.subf %broadcast_in_dim3A_762, %slice3A_947 : vector<128x256xf32>
    %get3A_949 = arith.constant 0 : index
    %get3A_950 = arith.constant 4352 : index
    %get3A_951 = vector.load %arg6[%get3A_949, %get3A_950] : memref<128x8192xf32, #tpu.memory_space<vmem>>, vector<128x256xf32>
    %add3A_952 = arith.addf %sub3A_948, %get3A_951 : vector<128x256xf32>
    %lt3A_953 = arith.cmpf olt, %add3A_952, %select_n3A_943 : vector<128x256xf32>
    %select_n3A_954 = arith.select %lt3A_953, %add3A_952, %select_n3A_943 : vector<128x256xi1>, vector<128x256xf32>
    %jit3A_955 = arith.constant 17 : i32
    %broadcast_in_dim3A_956 = vector.broadcast %jit3A_955 : i32 to vector<128x256xi32>
    %select_n3A_957 = arith.select %lt3A_953, %broadcast_in_dim3A_956, %select_n3A_946 : vector<128x256xi1>, vector<128x256xi32>
    %slice3A_958 = vector.extract_strided_slice %dot_general3A_759 {offsets = [0, 4608], sizes = [128, 256], strides = [1, 1]} : vector<128x8192xf32> to vector<128x256xf32>
    %sub3A_959 = arith.subf %broadcast_in_dim3A_762, %slice3A_958 : vector<128x256xf32>
    %get3A_960 = arith.constant 0 : index
    %get3A_961 = arith.constant 4608 : index
    %get3A_962 = vector.load %arg6[%get3A_960, %get3A_961] : memref<128x8192xf32, #tpu.memory_space<vmem>>, vector<128x256xf32>
    %add3A_963 = arith.addf %sub3A_959, %get3A_962 : vector<128x256xf32>
    %lt3A_964 = arith.cmpf olt, %add3A_963, %select_n3A_954 : vector<128x256xf32>
    %select_n3A_965 = arith.select %lt3A_964, %add3A_963, %select_n3A_954 : vector<128x256xi1>, vector<128x256xf32>
    %jit3A_966 = arith.constant 18 : i32
    %broadcast_in_dim3A_967 = vector.broadcast %jit3A_966 : i32 to vector<128x256xi32>
    %select_n3A_968 = arith.select %lt3A_964, %broadcast_in_dim3A_967, %select_n3A_957 : vector<128x256xi1>, vector<128x256xi32>
    %slice3A_969 = vector.extract_strided_slice %dot_general3A_759 {offsets = [0, 4864], sizes = [128, 256], strides = [1, 1]} : vector<128x8192xf32> to vector<128x256xf32>
    %sub3A_970 = arith.subf %broadcast_in_dim3A_762, %slice3A_969 : vector<128x256xf32>
    %get3A_971 = arith.constant 0 : index
    %get3A_972 = arith.constant 4864 : index
    %get3A_973 = vector.load %arg6[%get3A_971, %get3A_972] : memref<128x8192xf32, #tpu.memory_space<vmem>>, vector<128x256xf32>
    %add3A_974 = arith.addf %sub3A_970, %get3A_973 : vector<128x256xf32>
    %lt3A_975 = arith.cmpf olt, %add3A_974, %select_n3A_965 : vector<128x256xf32>
    %select_n3A_976 = arith.select %lt3A_975, %add3A_974, %select_n3A_965 : vector<128x256xi1>, vector<128x256xf32>
    %jit3A_977 = arith.constant 19 : i32
    %broadcast_in_dim3A_978 = vector.broadcast %jit3A_977 : i32 to vector<128x256xi32>
    %select_n3A_979 = arith.select %lt3A_975, %broadcast_in_dim3A_978, %select_n3A_968 : vector<128x256xi1>, vector<128x256xi32>
    %slice3A_980 = vector.extract_strided_slice %dot_general3A_759 {offsets = [0, 5120], sizes = [128, 256], strides = [1, 1]} : vector<128x8192xf32> to vector<128x256xf32>
    %sub3A_981 = arith.subf %broadcast_in_dim3A_762, %slice3A_980 : vector<128x256xf32>
    %get3A_982 = arith.constant 0 : index
    %get3A_983 = arith.constant 5120 : index
    %get3A_984 = vector.load %arg6[%get3A_982, %get3A_983] : memref<128x8192xf32, #tpu.memory_space<vmem>>, vector<128x256xf32>
    %add3A_985 = arith.addf %sub3A_981, %get3A_984 : vector<128x256xf32>
    %lt3A_986 = arith.cmpf olt, %add3A_985, %select_n3A_976 : vector<128x256xf32>
    %select_n3A_987 = arith.select %lt3A_986, %add3A_985, %select_n3A_976 : vector<128x256xi1>, vector<128x256xf32>
    %jit3A_988 = arith.constant 20 : i32
    %broadcast_in_dim3A_989 = vector.broadcast %jit3A_988 : i32 to vector<128x256xi32>
    %select_n3A_990 = arith.select %lt3A_986, %broadcast_in_dim3A_989, %select_n3A_979 : vector<128x256xi1>, vector<128x256xi32>
    %slice3A_991 = vector.extract_strided_slice %dot_general3A_759 {offsets = [0, 5376], sizes = [128, 256], strides = [1, 1]} : vector<128x8192xf32> to vector<128x256xf32>
    %sub3A_992 = arith.subf %broadcast_in_dim3A_762, %slice3A_991 : vector<128x256xf32>
    %get3A_993 = arith.constant 0 : index
    %get3A_994 = arith.constant 5376 : index
    %get3A_995 = vector.load %arg6[%get3A_993, %get3A_994] : memref<128x8192xf32, #tpu.memory_space<vmem>>, vector<128x256xf32>
    %add3A_996 = arith.addf %sub3A_992, %get3A_995 : vector<128x256xf32>
    %lt3A_997 = arith.cmpf olt, %add3A_996, %select_n3A_987 : vector<128x256xf32>
    %select_n3A_998 = arith.select %lt3A_997, %add3A_996, %select_n3A_987 : vector<128x256xi1>, vector<128x256xf32>
    %jit3A_999 = arith.constant 21 : i32
    %broadcast_in_dim3A_1000 = vector.broadcast %jit3A_999 : i32 to vector<128x256xi32>
    %select_n3A_1001 = arith.select %lt3A_997, %broadcast_in_dim3A_1000, %select_n3A_990 : vector<128x256xi1>, vector<128x256xi32>
    %slice3A_1002 = vector.extract_strided_slice %dot_general3A_759 {offsets = [0, 5632], sizes = [128, 256], strides = [1, 1]} : vector<128x8192xf32> to vector<128x256xf32>
    %sub3A_1003 = arith.subf %broadcast_in_dim3A_762, %slice3A_1002 : vector<128x256xf32>
    %get3A_1004 = arith.constant 0 : index
    %get3A_1005 = arith.constant 5632 : index
    %get3A_1006 = vector.load %arg6[%get3A_1004, %get3A_1005] : memref<128x8192xf32, #tpu.memory_space<vmem>>, vector<128x256xf32>
    %add3A_1007 = arith.addf %sub3A_1003, %get3A_1006 : vector<128x256xf32>
    %lt3A_1008 = arith.cmpf olt, %add3A_1007, %select_n3A_998 : vector<128x256xf32>
    %select_n3A_1009 = arith.select %lt3A_1008, %add3A_1007, %select_n3A_998 : vector<128x256xi1>, vector<128x256xf32>
    %jit3A_1010 = arith.constant 22 : i32
    %broadcast_in_dim3A_1011 = vector.broadcast %jit3A_1010 : i32 to vector<128x256xi32>
    %select_n3A_1012 = arith.select %lt3A_1008, %broadcast_in_dim3A_1011, %select_n3A_1001 : vector<128x256xi1>, vector<128x256xi32>
    %slice3A_1013 = vector.extract_strided_slice %dot_general3A_759 {offsets = [0, 5888], sizes = [128, 256], strides = [1, 1]} : vector<128x8192xf32> to vector<128x256xf32>
    %sub3A_1014 = arith.subf %broadcast_in_dim3A_762, %slice3A_1013 : vector<128x256xf32>
    %get3A_1015 = arith.constant 0 : index
    %get3A_1016 = arith.constant 5888 : index
    %get3A_1017 = vector.load %arg6[%get3A_1015, %get3A_1016] : memref<128x8192xf32, #tpu.memory_space<vmem>>, vector<128x256xf32>
    %add3A_1018 = arith.addf %sub3A_1014, %get3A_1017 : vector<128x256xf32>
    %lt3A_1019 = arith.cmpf olt, %add3A_1018, %select_n3A_1009 : vector<128x256xf32>
    %select_n3A_1020 = arith.select %lt3A_1019, %add3A_1018, %select_n3A_1009 : vector<128x256xi1>, vector<128x256xf32>
    %jit3A_1021 = arith.constant 23 : i32
    %broadcast_in_dim3A_1022 = vector.broadcast %jit3A_1021 : i32 to vector<128x256xi32>
    %select_n3A_1023 = arith.select %lt3A_1019, %broadcast_in_dim3A_1022, %select_n3A_1012 : vector<128x256xi1>, vector<128x256xi32>
    %slice3A_1024 = vector.extract_strided_slice %dot_general3A_759 {offsets = [0, 6144], sizes = [128, 256], strides = [1, 1]} : vector<128x8192xf32> to vector<128x256xf32>
    %sub3A_1025 = arith.subf %broadcast_in_dim3A_762, %slice3A_1024 : vector<128x256xf32>
    %get3A_1026 = arith.constant 0 : index
    %get3A_1027 = arith.constant 6144 : index
    %get3A_1028 = vector.load %arg6[%get3A_1026, %get3A_1027] : memref<128x8192xf32, #tpu.memory_space<vmem>>, vector<128x256xf32>
    %add3A_1029 = arith.addf %sub3A_1025, %get3A_1028 : vector<128x256xf32>
    %lt3A_1030 = arith.cmpf olt, %add3A_1029, %select_n3A_1020 : vector<128x256xf32>
    %select_n3A_1031 = arith.select %lt3A_1030, %add3A_1029, %select_n3A_1020 : vector<128x256xi1>, vector<128x256xf32>
    %jit3A_1032 = arith.constant 24 : i32
    %broadcast_in_dim3A_1033 = vector.broadcast %jit3A_1032 : i32 to vector<128x256xi32>
    %select_n3A_1034 = arith.select %lt3A_1030, %broadcast_in_dim3A_1033, %select_n3A_1023 : vector<128x256xi1>, vector<128x256xi32>
    %slice3A_1035 = vector.extract_strided_slice %dot_general3A_759 {offsets = [0, 6400], sizes = [128, 256], strides = [1, 1]} : vector<128x8192xf32> to vector<128x256xf32>
    %sub3A_1036 = arith.subf %broadcast_in_dim3A_762, %slice3A_1035 : vector<128x256xf32>
    %get3A_1037 = arith.constant 0 : index
    %get3A_1038 = arith.constant 6400 : index
    %get3A_1039 = vector.load %arg6[%get3A_1037, %get3A_1038] : memref<128x8192xf32, #tpu.memory_space<vmem>>, vector<128x256xf32>
    %add3A_1040 = arith.addf %sub3A_1036, %get3A_1039 : vector<128x256xf32>
    %lt3A_1041 = arith.cmpf olt, %add3A_1040, %select_n3A_1031 : vector<128x256xf32>
    %select_n3A_1042 = arith.select %lt3A_1041, %add3A_1040, %select_n3A_1031 : vector<128x256xi1>, vector<128x256xf32>
    %jit3A_1043 = arith.constant 25 : i32
    %broadcast_in_dim3A_1044 = vector.broadcast %jit3A_1043 : i32 to vector<128x256xi32>
    %select_n3A_1045 = arith.select %lt3A_1041, %broadcast_in_dim3A_1044, %select_n3A_1034 : vector<128x256xi1>, vector<128x256xi32>
    %slice3A_1046 = vector.extract_strided_slice %dot_general3A_759 {offsets = [0, 6656], sizes = [128, 256], strides = [1, 1]} : vector<128x8192xf32> to vector<128x256xf32>
    %sub3A_1047 = arith.subf %broadcast_in_dim3A_762, %slice3A_1046 : vector<128x256xf32>
    %get3A_1048 = arith.constant 0 : index
    %get3A_1049 = arith.constant 6656 : index
    %get3A_1050 = vector.load %arg6[%get3A_1048, %get3A_1049] : memref<128x8192xf32, #tpu.memory_space<vmem>>, vector<128x256xf32>
    %add3A_1051 = arith.addf %sub3A_1047, %get3A_1050 : vector<128x256xf32>
    %lt3A_1052 = arith.cmpf olt, %add3A_1051, %select_n3A_1042 : vector<128x256xf32>
    %select_n3A_1053 = arith.select %lt3A_1052, %add3A_1051, %select_n3A_1042 : vector<128x256xi1>, vector<128x256xf32>
    %jit3A_1054 = arith.constant 26 : i32
    %broadcast_in_dim3A_1055 = vector.broadcast %jit3A_1054 : i32 to vector<128x256xi32>
    %select_n3A_1056 = arith.select %lt3A_1052, %broadcast_in_dim3A_1055, %select_n3A_1045 : vector<128x256xi1>, vector<128x256xi32>
    %slice3A_1057 = vector.extract_strided_slice %dot_general3A_759 {offsets = [0, 6912], sizes = [128, 256], strides = [1, 1]} : vector<128x8192xf32> to vector<128x256xf32>
    %sub3A_1058 = arith.subf %broadcast_in_dim3A_762, %slice3A_1057 : vector<128x256xf32>
    %get3A_1059 = arith.constant 0 : index
    %get3A_1060 = arith.constant 6912 : index
    %get3A_1061 = vector.load %arg6[%get3A_1059, %get3A_1060] : memref<128x8192xf32, #tpu.memory_space<vmem>>, vector<128x256xf32>
    %add3A_1062 = arith.addf %sub3A_1058, %get3A_1061 : vector<128x256xf32>
    %lt3A_1063 = arith.cmpf olt, %add3A_1062, %select_n3A_1053 : vector<128x256xf32>
    %select_n3A_1064 = arith.select %lt3A_1063, %add3A_1062, %select_n3A_1053 : vector<128x256xi1>, vector<128x256xf32>
    %jit3A_1065 = arith.constant 27 : i32
    %broadcast_in_dim3A_1066 = vector.broadcast %jit3A_1065 : i32 to vector<128x256xi32>
    %select_n3A_1067 = arith.select %lt3A_1063, %broadcast_in_dim3A_1066, %select_n3A_1056 : vector<128x256xi1>, vector<128x256xi32>
    %slice3A_1068 = vector.extract_strided_slice %dot_general3A_759 {offsets = [0, 7168], sizes = [128, 256], strides = [1, 1]} : vector<128x8192xf32> to vector<128x256xf32>
    %sub3A_1069 = arith.subf %broadcast_in_dim3A_762, %slice3A_1068 : vector<128x256xf32>
    %get3A_1070 = arith.constant 0 : index
    %get3A_1071 = arith.constant 7168 : index
    %get3A_1072 = vector.load %arg6[%get3A_1070, %get3A_1071] : memref<128x8192xf32, #tpu.memory_space<vmem>>, vector<128x256xf32>
    %add3A_1073 = arith.addf %sub3A_1069, %get3A_1072 : vector<128x256xf32>
    %lt3A_1074 = arith.cmpf olt, %add3A_1073, %select_n3A_1064 : vector<128x256xf32>
    %select_n3A_1075 = arith.select %lt3A_1074, %add3A_1073, %select_n3A_1064 : vector<128x256xi1>, vector<128x256xf32>
    %jit3A_1076 = arith.constant 28 : i32
    %broadcast_in_dim3A_1077 = vector.broadcast %jit3A_1076 : i32 to vector<128x256xi32>
    %select_n3A_1078 = arith.select %lt3A_1074, %broadcast_in_dim3A_1077, %select_n3A_1067 : vector<128x256xi1>, vector<128x256xi32>
    %slice3A_1079 = vector.extract_strided_slice %dot_general3A_759 {offsets = [0, 7424], sizes = [128, 256], strides = [1, 1]} : vector<128x8192xf32> to vector<128x256xf32>
    %sub3A_1080 = arith.subf %broadcast_in_dim3A_762, %slice3A_1079 : vector<128x256xf32>
    %get3A_1081 = arith.constant 0 : index
    %get3A_1082 = arith.constant 7424 : index
    %get3A_1083 = vector.load %arg6[%get3A_1081, %get3A_1082] : memref<128x8192xf32, #tpu.memory_space<vmem>>, vector<128x256xf32>
    %add3A_1084 = arith.addf %sub3A_1080, %get3A_1083 : vector<128x256xf32>
    %lt3A_1085 = arith.cmpf olt, %add3A_1084, %select_n3A_1075 : vector<128x256xf32>
    %select_n3A_1086 = arith.select %lt3A_1085, %add3A_1084, %select_n3A_1075 : vector<128x256xi1>, vector<128x256xf32>
    %jit3A_1087 = arith.constant 29 : i32
    %broadcast_in_dim3A_1088 = vector.broadcast %jit3A_1087 : i32 to vector<128x256xi32>
    %select_n3A_1089 = arith.select %lt3A_1085, %broadcast_in_dim3A_1088, %select_n3A_1078 : vector<128x256xi1>, vector<128x256xi32>
    %slice3A_1090 = vector.extract_strided_slice %dot_general3A_759 {offsets = [0, 7680], sizes = [128, 256], strides = [1, 1]} : vector<128x8192xf32> to vector<128x256xf32>
    %sub3A_1091 = arith.subf %broadcast_in_dim3A_762, %slice3A_1090 : vector<128x256xf32>
    %get3A_1092 = arith.constant 0 : index
    %get3A_1093 = arith.constant 7680 : index
    %get3A_1094 = vector.load %arg6[%get3A_1092, %get3A_1093] : memref<128x8192xf32, #tpu.memory_space<vmem>>, vector<128x256xf32>
    %add3A_1095 = arith.addf %sub3A_1091, %get3A_1094 : vector<128x256xf32>
    %lt3A_1096 = arith.cmpf olt, %add3A_1095, %select_n3A_1086 : vector<128x256xf32>
    %select_n3A_1097 = arith.select %lt3A_1096, %add3A_1095, %select_n3A_1086 : vector<128x256xi1>, vector<128x256xf32>
    %jit3A_1098 = arith.constant 30 : i32
    %broadcast_in_dim3A_1099 = vector.broadcast %jit3A_1098 : i32 to vector<128x256xi32>
    %select_n3A_1100 = arith.select %lt3A_1096, %broadcast_in_dim3A_1099, %select_n3A_1089 : vector<128x256xi1>, vector<128x256xi32>
    %slice3A_1101 = vector.extract_strided_slice %dot_general3A_759 {offsets = [0, 7936], sizes = [128, 256], strides = [1, 1]} : vector<128x8192xf32> to vector<128x256xf32>
    %sub3A_1102 = arith.subf %broadcast_in_dim3A_762, %slice3A_1101 : vector<128x256xf32>
    %get3A_1103 = arith.constant 0 : index
    %get3A_1104 = arith.constant 7936 : index
    %get3A_1105 = vector.load %arg6[%get3A_1103, %get3A_1104] : memref<128x8192xf32, #tpu.memory_space<vmem>>, vector<128x256xf32>
    %add3A_1106 = arith.addf %sub3A_1102, %get3A_1105 : vector<128x256xf32>
    %lt3A_1107 = arith.cmpf olt, %add3A_1106, %select_n3A_1097 : vector<128x256xf32>
    %select_n3A_1108 = arith.select %lt3A_1107, %add3A_1106, %select_n3A_1097 : vector<128x256xi1>, vector<128x256xf32>
    %jit3A_1109 = arith.constant 31 : i32
    %broadcast_in_dim3A_1110 = vector.broadcast %jit3A_1109 : i32 to vector<128x256xi32>
    %select_n3A_1111 = arith.select %lt3A_1107, %broadcast_in_dim3A_1110, %select_n3A_1100 : vector<128x256xi1>, vector<128x256xi32>
    %reduce_min3A_1112 = arith.constant dense<0x7F800000> : vector<128xf32>
    %reduce_min3A_1113 = vector.multi_reduction <minimumf>, %select_n3A_1108, %reduce_min3A_1112 [1] : vector<128x256xf32> to vector<128xf32>
    %broadcast_in_dim3A_1114 = vector.shape_cast %reduce_min3A_1113 : vector<128xf32> to vector<128x1xf32>
    %eq3A_1115 = vector.broadcast %broadcast_in_dim3A_1114 : vector<128x1xf32> to vector<128x256xf32>
    %eq3A_1116 = arith.cmpf oeq, %select_n3A_1108, %eq3A_1115 : vector<128x256xf32>
    %mul3A_1117 = arith.constant 256 : i32
    %mul3A_1118 = vector.broadcast %mul3A_1117 : i32 to vector<128x256xi32>
    %mul3A_1119 = arith.muli %select_n3A_1111, %mul3A_1118 : vector<128x256xi32>
    %add3A_1120 = arith.addi %mul3A_1119, %iota3A : vector<128x256xi32>
    %jit3A_1121 = arith.constant 16384 : i32
    %broadcast_in_dim3A_1122 = vector.broadcast %jit3A_1121 : i32 to vector<128x256xi32>
    %select_n3A_1123 = arith.select %eq3A_1116, %add3A_1120, %broadcast_in_dim3A_1122 : vector<128x256xi1>, vector<128x256xi32>
    %reduce_min3A_1124 = arith.constant dense<2147483647> : vector<128xi32>
    %reduce_min3A_1125 = vector.multi_reduction <minsi>, %select_n3A_1123, %reduce_min3A_1124 [1] : vector<128x256xi32> to vector<128xi32>
    %broadcast_in_dim3A_1126 = vector.shape_cast %reduce_min3A_1125 : vector<128xi32> to vector<128x1xi32>
    %slice3A_1127 = vector.extract_strided_slice %add3A {offsets = [384, 0], sizes = [128, 32], strides = [1, 1]} : vector<1024x32xf32> to vector<128x32xf32>
    %dot_general3A_1128 = arith.constant dense<0.000000e+00> : vector<128x8192xf32>
    %dot_general3A_1129 = tpu.matmul %slice3A_1127, %get3A_8, %dot_general3A_1128 {dimension_numbers = #tpu.dot_dimension_numbers<[1], [0], [0], [1], [0, 0, 1, 1], [], []>, transpose_lhs_hint = false} : vector<128x32xf32>, vector<32x8192xf32>, vector<128x8192xf32> -> vector<128x8192xf32>
    %slice3A_1130 = vector.extract_strided_slice %broadcast_in_dim3A {offsets = [384, 0], sizes = [128, 1], strides = [1, 1]} : vector<1024x1xf32> to vector<128x1xf32>
    %broadcast_in_dim3A_1131 = vector.shape_cast %slice3A_1130 : vector<128x1xf32> to vector<128x1xf32>
    %broadcast_in_dim3A_1132 = vector.broadcast %broadcast_in_dim3A_1131 : vector<128x1xf32> to vector<128x256xf32>
    %slice3A_1133 = vector.extract_strided_slice %dot_general3A_1129 {offsets = [0, 0], sizes = [128, 256], strides = [1, 1]} : vector<128x8192xf32> to vector<128x256xf32>
    %sub3A_1134 = arith.subf %broadcast_in_dim3A_1132, %slice3A_1133 : vector<128x256xf32>
    %get3A_1135 = arith.constant 0 : index
    %get3A_1136 = arith.constant 0 : index
    %get3A_1137 = vector.load %arg6[%get3A_1135, %get3A_1136] : memref<128x8192xf32, #tpu.memory_space<vmem>>, vector<128x256xf32>
    %add3A_1138 = arith.addf %sub3A_1134, %get3A_1137 : vector<128x256xf32>
    %broadcast_in_dim3A_1139 = arith.constant 0 : i32
    %broadcast_in_dim3A_1140 = vector.broadcast %broadcast_in_dim3A_1139 : i32 to vector<128x256xi32>
    %slice3A_1141 = vector.extract_strided_slice %dot_general3A_1129 {offsets = [0, 256], sizes = [128, 256], strides = [1, 1]} : vector<128x8192xf32> to vector<128x256xf32>
    %sub3A_1142 = arith.subf %broadcast_in_dim3A_1132, %slice3A_1141 : vector<128x256xf32>
    %get3A_1143 = arith.constant 0 : index
    %get3A_1144 = arith.constant 256 : index
    %get3A_1145 = vector.load %arg6[%get3A_1143, %get3A_1144] : memref<128x8192xf32, #tpu.memory_space<vmem>>, vector<128x256xf32>
    %add3A_1146 = arith.addf %sub3A_1142, %get3A_1145 : vector<128x256xf32>
    %lt3A_1147 = arith.cmpf olt, %add3A_1146, %add3A_1138 : vector<128x256xf32>
    %select_n3A_1148 = arith.select %lt3A_1147, %add3A_1146, %add3A_1138 : vector<128x256xi1>, vector<128x256xf32>
    %jit3A_1149 = arith.constant 1 : i32
    %broadcast_in_dim3A_1150 = vector.broadcast %jit3A_1149 : i32 to vector<128x256xi32>
    %select_n3A_1151 = arith.select %lt3A_1147, %broadcast_in_dim3A_1150, %broadcast_in_dim3A_1140 : vector<128x256xi1>, vector<128x256xi32>
    %slice3A_1152 = vector.extract_strided_slice %dot_general3A_1129 {offsets = [0, 512], sizes = [128, 256], strides = [1, 1]} : vector<128x8192xf32> to vector<128x256xf32>
    %sub3A_1153 = arith.subf %broadcast_in_dim3A_1132, %slice3A_1152 : vector<128x256xf32>
    %get3A_1154 = arith.constant 0 : index
    %get3A_1155 = arith.constant 512 : index
    %get3A_1156 = vector.load %arg6[%get3A_1154, %get3A_1155] : memref<128x8192xf32, #tpu.memory_space<vmem>>, vector<128x256xf32>
    %add3A_1157 = arith.addf %sub3A_1153, %get3A_1156 : vector<128x256xf32>
    %lt3A_1158 = arith.cmpf olt, %add3A_1157, %select_n3A_1148 : vector<128x256xf32>
    %select_n3A_1159 = arith.select %lt3A_1158, %add3A_1157, %select_n3A_1148 : vector<128x256xi1>, vector<128x256xf32>
    %jit3A_1160 = arith.constant 2 : i32
    %broadcast_in_dim3A_1161 = vector.broadcast %jit3A_1160 : i32 to vector<128x256xi32>
    %select_n3A_1162 = arith.select %lt3A_1158, %broadcast_in_dim3A_1161, %select_n3A_1151 : vector<128x256xi1>, vector<128x256xi32>
    %slice3A_1163 = vector.extract_strided_slice %dot_general3A_1129 {offsets = [0, 768], sizes = [128, 256], strides = [1, 1]} : vector<128x8192xf32> to vector<128x256xf32>
    %sub3A_1164 = arith.subf %broadcast_in_dim3A_1132, %slice3A_1163 : vector<128x256xf32>
    %get3A_1165 = arith.constant 0 : index
    %get3A_1166 = arith.constant 768 : index
    %get3A_1167 = vector.load %arg6[%get3A_1165, %get3A_1166] : memref<128x8192xf32, #tpu.memory_space<vmem>>, vector<128x256xf32>
    %add3A_1168 = arith.addf %sub3A_1164, %get3A_1167 : vector<128x256xf32>
    %lt3A_1169 = arith.cmpf olt, %add3A_1168, %select_n3A_1159 : vector<128x256xf32>
    %select_n3A_1170 = arith.select %lt3A_1169, %add3A_1168, %select_n3A_1159 : vector<128x256xi1>, vector<128x256xf32>
    %jit3A_1171 = arith.constant 3 : i32
    %broadcast_in_dim3A_1172 = vector.broadcast %jit3A_1171 : i32 to vector<128x256xi32>
    %select_n3A_1173 = arith.select %lt3A_1169, %broadcast_in_dim3A_1172, %select_n3A_1162 : vector<128x256xi1>, vector<128x256xi32>
    %slice3A_1174 = vector.extract_strided_slice %dot_general3A_1129 {offsets = [0, 1024], sizes = [128, 256], strides = [1, 1]} : vector<128x8192xf32> to vector<128x256xf32>
    %sub3A_1175 = arith.subf %broadcast_in_dim3A_1132, %slice3A_1174 : vector<128x256xf32>
    %get3A_1176 = arith.constant 0 : index
    %get3A_1177 = arith.constant 1024 : index
    %get3A_1178 = vector.load %arg6[%get3A_1176, %get3A_1177] : memref<128x8192xf32, #tpu.memory_space<vmem>>, vector<128x256xf32>
    %add3A_1179 = arith.addf %sub3A_1175, %get3A_1178 : vector<128x256xf32>
    %lt3A_1180 = arith.cmpf olt, %add3A_1179, %select_n3A_1170 : vector<128x256xf32>
    %select_n3A_1181 = arith.select %lt3A_1180, %add3A_1179, %select_n3A_1170 : vector<128x256xi1>, vector<128x256xf32>
    %jit3A_1182 = arith.constant 4 : i32
    %broadcast_in_dim3A_1183 = vector.broadcast %jit3A_1182 : i32 to vector<128x256xi32>
    %select_n3A_1184 = arith.select %lt3A_1180, %broadcast_in_dim3A_1183, %select_n3A_1173 : vector<128x256xi1>, vector<128x256xi32>
    %slice3A_1185 = vector.extract_strided_slice %dot_general3A_1129 {offsets = [0, 1280], sizes = [128, 256], strides = [1, 1]} : vector<128x8192xf32> to vector<128x256xf32>
    %sub3A_1186 = arith.subf %broadcast_in_dim3A_1132, %slice3A_1185 : vector<128x256xf32>
    %get3A_1187 = arith.constant 0 : index
    %get3A_1188 = arith.constant 1280 : index
    %get3A_1189 = vector.load %arg6[%get3A_1187, %get3A_1188] : memref<128x8192xf32, #tpu.memory_space<vmem>>, vector<128x256xf32>
    %add3A_1190 = arith.addf %sub3A_1186, %get3A_1189 : vector<128x256xf32>
    %lt3A_1191 = arith.cmpf olt, %add3A_1190, %select_n3A_1181 : vector<128x256xf32>
    %select_n3A_1192 = arith.select %lt3A_1191, %add3A_1190, %select_n3A_1181 : vector<128x256xi1>, vector<128x256xf32>
    %jit3A_1193 = arith.constant 5 : i32
    %broadcast_in_dim3A_1194 = vector.broadcast %jit3A_1193 : i32 to vector<128x256xi32>
    %select_n3A_1195 = arith.select %lt3A_1191, %broadcast_in_dim3A_1194, %select_n3A_1184 : vector<128x256xi1>, vector<128x256xi32>
    %slice3A_1196 = vector.extract_strided_slice %dot_general3A_1129 {offsets = [0, 1536], sizes = [128, 256], strides = [1, 1]} : vector<128x8192xf32> to vector<128x256xf32>
    %sub3A_1197 = arith.subf %broadcast_in_dim3A_1132, %slice3A_1196 : vector<128x256xf32>
    %get3A_1198 = arith.constant 0 : index
    %get3A_1199 = arith.constant 1536 : index
    %get3A_1200 = vector.load %arg6[%get3A_1198, %get3A_1199] : memref<128x8192xf32, #tpu.memory_space<vmem>>, vector<128x256xf32>
    %add3A_1201 = arith.addf %sub3A_1197, %get3A_1200 : vector<128x256xf32>
    %lt3A_1202 = arith.cmpf olt, %add3A_1201, %select_n3A_1192 : vector<128x256xf32>
    %select_n3A_1203 = arith.select %lt3A_1202, %add3A_1201, %select_n3A_1192 : vector<128x256xi1>, vector<128x256xf32>
    %jit3A_1204 = arith.constant 6 : i32
    %broadcast_in_dim3A_1205 = vector.broadcast %jit3A_1204 : i32 to vector<128x256xi32>
    %select_n3A_1206 = arith.select %lt3A_1202, %broadcast_in_dim3A_1205, %select_n3A_1195 : vector<128x256xi1>, vector<128x256xi32>
    %slice3A_1207 = vector.extract_strided_slice %dot_general3A_1129 {offsets = [0, 1792], sizes = [128, 256], strides = [1, 1]} : vector<128x8192xf32> to vector<128x256xf32>
    %sub3A_1208 = arith.subf %broadcast_in_dim3A_1132, %slice3A_1207 : vector<128x256xf32>
    %get3A_1209 = arith.constant 0 : index
    %get3A_1210 = arith.constant 1792 : index
    %get3A_1211 = vector.load %arg6[%get3A_1209, %get3A_1210] : memref<128x8192xf32, #tpu.memory_space<vmem>>, vector<128x256xf32>
    %add3A_1212 = arith.addf %sub3A_1208, %get3A_1211 : vector<128x256xf32>
    %lt3A_1213 = arith.cmpf olt, %add3A_1212, %select_n3A_1203 : vector<128x256xf32>
    %select_n3A_1214 = arith.select %lt3A_1213, %add3A_1212, %select_n3A_1203 : vector<128x256xi1>, vector<128x256xf32>
    %jit3A_1215 = arith.constant 7 : i32
    %broadcast_in_dim3A_1216 = vector.broadcast %jit3A_1215 : i32 to vector<128x256xi32>
    %select_n3A_1217 = arith.select %lt3A_1213, %broadcast_in_dim3A_1216, %select_n3A_1206 : vector<128x256xi1>, vector<128x256xi32>
    %slice3A_1218 = vector.extract_strided_slice %dot_general3A_1129 {offsets = [0, 2048], sizes = [128, 256], strides = [1, 1]} : vector<128x8192xf32> to vector<128x256xf32>
    %sub3A_1219 = arith.subf %broadcast_in_dim3A_1132, %slice3A_1218 : vector<128x256xf32>
    %get3A_1220 = arith.constant 0 : index
    %get3A_1221 = arith.constant 2048 : index
    %get3A_1222 = vector.load %arg6[%get3A_1220, %get3A_1221] : memref<128x8192xf32, #tpu.memory_space<vmem>>, vector<128x256xf32>
    %add3A_1223 = arith.addf %sub3A_1219, %get3A_1222 : vector<128x256xf32>
    %lt3A_1224 = arith.cmpf olt, %add3A_1223, %select_n3A_1214 : vector<128x256xf32>
    %select_n3A_1225 = arith.select %lt3A_1224, %add3A_1223, %select_n3A_1214 : vector<128x256xi1>, vector<128x256xf32>
    %jit3A_1226 = arith.constant 8 : i32
    %broadcast_in_dim3A_1227 = vector.broadcast %jit3A_1226 : i32 to vector<128x256xi32>
    %select_n3A_1228 = arith.select %lt3A_1224, %broadcast_in_dim3A_1227, %select_n3A_1217 : vector<128x256xi1>, vector<128x256xi32>
    %slice3A_1229 = vector.extract_strided_slice %dot_general3A_1129 {offsets = [0, 2304], sizes = [128, 256], strides = [1, 1]} : vector<128x8192xf32> to vector<128x256xf32>
    %sub3A_1230 = arith.subf %broadcast_in_dim3A_1132, %slice3A_1229 : vector<128x256xf32>
    %get3A_1231 = arith.constant 0 : index
    %get3A_1232 = arith.constant 2304 : index
    %get3A_1233 = vector.load %arg6[%get3A_1231, %get3A_1232] : memref<128x8192xf32, #tpu.memory_space<vmem>>, vector<128x256xf32>
    %add3A_1234 = arith.addf %sub3A_1230, %get3A_1233 : vector<128x256xf32>
    %lt3A_1235 = arith.cmpf olt, %add3A_1234, %select_n3A_1225 : vector<128x256xf32>
    %select_n3A_1236 = arith.select %lt3A_1235, %add3A_1234, %select_n3A_1225 : vector<128x256xi1>, vector<128x256xf32>
    %jit3A_1237 = arith.constant 9 : i32
    %broadcast_in_dim3A_1238 = vector.broadcast %jit3A_1237 : i32 to vector<128x256xi32>
    %select_n3A_1239 = arith.select %lt3A_1235, %broadcast_in_dim3A_1238, %select_n3A_1228 : vector<128x256xi1>, vector<128x256xi32>
    %slice3A_1240 = vector.extract_strided_slice %dot_general3A_1129 {offsets = [0, 2560], sizes = [128, 256], strides = [1, 1]} : vector<128x8192xf32> to vector<128x256xf32>
    %sub3A_1241 = arith.subf %broadcast_in_dim3A_1132, %slice3A_1240 : vector<128x256xf32>
    %get3A_1242 = arith.constant 0 : index
    %get3A_1243 = arith.constant 2560 : index
    %get3A_1244 = vector.load %arg6[%get3A_1242, %get3A_1243] : memref<128x8192xf32, #tpu.memory_space<vmem>>, vector<128x256xf32>
    %add3A_1245 = arith.addf %sub3A_1241, %get3A_1244 : vector<128x256xf32>
    %lt3A_1246 = arith.cmpf olt, %add3A_1245, %select_n3A_1236 : vector<128x256xf32>
    %select_n3A_1247 = arith.select %lt3A_1246, %add3A_1245, %select_n3A_1236 : vector<128x256xi1>, vector<128x256xf32>
    %jit3A_1248 = arith.constant 10 : i32
    %broadcast_in_dim3A_1249 = vector.broadcast %jit3A_1248 : i32 to vector<128x256xi32>
    %select_n3A_1250 = arith.select %lt3A_1246, %broadcast_in_dim3A_1249, %select_n3A_1239 : vector<128x256xi1>, vector<128x256xi32>
    %slice3A_1251 = vector.extract_strided_slice %dot_general3A_1129 {offsets = [0, 2816], sizes = [128, 256], strides = [1, 1]} : vector<128x8192xf32> to vector<128x256xf32>
    %sub3A_1252 = arith.subf %broadcast_in_dim3A_1132, %slice3A_1251 : vector<128x256xf32>
    %get3A_1253 = arith.constant 0 : index
    %get3A_1254 = arith.constant 2816 : index
    %get3A_1255 = vector.load %arg6[%get3A_1253, %get3A_1254] : memref<128x8192xf32, #tpu.memory_space<vmem>>, vector<128x256xf32>
    %add3A_1256 = arith.addf %sub3A_1252, %get3A_1255 : vector<128x256xf32>
    %lt3A_1257 = arith.cmpf olt, %add3A_1256, %select_n3A_1247 : vector<128x256xf32>
    %select_n3A_1258 = arith.select %lt3A_1257, %add3A_1256, %select_n3A_1247 : vector<128x256xi1>, vector<128x256xf32>
    %jit3A_1259 = arith.constant 11 : i32
    %broadcast_in_dim3A_1260 = vector.broadcast %jit3A_1259 : i32 to vector<128x256xi32>
    %select_n3A_1261 = arith.select %lt3A_1257, %broadcast_in_dim3A_1260, %select_n3A_1250 : vector<128x256xi1>, vector<128x256xi32>
    %slice3A_1262 = vector.extract_strided_slice %dot_general3A_1129 {offsets = [0, 3072], sizes = [128, 256], strides = [1, 1]} : vector<128x8192xf32> to vector<128x256xf32>
    %sub3A_1263 = arith.subf %broadcast_in_dim3A_1132, %slice3A_1262 : vector<128x256xf32>
    %get3A_1264 = arith.constant 0 : index
    %get3A_1265 = arith.constant 3072 : index
    %get3A_1266 = vector.load %arg6[%get3A_1264, %get3A_1265] : memref<128x8192xf32, #tpu.memory_space<vmem>>, vector<128x256xf32>
    %add3A_1267 = arith.addf %sub3A_1263, %get3A_1266 : vector<128x256xf32>
    %lt3A_1268 = arith.cmpf olt, %add3A_1267, %select_n3A_1258 : vector<128x256xf32>
    %select_n3A_1269 = arith.select %lt3A_1268, %add3A_1267, %select_n3A_1258 : vector<128x256xi1>, vector<128x256xf32>
    %jit3A_1270 = arith.constant 12 : i32
    %broadcast_in_dim3A_1271 = vector.broadcast %jit3A_1270 : i32 to vector<128x256xi32>
    %select_n3A_1272 = arith.select %lt3A_1268, %broadcast_in_dim3A_1271, %select_n3A_1261 : vector<128x256xi1>, vector<128x256xi32>
    %slice3A_1273 = vector.extract_strided_slice %dot_general3A_1129 {offsets = [0, 3328], sizes = [128, 256], strides = [1, 1]} : vector<128x8192xf32> to vector<128x256xf32>
    %sub3A_1274 = arith.subf %broadcast_in_dim3A_1132, %slice3A_1273 : vector<128x256xf32>
    %get3A_1275 = arith.constant 0 : index
    %get3A_1276 = arith.constant 3328 : index
    %get3A_1277 = vector.load %arg6[%get3A_1275, %get3A_1276] : memref<128x8192xf32, #tpu.memory_space<vmem>>, vector<128x256xf32>
    %add3A_1278 = arith.addf %sub3A_1274, %get3A_1277 : vector<128x256xf32>
    %lt3A_1279 = arith.cmpf olt, %add3A_1278, %select_n3A_1269 : vector<128x256xf32>
    %select_n3A_1280 = arith.select %lt3A_1279, %add3A_1278, %select_n3A_1269 : vector<128x256xi1>, vector<128x256xf32>
    %jit3A_1281 = arith.constant 13 : i32
    %broadcast_in_dim3A_1282 = vector.broadcast %jit3A_1281 : i32 to vector<128x256xi32>
    %select_n3A_1283 = arith.select %lt3A_1279, %broadcast_in_dim3A_1282, %select_n3A_1272 : vector<128x256xi1>, vector<128x256xi32>
    %slice3A_1284 = vector.extract_strided_slice %dot_general3A_1129 {offsets = [0, 3584], sizes = [128, 256], strides = [1, 1]} : vector<128x8192xf32> to vector<128x256xf32>
    %sub3A_1285 = arith.subf %broadcast_in_dim3A_1132, %slice3A_1284 : vector<128x256xf32>
    %get3A_1286 = arith.constant 0 : index
    %get3A_1287 = arith.constant 3584 : index
    %get3A_1288 = vector.load %arg6[%get3A_1286, %get3A_1287] : memref<128x8192xf32, #tpu.memory_space<vmem>>, vector<128x256xf32>
    %add3A_1289 = arith.addf %sub3A_1285, %get3A_1288 : vector<128x256xf32>
    %lt3A_1290 = arith.cmpf olt, %add3A_1289, %select_n3A_1280 : vector<128x256xf32>
    %select_n3A_1291 = arith.select %lt3A_1290, %add3A_1289, %select_n3A_1280 : vector<128x256xi1>, vector<128x256xf32>
    %jit3A_1292 = arith.constant 14 : i32
    %broadcast_in_dim3A_1293 = vector.broadcast %jit3A_1292 : i32 to vector<128x256xi32>
    %select_n3A_1294 = arith.select %lt3A_1290, %broadcast_in_dim3A_1293, %select_n3A_1283 : vector<128x256xi1>, vector<128x256xi32>
    %slice3A_1295 = vector.extract_strided_slice %dot_general3A_1129 {offsets = [0, 3840], sizes = [128, 256], strides = [1, 1]} : vector<128x8192xf32> to vector<128x256xf32>
    %sub3A_1296 = arith.subf %broadcast_in_dim3A_1132, %slice3A_1295 : vector<128x256xf32>
    %get3A_1297 = arith.constant 0 : index
    %get3A_1298 = arith.constant 3840 : index
    %get3A_1299 = vector.load %arg6[%get3A_1297, %get3A_1298] : memref<128x8192xf32, #tpu.memory_space<vmem>>, vector<128x256xf32>
    %add3A_1300 = arith.addf %sub3A_1296, %get3A_1299 : vector<128x256xf32>
    %lt3A_1301 = arith.cmpf olt, %add3A_1300, %select_n3A_1291 : vector<128x256xf32>
    %select_n3A_1302 = arith.select %lt3A_1301, %add3A_1300, %select_n3A_1291 : vector<128x256xi1>, vector<128x256xf32>
    %jit3A_1303 = arith.constant 15 : i32
    %broadcast_in_dim3A_1304 = vector.broadcast %jit3A_1303 : i32 to vector<128x256xi32>
    %select_n3A_1305 = arith.select %lt3A_1301, %broadcast_in_dim3A_1304, %select_n3A_1294 : vector<128x256xi1>, vector<128x256xi32>
    %slice3A_1306 = vector.extract_strided_slice %dot_general3A_1129 {offsets = [0, 4096], sizes = [128, 256], strides = [1, 1]} : vector<128x8192xf32> to vector<128x256xf32>
    %sub3A_1307 = arith.subf %broadcast_in_dim3A_1132, %slice3A_1306 : vector<128x256xf32>
    %get3A_1308 = arith.constant 0 : index
    %get3A_1309 = arith.constant 4096 : index
    %get3A_1310 = vector.load %arg6[%get3A_1308, %get3A_1309] : memref<128x8192xf32, #tpu.memory_space<vmem>>, vector<128x256xf32>
    %add3A_1311 = arith.addf %sub3A_1307, %get3A_1310 : vector<128x256xf32>
    %lt3A_1312 = arith.cmpf olt, %add3A_1311, %select_n3A_1302 : vector<128x256xf32>
    %select_n3A_1313 = arith.select %lt3A_1312, %add3A_1311, %select_n3A_1302 : vector<128x256xi1>, vector<128x256xf32>
    %jit3A_1314 = arith.constant 16 : i32
    %broadcast_in_dim3A_1315 = vector.broadcast %jit3A_1314 : i32 to vector<128x256xi32>
    %select_n3A_1316 = arith.select %lt3A_1312, %broadcast_in_dim3A_1315, %select_n3A_1305 : vector<128x256xi1>, vector<128x256xi32>
    %slice3A_1317 = vector.extract_strided_slice %dot_general3A_1129 {offsets = [0, 4352], sizes = [128, 256], strides = [1, 1]} : vector<128x8192xf32> to vector<128x256xf32>
    %sub3A_1318 = arith.subf %broadcast_in_dim3A_1132, %slice3A_1317 : vector<128x256xf32>
    %get3A_1319 = arith.constant 0 : index
    %get3A_1320 = arith.constant 4352 : index
    %get3A_1321 = vector.load %arg6[%get3A_1319, %get3A_1320] : memref<128x8192xf32, #tpu.memory_space<vmem>>, vector<128x256xf32>
    %add3A_1322 = arith.addf %sub3A_1318, %get3A_1321 : vector<128x256xf32>
    %lt3A_1323 = arith.cmpf olt, %add3A_1322, %select_n3A_1313 : vector<128x256xf32>
    %select_n3A_1324 = arith.select %lt3A_1323, %add3A_1322, %select_n3A_1313 : vector<128x256xi1>, vector<128x256xf32>
    %jit3A_1325 = arith.constant 17 : i32
    %broadcast_in_dim3A_1326 = vector.broadcast %jit3A_1325 : i32 to vector<128x256xi32>
    %select_n3A_1327 = arith.select %lt3A_1323, %broadcast_in_dim3A_1326, %select_n3A_1316 : vector<128x256xi1>, vector<128x256xi32>
    %slice3A_1328 = vector.extract_strided_slice %dot_general3A_1129 {offsets = [0, 4608], sizes = [128, 256], strides = [1, 1]} : vector<128x8192xf32> to vector<128x256xf32>
    %sub3A_1329 = arith.subf %broadcast_in_dim3A_1132, %slice3A_1328 : vector<128x256xf32>
    %get3A_1330 = arith.constant 0 : index
    %get3A_1331 = arith.constant 4608 : index
    %get3A_1332 = vector.load %arg6[%get3A_1330, %get3A_1331] : memref<128x8192xf32, #tpu.memory_space<vmem>>, vector<128x256xf32>
    %add3A_1333 = arith.addf %sub3A_1329, %get3A_1332 : vector<128x256xf32>
    %lt3A_1334 = arith.cmpf olt, %add3A_1333, %select_n3A_1324 : vector<128x256xf32>
    %select_n3A_1335 = arith.select %lt3A_1334, %add3A_1333, %select_n3A_1324 : vector<128x256xi1>, vector<128x256xf32>
    %jit3A_1336 = arith.constant 18 : i32
    %broadcast_in_dim3A_1337 = vector.broadcast %jit3A_1336 : i32 to vector<128x256xi32>
    %select_n3A_1338 = arith.select %lt3A_1334, %broadcast_in_dim3A_1337, %select_n3A_1327 : vector<128x256xi1>, vector<128x256xi32>
    %slice3A_1339 = vector.extract_strided_slice %dot_general3A_1129 {offsets = [0, 4864], sizes = [128, 256], strides = [1, 1]} : vector<128x8192xf32> to vector<128x256xf32>
    %sub3A_1340 = arith.subf %broadcast_in_dim3A_1132, %slice3A_1339 : vector<128x256xf32>
    %get3A_1341 = arith.constant 0 : index
    %get3A_1342 = arith.constant 4864 : index
    %get3A_1343 = vector.load %arg6[%get3A_1341, %get3A_1342] : memref<128x8192xf32, #tpu.memory_space<vmem>>, vector<128x256xf32>
    %add3A_1344 = arith.addf %sub3A_1340, %get3A_1343 : vector<128x256xf32>
    %lt3A_1345 = arith.cmpf olt, %add3A_1344, %select_n3A_1335 : vector<128x256xf32>
    %select_n3A_1346 = arith.select %lt3A_1345, %add3A_1344, %select_n3A_1335 : vector<128x256xi1>, vector<128x256xf32>
    %jit3A_1347 = arith.constant 19 : i32
    %broadcast_in_dim3A_1348 = vector.broadcast %jit3A_1347 : i32 to vector<128x256xi32>
    %select_n3A_1349 = arith.select %lt3A_1345, %broadcast_in_dim3A_1348, %select_n3A_1338 : vector<128x256xi1>, vector<128x256xi32>
    %slice3A_1350 = vector.extract_strided_slice %dot_general3A_1129 {offsets = [0, 5120], sizes = [128, 256], strides = [1, 1]} : vector<128x8192xf32> to vector<128x256xf32>
    %sub3A_1351 = arith.subf %broadcast_in_dim3A_1132, %slice3A_1350 : vector<128x256xf32>
    %get3A_1352 = arith.constant 0 : index
    %get3A_1353 = arith.constant 5120 : index
    %get3A_1354 = vector.load %arg6[%get3A_1352, %get3A_1353] : memref<128x8192xf32, #tpu.memory_space<vmem>>, vector<128x256xf32>
    %add3A_1355 = arith.addf %sub3A_1351, %get3A_1354 : vector<128x256xf32>
    %lt3A_1356 = arith.cmpf olt, %add3A_1355, %select_n3A_1346 : vector<128x256xf32>
    %select_n3A_1357 = arith.select %lt3A_1356, %add3A_1355, %select_n3A_1346 : vector<128x256xi1>, vector<128x256xf32>
    %jit3A_1358 = arith.constant 20 : i32
    %broadcast_in_dim3A_1359 = vector.broadcast %jit3A_1358 : i32 to vector<128x256xi32>
    %select_n3A_1360 = arith.select %lt3A_1356, %broadcast_in_dim3A_1359, %select_n3A_1349 : vector<128x256xi1>, vector<128x256xi32>
    %slice3A_1361 = vector.extract_strided_slice %dot_general3A_1129 {offsets = [0, 5376], sizes = [128, 256], strides = [1, 1]} : vector<128x8192xf32> to vector<128x256xf32>
    %sub3A_1362 = arith.subf %broadcast_in_dim3A_1132, %slice3A_1361 : vector<128x256xf32>
    %get3A_1363 = arith.constant 0 : index
    %get3A_1364 = arith.constant 5376 : index
    %get3A_1365 = vector.load %arg6[%get3A_1363, %get3A_1364] : memref<128x8192xf32, #tpu.memory_space<vmem>>, vector<128x256xf32>
    %add3A_1366 = arith.addf %sub3A_1362, %get3A_1365 : vector<128x256xf32>
    %lt3A_1367 = arith.cmpf olt, %add3A_1366, %select_n3A_1357 : vector<128x256xf32>
    %select_n3A_1368 = arith.select %lt3A_1367, %add3A_1366, %select_n3A_1357 : vector<128x256xi1>, vector<128x256xf32>
    %jit3A_1369 = arith.constant 21 : i32
    %broadcast_in_dim3A_1370 = vector.broadcast %jit3A_1369 : i32 to vector<128x256xi32>
    %select_n3A_1371 = arith.select %lt3A_1367, %broadcast_in_dim3A_1370, %select_n3A_1360 : vector<128x256xi1>, vector<128x256xi32>
    %slice3A_1372 = vector.extract_strided_slice %dot_general3A_1129 {offsets = [0, 5632], sizes = [128, 256], strides = [1, 1]} : vector<128x8192xf32> to vector<128x256xf32>
    %sub3A_1373 = arith.subf %broadcast_in_dim3A_1132, %slice3A_1372 : vector<128x256xf32>
    %get3A_1374 = arith.constant 0 : index
    %get3A_1375 = arith.constant 5632 : index
    %get3A_1376 = vector.load %arg6[%get3A_1374, %get3A_1375] : memref<128x8192xf32, #tpu.memory_space<vmem>>, vector<128x256xf32>
    %add3A_1377 = arith.addf %sub3A_1373, %get3A_1376 : vector<128x256xf32>
    %lt3A_1378 = arith.cmpf olt, %add3A_1377, %select_n3A_1368 : vector<128x256xf32>
    %select_n3A_1379 = arith.select %lt3A_1378, %add3A_1377, %select_n3A_1368 : vector<128x256xi1>, vector<128x256xf32>
    %jit3A_1380 = arith.constant 22 : i32
    %broadcast_in_dim3A_1381 = vector.broadcast %jit3A_1380 : i32 to vector<128x256xi32>
    %select_n3A_1382 = arith.select %lt3A_1378, %broadcast_in_dim3A_1381, %select_n3A_1371 : vector<128x256xi1>, vector<128x256xi32>
    %slice3A_1383 = vector.extract_strided_slice %dot_general3A_1129 {offsets = [0, 5888], sizes = [128, 256], strides = [1, 1]} : vector<128x8192xf32> to vector<128x256xf32>
    %sub3A_1384 = arith.subf %broadcast_in_dim3A_1132, %slice3A_1383 : vector<128x256xf32>
    %get3A_1385 = arith.constant 0 : index
    %get3A_1386 = arith.constant 5888 : index
    %get3A_1387 = vector.load %arg6[%get3A_1385, %get3A_1386] : memref<128x8192xf32, #tpu.memory_space<vmem>>, vector<128x256xf32>
    %add3A_1388 = arith.addf %sub3A_1384, %get3A_1387 : vector<128x256xf32>
    %lt3A_1389 = arith.cmpf olt, %add3A_1388, %select_n3A_1379 : vector<128x256xf32>
    %select_n3A_1390 = arith.select %lt3A_1389, %add3A_1388, %select_n3A_1379 : vector<128x256xi1>, vector<128x256xf32>
    %jit3A_1391 = arith.constant 23 : i32
    %broadcast_in_dim3A_1392 = vector.broadcast %jit3A_1391 : i32 to vector<128x256xi32>
    %select_n3A_1393 = arith.select %lt3A_1389, %broadcast_in_dim3A_1392, %select_n3A_1382 : vector<128x256xi1>, vector<128x256xi32>
    %slice3A_1394 = vector.extract_strided_slice %dot_general3A_1129 {offsets = [0, 6144], sizes = [128, 256], strides = [1, 1]} : vector<128x8192xf32> to vector<128x256xf32>
    %sub3A_1395 = arith.subf %broadcast_in_dim3A_1132, %slice3A_1394 : vector<128x256xf32>
    %get3A_1396 = arith.constant 0 : index
    %get3A_1397 = arith.constant 6144 : index
    %get3A_1398 = vector.load %arg6[%get3A_1396, %get3A_1397] : memref<128x8192xf32, #tpu.memory_space<vmem>>, vector<128x256xf32>
    %add3A_1399 = arith.addf %sub3A_1395, %get3A_1398 : vector<128x256xf32>
    %lt3A_1400 = arith.cmpf olt, %add3A_1399, %select_n3A_1390 : vector<128x256xf32>
    %select_n3A_1401 = arith.select %lt3A_1400, %add3A_1399, %select_n3A_1390 : vector<128x256xi1>, vector<128x256xf32>
    %jit3A_1402 = arith.constant 24 : i32
    %broadcast_in_dim3A_1403 = vector.broadcast %jit3A_1402 : i32 to vector<128x256xi32>
    %select_n3A_1404 = arith.select %lt3A_1400, %broadcast_in_dim3A_1403, %select_n3A_1393 : vector<128x256xi1>, vector<128x256xi32>
    %slice3A_1405 = vector.extract_strided_slice %dot_general3A_1129 {offsets = [0, 6400], sizes = [128, 256], strides = [1, 1]} : vector<128x8192xf32> to vector<128x256xf32>
    %sub3A_1406 = arith.subf %broadcast_in_dim3A_1132, %slice3A_1405 : vector<128x256xf32>
    %get3A_1407 = arith.constant 0 : index
    %get3A_1408 = arith.constant 6400 : index
    %get3A_1409 = vector.load %arg6[%get3A_1407, %get3A_1408] : memref<128x8192xf32, #tpu.memory_space<vmem>>, vector<128x256xf32>
    %add3A_1410 = arith.addf %sub3A_1406, %get3A_1409 : vector<128x256xf32>
    %lt3A_1411 = arith.cmpf olt, %add3A_1410, %select_n3A_1401 : vector<128x256xf32>
    %select_n3A_1412 = arith.select %lt3A_1411, %add3A_1410, %select_n3A_1401 : vector<128x256xi1>, vector<128x256xf32>
    %jit3A_1413 = arith.constant 25 : i32
    %broadcast_in_dim3A_1414 = vector.broadcast %jit3A_1413 : i32 to vector<128x256xi32>
    %select_n3A_1415 = arith.select %lt3A_1411, %broadcast_in_dim3A_1414, %select_n3A_1404 : vector<128x256xi1>, vector<128x256xi32>
    %slice3A_1416 = vector.extract_strided_slice %dot_general3A_1129 {offsets = [0, 6656], sizes = [128, 256], strides = [1, 1]} : vector<128x8192xf32> to vector<128x256xf32>
    %sub3A_1417 = arith.subf %broadcast_in_dim3A_1132, %slice3A_1416 : vector<128x256xf32>
    %get3A_1418 = arith.constant 0 : index
    %get3A_1419 = arith.constant 6656 : index
    %get3A_1420 = vector.load %arg6[%get3A_1418, %get3A_1419] : memref<128x8192xf32, #tpu.memory_space<vmem>>, vector<128x256xf32>
    %add3A_1421 = arith.addf %sub3A_1417, %get3A_1420 : vector<128x256xf32>
    %lt3A_1422 = arith.cmpf olt, %add3A_1421, %select_n3A_1412 : vector<128x256xf32>
    %select_n3A_1423 = arith.select %lt3A_1422, %add3A_1421, %select_n3A_1412 : vector<128x256xi1>, vector<128x256xf32>
    %jit3A_1424 = arith.constant 26 : i32
    %broadcast_in_dim3A_1425 = vector.broadcast %jit3A_1424 : i32 to vector<128x256xi32>
    %select_n3A_1426 = arith.select %lt3A_1422, %broadcast_in_dim3A_1425, %select_n3A_1415 : vector<128x256xi1>, vector<128x256xi32>
    %slice3A_1427 = vector.extract_strided_slice %dot_general3A_1129 {offsets = [0, 6912], sizes = [128, 256], strides = [1, 1]} : vector<128x8192xf32> to vector<128x256xf32>
    %sub3A_1428 = arith.subf %broadcast_in_dim3A_1132, %slice3A_1427 : vector<128x256xf32>
    %get3A_1429 = arith.constant 0 : index
    %get3A_1430 = arith.constant 6912 : index
    %get3A_1431 = vector.load %arg6[%get3A_1429, %get3A_1430] : memref<128x8192xf32, #tpu.memory_space<vmem>>, vector<128x256xf32>
    %add3A_1432 = arith.addf %sub3A_1428, %get3A_1431 : vector<128x256xf32>
    %lt3A_1433 = arith.cmpf olt, %add3A_1432, %select_n3A_1423 : vector<128x256xf32>
    %select_n3A_1434 = arith.select %lt3A_1433, %add3A_1432, %select_n3A_1423 : vector<128x256xi1>, vector<128x256xf32>
    %jit3A_1435 = arith.constant 27 : i32
    %broadcast_in_dim3A_1436 = vector.broadcast %jit3A_1435 : i32 to vector<128x256xi32>
    %select_n3A_1437 = arith.select %lt3A_1433, %broadcast_in_dim3A_1436, %select_n3A_1426 : vector<128x256xi1>, vector<128x256xi32>
    %slice3A_1438 = vector.extract_strided_slice %dot_general3A_1129 {offsets = [0, 7168], sizes = [128, 256], strides = [1, 1]} : vector<128x8192xf32> to vector<128x256xf32>
    %sub3A_1439 = arith.subf %broadcast_in_dim3A_1132, %slice3A_1438 : vector<128x256xf32>
    %get3A_1440 = arith.constant 0 : index
    %get3A_1441 = arith.constant 7168 : index
    %get3A_1442 = vector.load %arg6[%get3A_1440, %get3A_1441] : memref<128x8192xf32, #tpu.memory_space<vmem>>, vector<128x256xf32>
    %add3A_1443 = arith.addf %sub3A_1439, %get3A_1442 : vector<128x256xf32>
    %lt3A_1444 = arith.cmpf olt, %add3A_1443, %select_n3A_1434 : vector<128x256xf32>
    %select_n3A_1445 = arith.select %lt3A_1444, %add3A_1443, %select_n3A_1434 : vector<128x256xi1>, vector<128x256xf32>
    %jit3A_1446 = arith.constant 28 : i32
    %broadcast_in_dim3A_1447 = vector.broadcast %jit3A_1446 : i32 to vector<128x256xi32>
    %select_n3A_1448 = arith.select %lt3A_1444, %broadcast_in_dim3A_1447, %select_n3A_1437 : vector<128x256xi1>, vector<128x256xi32>
    %slice3A_1449 = vector.extract_strided_slice %dot_general3A_1129 {offsets = [0, 7424], sizes = [128, 256], strides = [1, 1]} : vector<128x8192xf32> to vector<128x256xf32>
    %sub3A_1450 = arith.subf %broadcast_in_dim3A_1132, %slice3A_1449 : vector<128x256xf32>
    %get3A_1451 = arith.constant 0 : index
    %get3A_1452 = arith.constant 7424 : index
    %get3A_1453 = vector.load %arg6[%get3A_1451, %get3A_1452] : memref<128x8192xf32, #tpu.memory_space<vmem>>, vector<128x256xf32>
    %add3A_1454 = arith.addf %sub3A_1450, %get3A_1453 : vector<128x256xf32>
    %lt3A_1455 = arith.cmpf olt, %add3A_1454, %select_n3A_1445 : vector<128x256xf32>
    %select_n3A_1456 = arith.select %lt3A_1455, %add3A_1454, %select_n3A_1445 : vector<128x256xi1>, vector<128x256xf32>
    %jit3A_1457 = arith.constant 29 : i32
    %broadcast_in_dim3A_1458 = vector.broadcast %jit3A_1457 : i32 to vector<128x256xi32>
    %select_n3A_1459 = arith.select %lt3A_1455, %broadcast_in_dim3A_1458, %select_n3A_1448 : vector<128x256xi1>, vector<128x256xi32>
    %slice3A_1460 = vector.extract_strided_slice %dot_general3A_1129 {offsets = [0, 7680], sizes = [128, 256], strides = [1, 1]} : vector<128x8192xf32> to vector<128x256xf32>
    %sub3A_1461 = arith.subf %broadcast_in_dim3A_1132, %slice3A_1460 : vector<128x256xf32>
    %get3A_1462 = arith.constant 0 : index
    %get3A_1463 = arith.constant 7680 : index
    %get3A_1464 = vector.load %arg6[%get3A_1462, %get3A_1463] : memref<128x8192xf32, #tpu.memory_space<vmem>>, vector<128x256xf32>
    %add3A_1465 = arith.addf %sub3A_1461, %get3A_1464 : vector<128x256xf32>
    %lt3A_1466 = arith.cmpf olt, %add3A_1465, %select_n3A_1456 : vector<128x256xf32>
    %select_n3A_1467 = arith.select %lt3A_1466, %add3A_1465, %select_n3A_1456 : vector<128x256xi1>, vector<128x256xf32>
    %jit3A_1468 = arith.constant 30 : i32
    %broadcast_in_dim3A_1469 = vector.broadcast %jit3A_1468 : i32 to vector<128x256xi32>
    %select_n3A_1470 = arith.select %lt3A_1466, %broadcast_in_dim3A_1469, %select_n3A_1459 : vector<128x256xi1>, vector<128x256xi32>
    %slice3A_1471 = vector.extract_strided_slice %dot_general3A_1129 {offsets = [0, 7936], sizes = [128, 256], strides = [1, 1]} : vector<128x8192xf32> to vector<128x256xf32>
    %sub3A_1472 = arith.subf %broadcast_in_dim3A_1132, %slice3A_1471 : vector<128x256xf32>
    %get3A_1473 = arith.constant 0 : index
    %get3A_1474 = arith.constant 7936 : index
    %get3A_1475 = vector.load %arg6[%get3A_1473, %get3A_1474] : memref<128x8192xf32, #tpu.memory_space<vmem>>, vector<128x256xf32>
    %add3A_1476 = arith.addf %sub3A_1472, %get3A_1475 : vector<128x256xf32>
    %lt3A_1477 = arith.cmpf olt, %add3A_1476, %select_n3A_1467 : vector<128x256xf32>
    %select_n3A_1478 = arith.select %lt3A_1477, %add3A_1476, %select_n3A_1467 : vector<128x256xi1>, vector<128x256xf32>
    %jit3A_1479 = arith.constant 31 : i32
    %broadcast_in_dim3A_1480 = vector.broadcast %jit3A_1479 : i32 to vector<128x256xi32>
    %select_n3A_1481 = arith.select %lt3A_1477, %broadcast_in_dim3A_1480, %select_n3A_1470 : vector<128x256xi1>, vector<128x256xi32>
    %reduce_min3A_1482 = arith.constant dense<0x7F800000> : vector<128xf32>
    %reduce_min3A_1483 = vector.multi_reduction <minimumf>, %select_n3A_1478, %reduce_min3A_1482 [1] : vector<128x256xf32> to vector<128xf32>
    %broadcast_in_dim3A_1484 = vector.shape_cast %reduce_min3A_1483 : vector<128xf32> to vector<128x1xf32>
    %eq3A_1485 = vector.broadcast %broadcast_in_dim3A_1484 : vector<128x1xf32> to vector<128x256xf32>
    %eq3A_1486 = arith.cmpf oeq, %select_n3A_1478, %eq3A_1485 : vector<128x256xf32>
    %mul3A_1487 = arith.constant 256 : i32
    %mul3A_1488 = vector.broadcast %mul3A_1487 : i32 to vector<128x256xi32>
    %mul3A_1489 = arith.muli %select_n3A_1481, %mul3A_1488 : vector<128x256xi32>
    %add3A_1490 = arith.addi %mul3A_1489, %iota3A : vector<128x256xi32>
    %jit3A_1491 = arith.constant 16384 : i32
    %broadcast_in_dim3A_1492 = vector.broadcast %jit3A_1491 : i32 to vector<128x256xi32>
    %select_n3A_1493 = arith.select %eq3A_1486, %add3A_1490, %broadcast_in_dim3A_1492 : vector<128x256xi1>, vector<128x256xi32>
    %reduce_min3A_1494 = arith.constant dense<2147483647> : vector<128xi32>
    %reduce_min3A_1495 = vector.multi_reduction <minsi>, %select_n3A_1493, %reduce_min3A_1494 [1] : vector<128x256xi32> to vector<128xi32>
    %broadcast_in_dim3A_1496 = vector.shape_cast %reduce_min3A_1495 : vector<128xi32> to vector<128x1xi32>
    %slice3A_1497 = vector.extract_strided_slice %add3A {offsets = [512, 0], sizes = [128, 32], strides = [1, 1]} : vector<1024x32xf32> to vector<128x32xf32>
    %dot_general3A_1498 = arith.constant dense<0.000000e+00> : vector<128x8192xf32>
    %dot_general3A_1499 = tpu.matmul %slice3A_1497, %get3A_8, %dot_general3A_1498 {dimension_numbers = #tpu.dot_dimension_numbers<[1], [0], [0], [1], [0, 0, 1, 1], [], []>, transpose_lhs_hint = false} : vector<128x32xf32>, vector<32x8192xf32>, vector<128x8192xf32> -> vector<128x8192xf32>
    %slice3A_1500 = vector.extract_strided_slice %broadcast_in_dim3A {offsets = [512, 0], sizes = [128, 1], strides = [1, 1]} : vector<1024x1xf32> to vector<128x1xf32>
    %broadcast_in_dim3A_1501 = vector.shape_cast %slice3A_1500 : vector<128x1xf32> to vector<128x1xf32>
    %broadcast_in_dim3A_1502 = vector.broadcast %broadcast_in_dim3A_1501 : vector<128x1xf32> to vector<128x256xf32>
    %slice3A_1503 = vector.extract_strided_slice %dot_general3A_1499 {offsets = [0, 0], sizes = [128, 256], strides = [1, 1]} : vector<128x8192xf32> to vector<128x256xf32>
    %sub3A_1504 = arith.subf %broadcast_in_dim3A_1502, %slice3A_1503 : vector<128x256xf32>
    %get3A_1505 = arith.constant 0 : index
    %get3A_1506 = arith.constant 0 : index
    %get3A_1507 = vector.load %arg6[%get3A_1505, %get3A_1506] : memref<128x8192xf32, #tpu.memory_space<vmem>>, vector<128x256xf32>
    %add3A_1508 = arith.addf %sub3A_1504, %get3A_1507 : vector<128x256xf32>
    %broadcast_in_dim3A_1509 = arith.constant 0 : i32
    %broadcast_in_dim3A_1510 = vector.broadcast %broadcast_in_dim3A_1509 : i32 to vector<128x256xi32>
    %slice3A_1511 = vector.extract_strided_slice %dot_general3A_1499 {offsets = [0, 256], sizes = [128, 256], strides = [1, 1]} : vector<128x8192xf32> to vector<128x256xf32>
    %sub3A_1512 = arith.subf %broadcast_in_dim3A_1502, %slice3A_1511 : vector<128x256xf32>
    %get3A_1513 = arith.constant 0 : index
    %get3A_1514 = arith.constant 256 : index
    %get3A_1515 = vector.load %arg6[%get3A_1513, %get3A_1514] : memref<128x8192xf32, #tpu.memory_space<vmem>>, vector<128x256xf32>
    %add3A_1516 = arith.addf %sub3A_1512, %get3A_1515 : vector<128x256xf32>
    %lt3A_1517 = arith.cmpf olt, %add3A_1516, %add3A_1508 : vector<128x256xf32>
    %select_n3A_1518 = arith.select %lt3A_1517, %add3A_1516, %add3A_1508 : vector<128x256xi1>, vector<128x256xf32>
    %jit3A_1519 = arith.constant 1 : i32
    %broadcast_in_dim3A_1520 = vector.broadcast %jit3A_1519 : i32 to vector<128x256xi32>
    %select_n3A_1521 = arith.select %lt3A_1517, %broadcast_in_dim3A_1520, %broadcast_in_dim3A_1510 : vector<128x256xi1>, vector<128x256xi32>
    %slice3A_1522 = vector.extract_strided_slice %dot_general3A_1499 {offsets = [0, 512], sizes = [128, 256], strides = [1, 1]} : vector<128x8192xf32> to vector<128x256xf32>
    %sub3A_1523 = arith.subf %broadcast_in_dim3A_1502, %slice3A_1522 : vector<128x256xf32>
    %get3A_1524 = arith.constant 0 : index
    %get3A_1525 = arith.constant 512 : index
    %get3A_1526 = vector.load %arg6[%get3A_1524, %get3A_1525] : memref<128x8192xf32, #tpu.memory_space<vmem>>, vector<128x256xf32>
    %add3A_1527 = arith.addf %sub3A_1523, %get3A_1526 : vector<128x256xf32>
    %lt3A_1528 = arith.cmpf olt, %add3A_1527, %select_n3A_1518 : vector<128x256xf32>
    %select_n3A_1529 = arith.select %lt3A_1528, %add3A_1527, %select_n3A_1518 : vector<128x256xi1>, vector<128x256xf32>
    %jit3A_1530 = arith.constant 2 : i32
    %broadcast_in_dim3A_1531 = vector.broadcast %jit3A_1530 : i32 to vector<128x256xi32>
    %select_n3A_1532 = arith.select %lt3A_1528, %broadcast_in_dim3A_1531, %select_n3A_1521 : vector<128x256xi1>, vector<128x256xi32>
    %slice3A_1533 = vector.extract_strided_slice %dot_general3A_1499 {offsets = [0, 768], sizes = [128, 256], strides = [1, 1]} : vector<128x8192xf32> to vector<128x256xf32>
    %sub3A_1534 = arith.subf %broadcast_in_dim3A_1502, %slice3A_1533 : vector<128x256xf32>
    %get3A_1535 = arith.constant 0 : index
    %get3A_1536 = arith.constant 768 : index
    %get3A_1537 = vector.load %arg6[%get3A_1535, %get3A_1536] : memref<128x8192xf32, #tpu.memory_space<vmem>>, vector<128x256xf32>
    %add3A_1538 = arith.addf %sub3A_1534, %get3A_1537 : vector<128x256xf32>
    %lt3A_1539 = arith.cmpf olt, %add3A_1538, %select_n3A_1529 : vector<128x256xf32>
    %select_n3A_1540 = arith.select %lt3A_1539, %add3A_1538, %select_n3A_1529 : vector<128x256xi1>, vector<128x256xf32>
    %jit3A_1541 = arith.constant 3 : i32
    %broadcast_in_dim3A_1542 = vector.broadcast %jit3A_1541 : i32 to vector<128x256xi32>
    %select_n3A_1543 = arith.select %lt3A_1539, %broadcast_in_dim3A_1542, %select_n3A_1532 : vector<128x256xi1>, vector<128x256xi32>
    %slice3A_1544 = vector.extract_strided_slice %dot_general3A_1499 {offsets = [0, 1024], sizes = [128, 256], strides = [1, 1]} : vector<128x8192xf32> to vector<128x256xf32>
    %sub3A_1545 = arith.subf %broadcast_in_dim3A_1502, %slice3A_1544 : vector<128x256xf32>
    %get3A_1546 = arith.constant 0 : index
    %get3A_1547 = arith.constant 1024 : index
    %get3A_1548 = vector.load %arg6[%get3A_1546, %get3A_1547] : memref<128x8192xf32, #tpu.memory_space<vmem>>, vector<128x256xf32>
    %add3A_1549 = arith.addf %sub3A_1545, %get3A_1548 : vector<128x256xf32>
    %lt3A_1550 = arith.cmpf olt, %add3A_1549, %select_n3A_1540 : vector<128x256xf32>
    %select_n3A_1551 = arith.select %lt3A_1550, %add3A_1549, %select_n3A_1540 : vector<128x256xi1>, vector<128x256xf32>
    %jit3A_1552 = arith.constant 4 : i32
    %broadcast_in_dim3A_1553 = vector.broadcast %jit3A_1552 : i32 to vector<128x256xi32>
    %select_n3A_1554 = arith.select %lt3A_1550, %broadcast_in_dim3A_1553, %select_n3A_1543 : vector<128x256xi1>, vector<128x256xi32>
    %slice3A_1555 = vector.extract_strided_slice %dot_general3A_1499 {offsets = [0, 1280], sizes = [128, 256], strides = [1, 1]} : vector<128x8192xf32> to vector<128x256xf32>
    %sub3A_1556 = arith.subf %broadcast_in_dim3A_1502, %slice3A_1555 : vector<128x256xf32>
    %get3A_1557 = arith.constant 0 : index
    %get3A_1558 = arith.constant 1280 : index
    %get3A_1559 = vector.load %arg6[%get3A_1557, %get3A_1558] : memref<128x8192xf32, #tpu.memory_space<vmem>>, vector<128x256xf32>
    %add3A_1560 = arith.addf %sub3A_1556, %get3A_1559 : vector<128x256xf32>
    %lt3A_1561 = arith.cmpf olt, %add3A_1560, %select_n3A_1551 : vector<128x256xf32>
    %select_n3A_1562 = arith.select %lt3A_1561, %add3A_1560, %select_n3A_1551 : vector<128x256xi1>, vector<128x256xf32>
    %jit3A_1563 = arith.constant 5 : i32
    %broadcast_in_dim3A_1564 = vector.broadcast %jit3A_1563 : i32 to vector<128x256xi32>
    %select_n3A_1565 = arith.select %lt3A_1561, %broadcast_in_dim3A_1564, %select_n3A_1554 : vector<128x256xi1>, vector<128x256xi32>
    %slice3A_1566 = vector.extract_strided_slice %dot_general3A_1499 {offsets = [0, 1536], sizes = [128, 256], strides = [1, 1]} : vector<128x8192xf32> to vector<128x256xf32>
    %sub3A_1567 = arith.subf %broadcast_in_dim3A_1502, %slice3A_1566 : vector<128x256xf32>
    %get3A_1568 = arith.constant 0 : index
    %get3A_1569 = arith.constant 1536 : index
    %get3A_1570 = vector.load %arg6[%get3A_1568, %get3A_1569] : memref<128x8192xf32, #tpu.memory_space<vmem>>, vector<128x256xf32>
    %add3A_1571 = arith.addf %sub3A_1567, %get3A_1570 : vector<128x256xf32>
    %lt3A_1572 = arith.cmpf olt, %add3A_1571, %select_n3A_1562 : vector<128x256xf32>
    %select_n3A_1573 = arith.select %lt3A_1572, %add3A_1571, %select_n3A_1562 : vector<128x256xi1>, vector<128x256xf32>
    %jit3A_1574 = arith.constant 6 : i32
    %broadcast_in_dim3A_1575 = vector.broadcast %jit3A_1574 : i32 to vector<128x256xi32>
    %select_n3A_1576 = arith.select %lt3A_1572, %broadcast_in_dim3A_1575, %select_n3A_1565 : vector<128x256xi1>, vector<128x256xi32>
    %slice3A_1577 = vector.extract_strided_slice %dot_general3A_1499 {offsets = [0, 1792], sizes = [128, 256], strides = [1, 1]} : vector<128x8192xf32> to vector<128x256xf32>
    %sub3A_1578 = arith.subf %broadcast_in_dim3A_1502, %slice3A_1577 : vector<128x256xf32>
    %get3A_1579 = arith.constant 0 : index
    %get3A_1580 = arith.constant 1792 : index
    %get3A_1581 = vector.load %arg6[%get3A_1579, %get3A_1580] : memref<128x8192xf32, #tpu.memory_space<vmem>>, vector<128x256xf32>
    %add3A_1582 = arith.addf %sub3A_1578, %get3A_1581 : vector<128x256xf32>
    %lt3A_1583 = arith.cmpf olt, %add3A_1582, %select_n3A_1573 : vector<128x256xf32>
    %select_n3A_1584 = arith.select %lt3A_1583, %add3A_1582, %select_n3A_1573 : vector<128x256xi1>, vector<128x256xf32>
    %jit3A_1585 = arith.constant 7 : i32
    %broadcast_in_dim3A_1586 = vector.broadcast %jit3A_1585 : i32 to vector<128x256xi32>
    %select_n3A_1587 = arith.select %lt3A_1583, %broadcast_in_dim3A_1586, %select_n3A_1576 : vector<128x256xi1>, vector<128x256xi32>
    %slice3A_1588 = vector.extract_strided_slice %dot_general3A_1499 {offsets = [0, 2048], sizes = [128, 256], strides = [1, 1]} : vector<128x8192xf32> to vector<128x256xf32>
    %sub3A_1589 = arith.subf %broadcast_in_dim3A_1502, %slice3A_1588 : vector<128x256xf32>
    %get3A_1590 = arith.constant 0 : index
    %get3A_1591 = arith.constant 2048 : index
    %get3A_1592 = vector.load %arg6[%get3A_1590, %get3A_1591] : memref<128x8192xf32, #tpu.memory_space<vmem>>, vector<128x256xf32>
    %add3A_1593 = arith.addf %sub3A_1589, %get3A_1592 : vector<128x256xf32>
    %lt3A_1594 = arith.cmpf olt, %add3A_1593, %select_n3A_1584 : vector<128x256xf32>
    %select_n3A_1595 = arith.select %lt3A_1594, %add3A_1593, %select_n3A_1584 : vector<128x256xi1>, vector<128x256xf32>
    %jit3A_1596 = arith.constant 8 : i32
    %broadcast_in_dim3A_1597 = vector.broadcast %jit3A_1596 : i32 to vector<128x256xi32>
    %select_n3A_1598 = arith.select %lt3A_1594, %broadcast_in_dim3A_1597, %select_n3A_1587 : vector<128x256xi1>, vector<128x256xi32>
    %slice3A_1599 = vector.extract_strided_slice %dot_general3A_1499 {offsets = [0, 2304], sizes = [128, 256], strides = [1, 1]} : vector<128x8192xf32> to vector<128x256xf32>
    %sub3A_1600 = arith.subf %broadcast_in_dim3A_1502, %slice3A_1599 : vector<128x256xf32>
    %get3A_1601 = arith.constant 0 : index
    %get3A_1602 = arith.constant 2304 : index
    %get3A_1603 = vector.load %arg6[%get3A_1601, %get3A_1602] : memref<128x8192xf32, #tpu.memory_space<vmem>>, vector<128x256xf32>
    %add3A_1604 = arith.addf %sub3A_1600, %get3A_1603 : vector<128x256xf32>
    %lt3A_1605 = arith.cmpf olt, %add3A_1604, %select_n3A_1595 : vector<128x256xf32>
    %select_n3A_1606 = arith.select %lt3A_1605, %add3A_1604, %select_n3A_1595 : vector<128x256xi1>, vector<128x256xf32>
    %jit3A_1607 = arith.constant 9 : i32
    %broadcast_in_dim3A_1608 = vector.broadcast %jit3A_1607 : i32 to vector<128x256xi32>
    %select_n3A_1609 = arith.select %lt3A_1605, %broadcast_in_dim3A_1608, %select_n3A_1598 : vector<128x256xi1>, vector<128x256xi32>
    %slice3A_1610 = vector.extract_strided_slice %dot_general3A_1499 {offsets = [0, 2560], sizes = [128, 256], strides = [1, 1]} : vector<128x8192xf32> to vector<128x256xf32>
    %sub3A_1611 = arith.subf %broadcast_in_dim3A_1502, %slice3A_1610 : vector<128x256xf32>
    %get3A_1612 = arith.constant 0 : index
    %get3A_1613 = arith.constant 2560 : index
    %get3A_1614 = vector.load %arg6[%get3A_1612, %get3A_1613] : memref<128x8192xf32, #tpu.memory_space<vmem>>, vector<128x256xf32>
    %add3A_1615 = arith.addf %sub3A_1611, %get3A_1614 : vector<128x256xf32>
    %lt3A_1616 = arith.cmpf olt, %add3A_1615, %select_n3A_1606 : vector<128x256xf32>
    %select_n3A_1617 = arith.select %lt3A_1616, %add3A_1615, %select_n3A_1606 : vector<128x256xi1>, vector<128x256xf32>
    %jit3A_1618 = arith.constant 10 : i32
    %broadcast_in_dim3A_1619 = vector.broadcast %jit3A_1618 : i32 to vector<128x256xi32>
    %select_n3A_1620 = arith.select %lt3A_1616, %broadcast_in_dim3A_1619, %select_n3A_1609 : vector<128x256xi1>, vector<128x256xi32>
    %slice3A_1621 = vector.extract_strided_slice %dot_general3A_1499 {offsets = [0, 2816], sizes = [128, 256], strides = [1, 1]} : vector<128x8192xf32> to vector<128x256xf32>
    %sub3A_1622 = arith.subf %broadcast_in_dim3A_1502, %slice3A_1621 : vector<128x256xf32>
    %get3A_1623 = arith.constant 0 : index
    %get3A_1624 = arith.constant 2816 : index
    %get3A_1625 = vector.load %arg6[%get3A_1623, %get3A_1624] : memref<128x8192xf32, #tpu.memory_space<vmem>>, vector<128x256xf32>
    %add3A_1626 = arith.addf %sub3A_1622, %get3A_1625 : vector<128x256xf32>
    %lt3A_1627 = arith.cmpf olt, %add3A_1626, %select_n3A_1617 : vector<128x256xf32>
    %select_n3A_1628 = arith.select %lt3A_1627, %add3A_1626, %select_n3A_1617 : vector<128x256xi1>, vector<128x256xf32>
    %jit3A_1629 = arith.constant 11 : i32
    %broadcast_in_dim3A_1630 = vector.broadcast %jit3A_1629 : i32 to vector<128x256xi32>
    %select_n3A_1631 = arith.select %lt3A_1627, %broadcast_in_dim3A_1630, %select_n3A_1620 : vector<128x256xi1>, vector<128x256xi32>
    %slice3A_1632 = vector.extract_strided_slice %dot_general3A_1499 {offsets = [0, 3072], sizes = [128, 256], strides = [1, 1]} : vector<128x8192xf32> to vector<128x256xf32>
    %sub3A_1633 = arith.subf %broadcast_in_dim3A_1502, %slice3A_1632 : vector<128x256xf32>
    %get3A_1634 = arith.constant 0 : index
    %get3A_1635 = arith.constant 3072 : index
    %get3A_1636 = vector.load %arg6[%get3A_1634, %get3A_1635] : memref<128x8192xf32, #tpu.memory_space<vmem>>, vector<128x256xf32>
    %add3A_1637 = arith.addf %sub3A_1633, %get3A_1636 : vector<128x256xf32>
    %lt3A_1638 = arith.cmpf olt, %add3A_1637, %select_n3A_1628 : vector<128x256xf32>
    %select_n3A_1639 = arith.select %lt3A_1638, %add3A_1637, %select_n3A_1628 : vector<128x256xi1>, vector<128x256xf32>
    %jit3A_1640 = arith.constant 12 : i32
    %broadcast_in_dim3A_1641 = vector.broadcast %jit3A_1640 : i32 to vector<128x256xi32>
    %select_n3A_1642 = arith.select %lt3A_1638, %broadcast_in_dim3A_1641, %select_n3A_1631 : vector<128x256xi1>, vector<128x256xi32>
    %slice3A_1643 = vector.extract_strided_slice %dot_general3A_1499 {offsets = [0, 3328], sizes = [128, 256], strides = [1, 1]} : vector<128x8192xf32> to vector<128x256xf32>
    %sub3A_1644 = arith.subf %broadcast_in_dim3A_1502, %slice3A_1643 : vector<128x256xf32>
    %get3A_1645 = arith.constant 0 : index
    %get3A_1646 = arith.constant 3328 : index
    %get3A_1647 = vector.load %arg6[%get3A_1645, %get3A_1646] : memref<128x8192xf32, #tpu.memory_space<vmem>>, vector<128x256xf32>
    %add3A_1648 = arith.addf %sub3A_1644, %get3A_1647 : vector<128x256xf32>
    %lt3A_1649 = arith.cmpf olt, %add3A_1648, %select_n3A_1639 : vector<128x256xf32>
    %select_n3A_1650 = arith.select %lt3A_1649, %add3A_1648, %select_n3A_1639 : vector<128x256xi1>, vector<128x256xf32>
    %jit3A_1651 = arith.constant 13 : i32
    %broadcast_in_dim3A_1652 = vector.broadcast %jit3A_1651 : i32 to vector<128x256xi32>
    %select_n3A_1653 = arith.select %lt3A_1649, %broadcast_in_dim3A_1652, %select_n3A_1642 : vector<128x256xi1>, vector<128x256xi32>
    %slice3A_1654 = vector.extract_strided_slice %dot_general3A_1499 {offsets = [0, 3584], sizes = [128, 256], strides = [1, 1]} : vector<128x8192xf32> to vector<128x256xf32>
    %sub3A_1655 = arith.subf %broadcast_in_dim3A_1502, %slice3A_1654 : vector<128x256xf32>
    %get3A_1656 = arith.constant 0 : index
    %get3A_1657 = arith.constant 3584 : index
    %get3A_1658 = vector.load %arg6[%get3A_1656, %get3A_1657] : memref<128x8192xf32, #tpu.memory_space<vmem>>, vector<128x256xf32>
    %add3A_1659 = arith.addf %sub3A_1655, %get3A_1658 : vector<128x256xf32>
    %lt3A_1660 = arith.cmpf olt, %add3A_1659, %select_n3A_1650 : vector<128x256xf32>
    %select_n3A_1661 = arith.select %lt3A_1660, %add3A_1659, %select_n3A_1650 : vector<128x256xi1>, vector<128x256xf32>
    %jit3A_1662 = arith.constant 14 : i32
    %broadcast_in_dim3A_1663 = vector.broadcast %jit3A_1662 : i32 to vector<128x256xi32>
    %select_n3A_1664 = arith.select %lt3A_1660, %broadcast_in_dim3A_1663, %select_n3A_1653 : vector<128x256xi1>, vector<128x256xi32>
    %slice3A_1665 = vector.extract_strided_slice %dot_general3A_1499 {offsets = [0, 3840], sizes = [128, 256], strides = [1, 1]} : vector<128x8192xf32> to vector<128x256xf32>
    %sub3A_1666 = arith.subf %broadcast_in_dim3A_1502, %slice3A_1665 : vector<128x256xf32>
    %get3A_1667 = arith.constant 0 : index
    %get3A_1668 = arith.constant 3840 : index
    %get3A_1669 = vector.load %arg6[%get3A_1667, %get3A_1668] : memref<128x8192xf32, #tpu.memory_space<vmem>>, vector<128x256xf32>
    %add3A_1670 = arith.addf %sub3A_1666, %get3A_1669 : vector<128x256xf32>
    %lt3A_1671 = arith.cmpf olt, %add3A_1670, %select_n3A_1661 : vector<128x256xf32>
    %select_n3A_1672 = arith.select %lt3A_1671, %add3A_1670, %select_n3A_1661 : vector<128x256xi1>, vector<128x256xf32>
    %jit3A_1673 = arith.constant 15 : i32
    %broadcast_in_dim3A_1674 = vector.broadcast %jit3A_1673 : i32 to vector<128x256xi32>
    %select_n3A_1675 = arith.select %lt3A_1671, %broadcast_in_dim3A_1674, %select_n3A_1664 : vector<128x256xi1>, vector<128x256xi32>
    %slice3A_1676 = vector.extract_strided_slice %dot_general3A_1499 {offsets = [0, 4096], sizes = [128, 256], strides = [1, 1]} : vector<128x8192xf32> to vector<128x256xf32>
    %sub3A_1677 = arith.subf %broadcast_in_dim3A_1502, %slice3A_1676 : vector<128x256xf32>
    %get3A_1678 = arith.constant 0 : index
    %get3A_1679 = arith.constant 4096 : index
    %get3A_1680 = vector.load %arg6[%get3A_1678, %get3A_1679] : memref<128x8192xf32, #tpu.memory_space<vmem>>, vector<128x256xf32>
    %add3A_1681 = arith.addf %sub3A_1677, %get3A_1680 : vector<128x256xf32>
    %lt3A_1682 = arith.cmpf olt, %add3A_1681, %select_n3A_1672 : vector<128x256xf32>
    %select_n3A_1683 = arith.select %lt3A_1682, %add3A_1681, %select_n3A_1672 : vector<128x256xi1>, vector<128x256xf32>
    %jit3A_1684 = arith.constant 16 : i32
    %broadcast_in_dim3A_1685 = vector.broadcast %jit3A_1684 : i32 to vector<128x256xi32>
    %select_n3A_1686 = arith.select %lt3A_1682, %broadcast_in_dim3A_1685, %select_n3A_1675 : vector<128x256xi1>, vector<128x256xi32>
    %slice3A_1687 = vector.extract_strided_slice %dot_general3A_1499 {offsets = [0, 4352], sizes = [128, 256], strides = [1, 1]} : vector<128x8192xf32> to vector<128x256xf32>
    %sub3A_1688 = arith.subf %broadcast_in_dim3A_1502, %slice3A_1687 : vector<128x256xf32>
    %get3A_1689 = arith.constant 0 : index
    %get3A_1690 = arith.constant 4352 : index
    %get3A_1691 = vector.load %arg6[%get3A_1689, %get3A_1690] : memref<128x8192xf32, #tpu.memory_space<vmem>>, vector<128x256xf32>
    %add3A_1692 = arith.addf %sub3A_1688, %get3A_1691 : vector<128x256xf32>
    %lt3A_1693 = arith.cmpf olt, %add3A_1692, %select_n3A_1683 : vector<128x256xf32>
    %select_n3A_1694 = arith.select %lt3A_1693, %add3A_1692, %select_n3A_1683 : vector<128x256xi1>, vector<128x256xf32>
    %jit3A_1695 = arith.constant 17 : i32
    %broadcast_in_dim3A_1696 = vector.broadcast %jit3A_1695 : i32 to vector<128x256xi32>
    %select_n3A_1697 = arith.select %lt3A_1693, %broadcast_in_dim3A_1696, %select_n3A_1686 : vector<128x256xi1>, vector<128x256xi32>
    %slice3A_1698 = vector.extract_strided_slice %dot_general3A_1499 {offsets = [0, 4608], sizes = [128, 256], strides = [1, 1]} : vector<128x8192xf32> to vector<128x256xf32>
    %sub3A_1699 = arith.subf %broadcast_in_dim3A_1502, %slice3A_1698 : vector<128x256xf32>
    %get3A_1700 = arith.constant 0 : index
    %get3A_1701 = arith.constant 4608 : index
    %get3A_1702 = vector.load %arg6[%get3A_1700, %get3A_1701] : memref<128x8192xf32, #tpu.memory_space<vmem>>, vector<128x256xf32>
    %add3A_1703 = arith.addf %sub3A_1699, %get3A_1702 : vector<128x256xf32>
    %lt3A_1704 = arith.cmpf olt, %add3A_1703, %select_n3A_1694 : vector<128x256xf32>
    %select_n3A_1705 = arith.select %lt3A_1704, %add3A_1703, %select_n3A_1694 : vector<128x256xi1>, vector<128x256xf32>
    %jit3A_1706 = arith.constant 18 : i32
    %broadcast_in_dim3A_1707 = vector.broadcast %jit3A_1706 : i32 to vector<128x256xi32>
    %select_n3A_1708 = arith.select %lt3A_1704, %broadcast_in_dim3A_1707, %select_n3A_1697 : vector<128x256xi1>, vector<128x256xi32>
    %slice3A_1709 = vector.extract_strided_slice %dot_general3A_1499 {offsets = [0, 4864], sizes = [128, 256], strides = [1, 1]} : vector<128x8192xf32> to vector<128x256xf32>
    %sub3A_1710 = arith.subf %broadcast_in_dim3A_1502, %slice3A_1709 : vector<128x256xf32>
    %get3A_1711 = arith.constant 0 : index
    %get3A_1712 = arith.constant 4864 : index
    %get3A_1713 = vector.load %arg6[%get3A_1711, %get3A_1712] : memref<128x8192xf32, #tpu.memory_space<vmem>>, vector<128x256xf32>
    %add3A_1714 = arith.addf %sub3A_1710, %get3A_1713 : vector<128x256xf32>
    %lt3A_1715 = arith.cmpf olt, %add3A_1714, %select_n3A_1705 : vector<128x256xf32>
    %select_n3A_1716 = arith.select %lt3A_1715, %add3A_1714, %select_n3A_1705 : vector<128x256xi1>, vector<128x256xf32>
    %jit3A_1717 = arith.constant 19 : i32
    %broadcast_in_dim3A_1718 = vector.broadcast %jit3A_1717 : i32 to vector<128x256xi32>
    %select_n3A_1719 = arith.select %lt3A_1715, %broadcast_in_dim3A_1718, %select_n3A_1708 : vector<128x256xi1>, vector<128x256xi32>
    %slice3A_1720 = vector.extract_strided_slice %dot_general3A_1499 {offsets = [0, 5120], sizes = [128, 256], strides = [1, 1]} : vector<128x8192xf32> to vector<128x256xf32>
    %sub3A_1721 = arith.subf %broadcast_in_dim3A_1502, %slice3A_1720 : vector<128x256xf32>
    %get3A_1722 = arith.constant 0 : index
    %get3A_1723 = arith.constant 5120 : index
    %get3A_1724 = vector.load %arg6[%get3A_1722, %get3A_1723] : memref<128x8192xf32, #tpu.memory_space<vmem>>, vector<128x256xf32>
    %add3A_1725 = arith.addf %sub3A_1721, %get3A_1724 : vector<128x256xf32>
    %lt3A_1726 = arith.cmpf olt, %add3A_1725, %select_n3A_1716 : vector<128x256xf32>
    %select_n3A_1727 = arith.select %lt3A_1726, %add3A_1725, %select_n3A_1716 : vector<128x256xi1>, vector<128x256xf32>
    %jit3A_1728 = arith.constant 20 : i32
    %broadcast_in_dim3A_1729 = vector.broadcast %jit3A_1728 : i32 to vector<128x256xi32>
    %select_n3A_1730 = arith.select %lt3A_1726, %broadcast_in_dim3A_1729, %select_n3A_1719 : vector<128x256xi1>, vector<128x256xi32>
    %slice3A_1731 = vector.extract_strided_slice %dot_general3A_1499 {offsets = [0, 5376], sizes = [128, 256], strides = [1, 1]} : vector<128x8192xf32> to vector<128x256xf32>
    %sub3A_1732 = arith.subf %broadcast_in_dim3A_1502, %slice3A_1731 : vector<128x256xf32>
    %get3A_1733 = arith.constant 0 : index
    %get3A_1734 = arith.constant 5376 : index
    %get3A_1735 = vector.load %arg6[%get3A_1733, %get3A_1734] : memref<128x8192xf32, #tpu.memory_space<vmem>>, vector<128x256xf32>
    %add3A_1736 = arith.addf %sub3A_1732, %get3A_1735 : vector<128x256xf32>
    %lt3A_1737 = arith.cmpf olt, %add3A_1736, %select_n3A_1727 : vector<128x256xf32>
    %select_n3A_1738 = arith.select %lt3A_1737, %add3A_1736, %select_n3A_1727 : vector<128x256xi1>, vector<128x256xf32>
    %jit3A_1739 = arith.constant 21 : i32
    %broadcast_in_dim3A_1740 = vector.broadcast %jit3A_1739 : i32 to vector<128x256xi32>
    %select_n3A_1741 = arith.select %lt3A_1737, %broadcast_in_dim3A_1740, %select_n3A_1730 : vector<128x256xi1>, vector<128x256xi32>
    %slice3A_1742 = vector.extract_strided_slice %dot_general3A_1499 {offsets = [0, 5632], sizes = [128, 256], strides = [1, 1]} : vector<128x8192xf32> to vector<128x256xf32>
    %sub3A_1743 = arith.subf %broadcast_in_dim3A_1502, %slice3A_1742 : vector<128x256xf32>
    %get3A_1744 = arith.constant 0 : index
    %get3A_1745 = arith.constant 5632 : index
    %get3A_1746 = vector.load %arg6[%get3A_1744, %get3A_1745] : memref<128x8192xf32, #tpu.memory_space<vmem>>, vector<128x256xf32>
    %add3A_1747 = arith.addf %sub3A_1743, %get3A_1746 : vector<128x256xf32>
    %lt3A_1748 = arith.cmpf olt, %add3A_1747, %select_n3A_1738 : vector<128x256xf32>
    %select_n3A_1749 = arith.select %lt3A_1748, %add3A_1747, %select_n3A_1738 : vector<128x256xi1>, vector<128x256xf32>
    %jit3A_1750 = arith.constant 22 : i32
    %broadcast_in_dim3A_1751 = vector.broadcast %jit3A_1750 : i32 to vector<128x256xi32>
    %select_n3A_1752 = arith.select %lt3A_1748, %broadcast_in_dim3A_1751, %select_n3A_1741 : vector<128x256xi1>, vector<128x256xi32>
    %slice3A_1753 = vector.extract_strided_slice %dot_general3A_1499 {offsets = [0, 5888], sizes = [128, 256], strides = [1, 1]} : vector<128x8192xf32> to vector<128x256xf32>
    %sub3A_1754 = arith.subf %broadcast_in_dim3A_1502, %slice3A_1753 : vector<128x256xf32>
    %get3A_1755 = arith.constant 0 : index
    %get3A_1756 = arith.constant 5888 : index
    %get3A_1757 = vector.load %arg6[%get3A_1755, %get3A_1756] : memref<128x8192xf32, #tpu.memory_space<vmem>>, vector<128x256xf32>
    %add3A_1758 = arith.addf %sub3A_1754, %get3A_1757 : vector<128x256xf32>
    %lt3A_1759 = arith.cmpf olt, %add3A_1758, %select_n3A_1749 : vector<128x256xf32>
    %select_n3A_1760 = arith.select %lt3A_1759, %add3A_1758, %select_n3A_1749 : vector<128x256xi1>, vector<128x256xf32>
    %jit3A_1761 = arith.constant 23 : i32
    %broadcast_in_dim3A_1762 = vector.broadcast %jit3A_1761 : i32 to vector<128x256xi32>
    %select_n3A_1763 = arith.select %lt3A_1759, %broadcast_in_dim3A_1762, %select_n3A_1752 : vector<128x256xi1>, vector<128x256xi32>
    %slice3A_1764 = vector.extract_strided_slice %dot_general3A_1499 {offsets = [0, 6144], sizes = [128, 256], strides = [1, 1]} : vector<128x8192xf32> to vector<128x256xf32>
    %sub3A_1765 = arith.subf %broadcast_in_dim3A_1502, %slice3A_1764 : vector<128x256xf32>
    %get3A_1766 = arith.constant 0 : index
    %get3A_1767 = arith.constant 6144 : index
    %get3A_1768 = vector.load %arg6[%get3A_1766, %get3A_1767] : memref<128x8192xf32, #tpu.memory_space<vmem>>, vector<128x256xf32>
    %add3A_1769 = arith.addf %sub3A_1765, %get3A_1768 : vector<128x256xf32>
    %lt3A_1770 = arith.cmpf olt, %add3A_1769, %select_n3A_1760 : vector<128x256xf32>
    %select_n3A_1771 = arith.select %lt3A_1770, %add3A_1769, %select_n3A_1760 : vector<128x256xi1>, vector<128x256xf32>
    %jit3A_1772 = arith.constant 24 : i32
    %broadcast_in_dim3A_1773 = vector.broadcast %jit3A_1772 : i32 to vector<128x256xi32>
    %select_n3A_1774 = arith.select %lt3A_1770, %broadcast_in_dim3A_1773, %select_n3A_1763 : vector<128x256xi1>, vector<128x256xi32>
    %slice3A_1775 = vector.extract_strided_slice %dot_general3A_1499 {offsets = [0, 6400], sizes = [128, 256], strides = [1, 1]} : vector<128x8192xf32> to vector<128x256xf32>
    %sub3A_1776 = arith.subf %broadcast_in_dim3A_1502, %slice3A_1775 : vector<128x256xf32>
    %get3A_1777 = arith.constant 0 : index
    %get3A_1778 = arith.constant 6400 : index
    %get3A_1779 = vector.load %arg6[%get3A_1777, %get3A_1778] : memref<128x8192xf32, #tpu.memory_space<vmem>>, vector<128x256xf32>
    %add3A_1780 = arith.addf %sub3A_1776, %get3A_1779 : vector<128x256xf32>
    %lt3A_1781 = arith.cmpf olt, %add3A_1780, %select_n3A_1771 : vector<128x256xf32>
    %select_n3A_1782 = arith.select %lt3A_1781, %add3A_1780, %select_n3A_1771 : vector<128x256xi1>, vector<128x256xf32>
    %jit3A_1783 = arith.constant 25 : i32
    %broadcast_in_dim3A_1784 = vector.broadcast %jit3A_1783 : i32 to vector<128x256xi32>
    %select_n3A_1785 = arith.select %lt3A_1781, %broadcast_in_dim3A_1784, %select_n3A_1774 : vector<128x256xi1>, vector<128x256xi32>
    %slice3A_1786 = vector.extract_strided_slice %dot_general3A_1499 {offsets = [0, 6656], sizes = [128, 256], strides = [1, 1]} : vector<128x8192xf32> to vector<128x256xf32>
    %sub3A_1787 = arith.subf %broadcast_in_dim3A_1502, %slice3A_1786 : vector<128x256xf32>
    %get3A_1788 = arith.constant 0 : index
    %get3A_1789 = arith.constant 6656 : index
    %get3A_1790 = vector.load %arg6[%get3A_1788, %get3A_1789] : memref<128x8192xf32, #tpu.memory_space<vmem>>, vector<128x256xf32>
    %add3A_1791 = arith.addf %sub3A_1787, %get3A_1790 : vector<128x256xf32>
    %lt3A_1792 = arith.cmpf olt, %add3A_1791, %select_n3A_1782 : vector<128x256xf32>
    %select_n3A_1793 = arith.select %lt3A_1792, %add3A_1791, %select_n3A_1782 : vector<128x256xi1>, vector<128x256xf32>
    %jit3A_1794 = arith.constant 26 : i32
    %broadcast_in_dim3A_1795 = vector.broadcast %jit3A_1794 : i32 to vector<128x256xi32>
    %select_n3A_1796 = arith.select %lt3A_1792, %broadcast_in_dim3A_1795, %select_n3A_1785 : vector<128x256xi1>, vector<128x256xi32>
    %slice3A_1797 = vector.extract_strided_slice %dot_general3A_1499 {offsets = [0, 6912], sizes = [128, 256], strides = [1, 1]} : vector<128x8192xf32> to vector<128x256xf32>
    %sub3A_1798 = arith.subf %broadcast_in_dim3A_1502, %slice3A_1797 : vector<128x256xf32>
    %get3A_1799 = arith.constant 0 : index
    %get3A_1800 = arith.constant 6912 : index
    %get3A_1801 = vector.load %arg6[%get3A_1799, %get3A_1800] : memref<128x8192xf32, #tpu.memory_space<vmem>>, vector<128x256xf32>
    %add3A_1802 = arith.addf %sub3A_1798, %get3A_1801 : vector<128x256xf32>
    %lt3A_1803 = arith.cmpf olt, %add3A_1802, %select_n3A_1793 : vector<128x256xf32>
    %select_n3A_1804 = arith.select %lt3A_1803, %add3A_1802, %select_n3A_1793 : vector<128x256xi1>, vector<128x256xf32>
    %jit3A_1805 = arith.constant 27 : i32
    %broadcast_in_dim3A_1806 = vector.broadcast %jit3A_1805 : i32 to vector<128x256xi32>
    %select_n3A_1807 = arith.select %lt3A_1803, %broadcast_in_dim3A_1806, %select_n3A_1796 : vector<128x256xi1>, vector<128x256xi32>
    %slice3A_1808 = vector.extract_strided_slice %dot_general3A_1499 {offsets = [0, 7168], sizes = [128, 256], strides = [1, 1]} : vector<128x8192xf32> to vector<128x256xf32>
    %sub3A_1809 = arith.subf %broadcast_in_dim3A_1502, %slice3A_1808 : vector<128x256xf32>
    %get3A_1810 = arith.constant 0 : index
    %get3A_1811 = arith.constant 7168 : index
    %get3A_1812 = vector.load %arg6[%get3A_1810, %get3A_1811] : memref<128x8192xf32, #tpu.memory_space<vmem>>, vector<128x256xf32>
    %add3A_1813 = arith.addf %sub3A_1809, %get3A_1812 : vector<128x256xf32>
    %lt3A_1814 = arith.cmpf olt, %add3A_1813, %select_n3A_1804 : vector<128x256xf32>
    %select_n3A_1815 = arith.select %lt3A_1814, %add3A_1813, %select_n3A_1804 : vector<128x256xi1>, vector<128x256xf32>
    %jit3A_1816 = arith.constant 28 : i32
    %broadcast_in_dim3A_1817 = vector.broadcast %jit3A_1816 : i32 to vector<128x256xi32>
    %select_n3A_1818 = arith.select %lt3A_1814, %broadcast_in_dim3A_1817, %select_n3A_1807 : vector<128x256xi1>, vector<128x256xi32>
    %slice3A_1819 = vector.extract_strided_slice %dot_general3A_1499 {offsets = [0, 7424], sizes = [128, 256], strides = [1, 1]} : vector<128x8192xf32> to vector<128x256xf32>
    %sub3A_1820 = arith.subf %broadcast_in_dim3A_1502, %slice3A_1819 : vector<128x256xf32>
    %get3A_1821 = arith.constant 0 : index
    %get3A_1822 = arith.constant 7424 : index
    %get3A_1823 = vector.load %arg6[%get3A_1821, %get3A_1822] : memref<128x8192xf32, #tpu.memory_space<vmem>>, vector<128x256xf32>
    %add3A_1824 = arith.addf %sub3A_1820, %get3A_1823 : vector<128x256xf32>
    %lt3A_1825 = arith.cmpf olt, %add3A_1824, %select_n3A_1815 : vector<128x256xf32>
    %select_n3A_1826 = arith.select %lt3A_1825, %add3A_1824, %select_n3A_1815 : vector<128x256xi1>, vector<128x256xf32>
    %jit3A_1827 = arith.constant 29 : i32
    %broadcast_in_dim3A_1828 = vector.broadcast %jit3A_1827 : i32 to vector<128x256xi32>
    %select_n3A_1829 = arith.select %lt3A_1825, %broadcast_in_dim3A_1828, %select_n3A_1818 : vector<128x256xi1>, vector<128x256xi32>
    %slice3A_1830 = vector.extract_strided_slice %dot_general3A_1499 {offsets = [0, 7680], sizes = [128, 256], strides = [1, 1]} : vector<128x8192xf32> to vector<128x256xf32>
    %sub3A_1831 = arith.subf %broadcast_in_dim3A_1502, %slice3A_1830 : vector<128x256xf32>
    %get3A_1832 = arith.constant 0 : index
    %get3A_1833 = arith.constant 7680 : index
    %get3A_1834 = vector.load %arg6[%get3A_1832, %get3A_1833] : memref<128x8192xf32, #tpu.memory_space<vmem>>, vector<128x256xf32>
    %add3A_1835 = arith.addf %sub3A_1831, %get3A_1834 : vector<128x256xf32>
    %lt3A_1836 = arith.cmpf olt, %add3A_1835, %select_n3A_1826 : vector<128x256xf32>
    %select_n3A_1837 = arith.select %lt3A_1836, %add3A_1835, %select_n3A_1826 : vector<128x256xi1>, vector<128x256xf32>
    %jit3A_1838 = arith.constant 30 : i32
    %broadcast_in_dim3A_1839 = vector.broadcast %jit3A_1838 : i32 to vector<128x256xi32>
    %select_n3A_1840 = arith.select %lt3A_1836, %broadcast_in_dim3A_1839, %select_n3A_1829 : vector<128x256xi1>, vector<128x256xi32>
    %slice3A_1841 = vector.extract_strided_slice %dot_general3A_1499 {offsets = [0, 7936], sizes = [128, 256], strides = [1, 1]} : vector<128x8192xf32> to vector<128x256xf32>
    %sub3A_1842 = arith.subf %broadcast_in_dim3A_1502, %slice3A_1841 : vector<128x256xf32>
    %get3A_1843 = arith.constant 0 : index
    %get3A_1844 = arith.constant 7936 : index
    %get3A_1845 = vector.load %arg6[%get3A_1843, %get3A_1844] : memref<128x8192xf32, #tpu.memory_space<vmem>>, vector<128x256xf32>
    %add3A_1846 = arith.addf %sub3A_1842, %get3A_1845 : vector<128x256xf32>
    %lt3A_1847 = arith.cmpf olt, %add3A_1846, %select_n3A_1837 : vector<128x256xf32>
    %select_n3A_1848 = arith.select %lt3A_1847, %add3A_1846, %select_n3A_1837 : vector<128x256xi1>, vector<128x256xf32>
    %jit3A_1849 = arith.constant 31 : i32
    %broadcast_in_dim3A_1850 = vector.broadcast %jit3A_1849 : i32 to vector<128x256xi32>
    %select_n3A_1851 = arith.select %lt3A_1847, %broadcast_in_dim3A_1850, %select_n3A_1840 : vector<128x256xi1>, vector<128x256xi32>
    %reduce_min3A_1852 = arith.constant dense<0x7F800000> : vector<128xf32>
    %reduce_min3A_1853 = vector.multi_reduction <minimumf>, %select_n3A_1848, %reduce_min3A_1852 [1] : vector<128x256xf32> to vector<128xf32>
    %broadcast_in_dim3A_1854 = vector.shape_cast %reduce_min3A_1853 : vector<128xf32> to vector<128x1xf32>
    %eq3A_1855 = vector.broadcast %broadcast_in_dim3A_1854 : vector<128x1xf32> to vector<128x256xf32>
    %eq3A_1856 = arith.cmpf oeq, %select_n3A_1848, %eq3A_1855 : vector<128x256xf32>
    %mul3A_1857 = arith.constant 256 : i32
    %mul3A_1858 = vector.broadcast %mul3A_1857 : i32 to vector<128x256xi32>
    %mul3A_1859 = arith.muli %select_n3A_1851, %mul3A_1858 : vector<128x256xi32>
    %add3A_1860 = arith.addi %mul3A_1859, %iota3A : vector<128x256xi32>
    %jit3A_1861 = arith.constant 16384 : i32
    %broadcast_in_dim3A_1862 = vector.broadcast %jit3A_1861 : i32 to vector<128x256xi32>
    %select_n3A_1863 = arith.select %eq3A_1856, %add3A_1860, %broadcast_in_dim3A_1862 : vector<128x256xi1>, vector<128x256xi32>
    %reduce_min3A_1864 = arith.constant dense<2147483647> : vector<128xi32>
    %reduce_min3A_1865 = vector.multi_reduction <minsi>, %select_n3A_1863, %reduce_min3A_1864 [1] : vector<128x256xi32> to vector<128xi32>
    %broadcast_in_dim3A_1866 = vector.shape_cast %reduce_min3A_1865 : vector<128xi32> to vector<128x1xi32>
    %slice3A_1867 = vector.extract_strided_slice %add3A {offsets = [640, 0], sizes = [128, 32], strides = [1, 1]} : vector<1024x32xf32> to vector<128x32xf32>
    %dot_general3A_1868 = arith.constant dense<0.000000e+00> : vector<128x8192xf32>
    %dot_general3A_1869 = tpu.matmul %slice3A_1867, %get3A_8, %dot_general3A_1868 {dimension_numbers = #tpu.dot_dimension_numbers<[1], [0], [0], [1], [0, 0, 1, 1], [], []>, transpose_lhs_hint = false} : vector<128x32xf32>, vector<32x8192xf32>, vector<128x8192xf32> -> vector<128x8192xf32>
    %slice3A_1870 = vector.extract_strided_slice %broadcast_in_dim3A {offsets = [640, 0], sizes = [128, 1], strides = [1, 1]} : vector<1024x1xf32> to vector<128x1xf32>
    %broadcast_in_dim3A_1871 = vector.shape_cast %slice3A_1870 : vector<128x1xf32> to vector<128x1xf32>
    %broadcast_in_dim3A_1872 = vector.broadcast %broadcast_in_dim3A_1871 : vector<128x1xf32> to vector<128x256xf32>
    %slice3A_1873 = vector.extract_strided_slice %dot_general3A_1869 {offsets = [0, 0], sizes = [128, 256], strides = [1, 1]} : vector<128x8192xf32> to vector<128x256xf32>
    %sub3A_1874 = arith.subf %broadcast_in_dim3A_1872, %slice3A_1873 : vector<128x256xf32>
    %get3A_1875 = arith.constant 0 : index
    %get3A_1876 = arith.constant 0 : index
    %get3A_1877 = vector.load %arg6[%get3A_1875, %get3A_1876] : memref<128x8192xf32, #tpu.memory_space<vmem>>, vector<128x256xf32>
    %add3A_1878 = arith.addf %sub3A_1874, %get3A_1877 : vector<128x256xf32>
    %broadcast_in_dim3A_1879 = arith.constant 0 : i32
    %broadcast_in_dim3A_1880 = vector.broadcast %broadcast_in_dim3A_1879 : i32 to vector<128x256xi32>
    %slice3A_1881 = vector.extract_strided_slice %dot_general3A_1869 {offsets = [0, 256], sizes = [128, 256], strides = [1, 1]} : vector<128x8192xf32> to vector<128x256xf32>
    %sub3A_1882 = arith.subf %broadcast_in_dim3A_1872, %slice3A_1881 : vector<128x256xf32>
    %get3A_1883 = arith.constant 0 : index
    %get3A_1884 = arith.constant 256 : index
    %get3A_1885 = vector.load %arg6[%get3A_1883, %get3A_1884] : memref<128x8192xf32, #tpu.memory_space<vmem>>, vector<128x256xf32>
    %add3A_1886 = arith.addf %sub3A_1882, %get3A_1885 : vector<128x256xf32>
    %lt3A_1887 = arith.cmpf olt, %add3A_1886, %add3A_1878 : vector<128x256xf32>
    %select_n3A_1888 = arith.select %lt3A_1887, %add3A_1886, %add3A_1878 : vector<128x256xi1>, vector<128x256xf32>
    %jit3A_1889 = arith.constant 1 : i32
    %broadcast_in_dim3A_1890 = vector.broadcast %jit3A_1889 : i32 to vector<128x256xi32>
    %select_n3A_1891 = arith.select %lt3A_1887, %broadcast_in_dim3A_1890, %broadcast_in_dim3A_1880 : vector<128x256xi1>, vector<128x256xi32>
    %slice3A_1892 = vector.extract_strided_slice %dot_general3A_1869 {offsets = [0, 512], sizes = [128, 256], strides = [1, 1]} : vector<128x8192xf32> to vector<128x256xf32>
    %sub3A_1893 = arith.subf %broadcast_in_dim3A_1872, %slice3A_1892 : vector<128x256xf32>
    %get3A_1894 = arith.constant 0 : index
    %get3A_1895 = arith.constant 512 : index
    %get3A_1896 = vector.load %arg6[%get3A_1894, %get3A_1895] : memref<128x8192xf32, #tpu.memory_space<vmem>>, vector<128x256xf32>
    %add3A_1897 = arith.addf %sub3A_1893, %get3A_1896 : vector<128x256xf32>
    %lt3A_1898 = arith.cmpf olt, %add3A_1897, %select_n3A_1888 : vector<128x256xf32>
    %select_n3A_1899 = arith.select %lt3A_1898, %add3A_1897, %select_n3A_1888 : vector<128x256xi1>, vector<128x256xf32>
    %jit3A_1900 = arith.constant 2 : i32
    %broadcast_in_dim3A_1901 = vector.broadcast %jit3A_1900 : i32 to vector<128x256xi32>
    %select_n3A_1902 = arith.select %lt3A_1898, %broadcast_in_dim3A_1901, %select_n3A_1891 : vector<128x256xi1>, vector<128x256xi32>
    %slice3A_1903 = vector.extract_strided_slice %dot_general3A_1869 {offsets = [0, 768], sizes = [128, 256], strides = [1, 1]} : vector<128x8192xf32> to vector<128x256xf32>
    %sub3A_1904 = arith.subf %broadcast_in_dim3A_1872, %slice3A_1903 : vector<128x256xf32>
    %get3A_1905 = arith.constant 0 : index
    %get3A_1906 = arith.constant 768 : index
    %get3A_1907 = vector.load %arg6[%get3A_1905, %get3A_1906] : memref<128x8192xf32, #tpu.memory_space<vmem>>, vector<128x256xf32>
    %add3A_1908 = arith.addf %sub3A_1904, %get3A_1907 : vector<128x256xf32>
    %lt3A_1909 = arith.cmpf olt, %add3A_1908, %select_n3A_1899 : vector<128x256xf32>
    %select_n3A_1910 = arith.select %lt3A_1909, %add3A_1908, %select_n3A_1899 : vector<128x256xi1>, vector<128x256xf32>
    %jit3A_1911 = arith.constant 3 : i32
    %broadcast_in_dim3A_1912 = vector.broadcast %jit3A_1911 : i32 to vector<128x256xi32>
    %select_n3A_1913 = arith.select %lt3A_1909, %broadcast_in_dim3A_1912, %select_n3A_1902 : vector<128x256xi1>, vector<128x256xi32>
    %slice3A_1914 = vector.extract_strided_slice %dot_general3A_1869 {offsets = [0, 1024], sizes = [128, 256], strides = [1, 1]} : vector<128x8192xf32> to vector<128x256xf32>
    %sub3A_1915 = arith.subf %broadcast_in_dim3A_1872, %slice3A_1914 : vector<128x256xf32>
    %get3A_1916 = arith.constant 0 : index
    %get3A_1917 = arith.constant 1024 : index
    %get3A_1918 = vector.load %arg6[%get3A_1916, %get3A_1917] : memref<128x8192xf32, #tpu.memory_space<vmem>>, vector<128x256xf32>
    %add3A_1919 = arith.addf %sub3A_1915, %get3A_1918 : vector<128x256xf32>
    %lt3A_1920 = arith.cmpf olt, %add3A_1919, %select_n3A_1910 : vector<128x256xf32>
    %select_n3A_1921 = arith.select %lt3A_1920, %add3A_1919, %select_n3A_1910 : vector<128x256xi1>, vector<128x256xf32>
    %jit3A_1922 = arith.constant 4 : i32
    %broadcast_in_dim3A_1923 = vector.broadcast %jit3A_1922 : i32 to vector<128x256xi32>
    %select_n3A_1924 = arith.select %lt3A_1920, %broadcast_in_dim3A_1923, %select_n3A_1913 : vector<128x256xi1>, vector<128x256xi32>
    %slice3A_1925 = vector.extract_strided_slice %dot_general3A_1869 {offsets = [0, 1280], sizes = [128, 256], strides = [1, 1]} : vector<128x8192xf32> to vector<128x256xf32>
    %sub3A_1926 = arith.subf %broadcast_in_dim3A_1872, %slice3A_1925 : vector<128x256xf32>
    %get3A_1927 = arith.constant 0 : index
    %get3A_1928 = arith.constant 1280 : index
    %get3A_1929 = vector.load %arg6[%get3A_1927, %get3A_1928] : memref<128x8192xf32, #tpu.memory_space<vmem>>, vector<128x256xf32>
    %add3A_1930 = arith.addf %sub3A_1926, %get3A_1929 : vector<128x256xf32>
    %lt3A_1931 = arith.cmpf olt, %add3A_1930, %select_n3A_1921 : vector<128x256xf32>
    %select_n3A_1932 = arith.select %lt3A_1931, %add3A_1930, %select_n3A_1921 : vector<128x256xi1>, vector<128x256xf32>
    %jit3A_1933 = arith.constant 5 : i32
    %broadcast_in_dim3A_1934 = vector.broadcast %jit3A_1933 : i32 to vector<128x256xi32>
    %select_n3A_1935 = arith.select %lt3A_1931, %broadcast_in_dim3A_1934, %select_n3A_1924 : vector<128x256xi1>, vector<128x256xi32>
    %slice3A_1936 = vector.extract_strided_slice %dot_general3A_1869 {offsets = [0, 1536], sizes = [128, 256], strides = [1, 1]} : vector<128x8192xf32> to vector<128x256xf32>
    %sub3A_1937 = arith.subf %broadcast_in_dim3A_1872, %slice3A_1936 : vector<128x256xf32>
    %get3A_1938 = arith.constant 0 : index
    %get3A_1939 = arith.constant 1536 : index
    %get3A_1940 = vector.load %arg6[%get3A_1938, %get3A_1939] : memref<128x8192xf32, #tpu.memory_space<vmem>>, vector<128x256xf32>
    %add3A_1941 = arith.addf %sub3A_1937, %get3A_1940 : vector<128x256xf32>
    %lt3A_1942 = arith.cmpf olt, %add3A_1941, %select_n3A_1932 : vector<128x256xf32>
    %select_n3A_1943 = arith.select %lt3A_1942, %add3A_1941, %select_n3A_1932 : vector<128x256xi1>, vector<128x256xf32>
    %jit3A_1944 = arith.constant 6 : i32
    %broadcast_in_dim3A_1945 = vector.broadcast %jit3A_1944 : i32 to vector<128x256xi32>
    %select_n3A_1946 = arith.select %lt3A_1942, %broadcast_in_dim3A_1945, %select_n3A_1935 : vector<128x256xi1>, vector<128x256xi32>
    %slice3A_1947 = vector.extract_strided_slice %dot_general3A_1869 {offsets = [0, 1792], sizes = [128, 256], strides = [1, 1]} : vector<128x8192xf32> to vector<128x256xf32>
    %sub3A_1948 = arith.subf %broadcast_in_dim3A_1872, %slice3A_1947 : vector<128x256xf32>
    %get3A_1949 = arith.constant 0 : index
    %get3A_1950 = arith.constant 1792 : index
    %get3A_1951 = vector.load %arg6[%get3A_1949, %get3A_1950] : memref<128x8192xf32, #tpu.memory_space<vmem>>, vector<128x256xf32>
    %add3A_1952 = arith.addf %sub3A_1948, %get3A_1951 : vector<128x256xf32>
    %lt3A_1953 = arith.cmpf olt, %add3A_1952, %select_n3A_1943 : vector<128x256xf32>
    %select_n3A_1954 = arith.select %lt3A_1953, %add3A_1952, %select_n3A_1943 : vector<128x256xi1>, vector<128x256xf32>
    %jit3A_1955 = arith.constant 7 : i32
    %broadcast_in_dim3A_1956 = vector.broadcast %jit3A_1955 : i32 to vector<128x256xi32>
    %select_n3A_1957 = arith.select %lt3A_1953, %broadcast_in_dim3A_1956, %select_n3A_1946 : vector<128x256xi1>, vector<128x256xi32>
    %slice3A_1958 = vector.extract_strided_slice %dot_general3A_1869 {offsets = [0, 2048], sizes = [128, 256], strides = [1, 1]} : vector<128x8192xf32> to vector<128x256xf32>
    %sub3A_1959 = arith.subf %broadcast_in_dim3A_1872, %slice3A_1958 : vector<128x256xf32>
    %get3A_1960 = arith.constant 0 : index
    %get3A_1961 = arith.constant 2048 : index
    %get3A_1962 = vector.load %arg6[%get3A_1960, %get3A_1961] : memref<128x8192xf32, #tpu.memory_space<vmem>>, vector<128x256xf32>
    %add3A_1963 = arith.addf %sub3A_1959, %get3A_1962 : vector<128x256xf32>
    %lt3A_1964 = arith.cmpf olt, %add3A_1963, %select_n3A_1954 : vector<128x256xf32>
    %select_n3A_1965 = arith.select %lt3A_1964, %add3A_1963, %select_n3A_1954 : vector<128x256xi1>, vector<128x256xf32>
    %jit3A_1966 = arith.constant 8 : i32
    %broadcast_in_dim3A_1967 = vector.broadcast %jit3A_1966 : i32 to vector<128x256xi32>
    %select_n3A_1968 = arith.select %lt3A_1964, %broadcast_in_dim3A_1967, %select_n3A_1957 : vector<128x256xi1>, vector<128x256xi32>
    %slice3A_1969 = vector.extract_strided_slice %dot_general3A_1869 {offsets = [0, 2304], sizes = [128, 256], strides = [1, 1]} : vector<128x8192xf32> to vector<128x256xf32>
    %sub3A_1970 = arith.subf %broadcast_in_dim3A_1872, %slice3A_1969 : vector<128x256xf32>
    %get3A_1971 = arith.constant 0 : index
    %get3A_1972 = arith.constant 2304 : index
    %get3A_1973 = vector.load %arg6[%get3A_1971, %get3A_1972] : memref<128x8192xf32, #tpu.memory_space<vmem>>, vector<128x256xf32>
    %add3A_1974 = arith.addf %sub3A_1970, %get3A_1973 : vector<128x256xf32>
    %lt3A_1975 = arith.cmpf olt, %add3A_1974, %select_n3A_1965 : vector<128x256xf32>
    %select_n3A_1976 = arith.select %lt3A_1975, %add3A_1974, %select_n3A_1965 : vector<128x256xi1>, vector<128x256xf32>
    %jit3A_1977 = arith.constant 9 : i32
    %broadcast_in_dim3A_1978 = vector.broadcast %jit3A_1977 : i32 to vector<128x256xi32>
    %select_n3A_1979 = arith.select %lt3A_1975, %broadcast_in_dim3A_1978, %select_n3A_1968 : vector<128x256xi1>, vector<128x256xi32>
    %slice3A_1980 = vector.extract_strided_slice %dot_general3A_1869 {offsets = [0, 2560], sizes = [128, 256], strides = [1, 1]} : vector<128x8192xf32> to vector<128x256xf32>
    %sub3A_1981 = arith.subf %broadcast_in_dim3A_1872, %slice3A_1980 : vector<128x256xf32>
    %get3A_1982 = arith.constant 0 : index
    %get3A_1983 = arith.constant 2560 : index
    %get3A_1984 = vector.load %arg6[%get3A_1982, %get3A_1983] : memref<128x8192xf32, #tpu.memory_space<vmem>>, vector<128x256xf32>
    %add3A_1985 = arith.addf %sub3A_1981, %get3A_1984 : vector<128x256xf32>
    %lt3A_1986 = arith.cmpf olt, %add3A_1985, %select_n3A_1976 : vector<128x256xf32>
    %select_n3A_1987 = arith.select %lt3A_1986, %add3A_1985, %select_n3A_1976 : vector<128x256xi1>, vector<128x256xf32>
    %jit3A_1988 = arith.constant 10 : i32
    %broadcast_in_dim3A_1989 = vector.broadcast %jit3A_1988 : i32 to vector<128x256xi32>
    %select_n3A_1990 = arith.select %lt3A_1986, %broadcast_in_dim3A_1989, %select_n3A_1979 : vector<128x256xi1>, vector<128x256xi32>
    %slice3A_1991 = vector.extract_strided_slice %dot_general3A_1869 {offsets = [0, 2816], sizes = [128, 256], strides = [1, 1]} : vector<128x8192xf32> to vector<128x256xf32>
    %sub3A_1992 = arith.subf %broadcast_in_dim3A_1872, %slice3A_1991 : vector<128x256xf32>
    %get3A_1993 = arith.constant 0 : index
    %get3A_1994 = arith.constant 2816 : index
    %get3A_1995 = vector.load %arg6[%get3A_1993, %get3A_1994] : memref<128x8192xf32, #tpu.memory_space<vmem>>, vector<128x256xf32>
    %add3A_1996 = arith.addf %sub3A_1992, %get3A_1995 : vector<128x256xf32>
    %lt3A_1997 = arith.cmpf olt, %add3A_1996, %select_n3A_1987 : vector<128x256xf32>
    %select_n3A_1998 = arith.select %lt3A_1997, %add3A_1996, %select_n3A_1987 : vector<128x256xi1>, vector<128x256xf32>
    %jit3A_1999 = arith.constant 11 : i32
    %broadcast_in_dim3A_2000 = vector.broadcast %jit3A_1999 : i32 to vector<128x256xi32>
    %select_n3A_2001 = arith.select %lt3A_1997, %broadcast_in_dim3A_2000, %select_n3A_1990 : vector<128x256xi1>, vector<128x256xi32>
    %slice3A_2002 = vector.extract_strided_slice %dot_general3A_1869 {offsets = [0, 3072], sizes = [128, 256], strides = [1, 1]} : vector<128x8192xf32> to vector<128x256xf32>
    %sub3A_2003 = arith.subf %broadcast_in_dim3A_1872, %slice3A_2002 : vector<128x256xf32>
    %get3A_2004 = arith.constant 0 : index
    %get3A_2005 = arith.constant 3072 : index
    %get3A_2006 = vector.load %arg6[%get3A_2004, %get3A_2005] : memref<128x8192xf32, #tpu.memory_space<vmem>>, vector<128x256xf32>
    %add3A_2007 = arith.addf %sub3A_2003, %get3A_2006 : vector<128x256xf32>
    %lt3A_2008 = arith.cmpf olt, %add3A_2007, %select_n3A_1998 : vector<128x256xf32>
    %select_n3A_2009 = arith.select %lt3A_2008, %add3A_2007, %select_n3A_1998 : vector<128x256xi1>, vector<128x256xf32>
    %jit3A_2010 = arith.constant 12 : i32
    %broadcast_in_dim3A_2011 = vector.broadcast %jit3A_2010 : i32 to vector<128x256xi32>
    %select_n3A_2012 = arith.select %lt3A_2008, %broadcast_in_dim3A_2011, %select_n3A_2001 : vector<128x256xi1>, vector<128x256xi32>
    %slice3A_2013 = vector.extract_strided_slice %dot_general3A_1869 {offsets = [0, 3328], sizes = [128, 256], strides = [1, 1]} : vector<128x8192xf32> to vector<128x256xf32>
    %sub3A_2014 = arith.subf %broadcast_in_dim3A_1872, %slice3A_2013 : vector<128x256xf32>
    %get3A_2015 = arith.constant 0 : index
    %get3A_2016 = arith.constant 3328 : index
    %get3A_2017 = vector.load %arg6[%get3A_2015, %get3A_2016] : memref<128x8192xf32, #tpu.memory_space<vmem>>, vector<128x256xf32>
    %add3A_2018 = arith.addf %sub3A_2014, %get3A_2017 : vector<128x256xf32>
    %lt3A_2019 = arith.cmpf olt, %add3A_2018, %select_n3A_2009 : vector<128x256xf32>
    %select_n3A_2020 = arith.select %lt3A_2019, %add3A_2018, %select_n3A_2009 : vector<128x256xi1>, vector<128x256xf32>
    %jit3A_2021 = arith.constant 13 : i32
    %broadcast_in_dim3A_2022 = vector.broadcast %jit3A_2021 : i32 to vector<128x256xi32>
    %select_n3A_2023 = arith.select %lt3A_2019, %broadcast_in_dim3A_2022, %select_n3A_2012 : vector<128x256xi1>, vector<128x256xi32>
    %slice3A_2024 = vector.extract_strided_slice %dot_general3A_1869 {offsets = [0, 3584], sizes = [128, 256], strides = [1, 1]} : vector<128x8192xf32> to vector<128x256xf32>
    %sub3A_2025 = arith.subf %broadcast_in_dim3A_1872, %slice3A_2024 : vector<128x256xf32>
    %get3A_2026 = arith.constant 0 : index
    %get3A_2027 = arith.constant 3584 : index
    %get3A_2028 = vector.load %arg6[%get3A_2026, %get3A_2027] : memref<128x8192xf32, #tpu.memory_space<vmem>>, vector<128x256xf32>
    %add3A_2029 = arith.addf %sub3A_2025, %get3A_2028 : vector<128x256xf32>
    %lt3A_2030 = arith.cmpf olt, %add3A_2029, %select_n3A_2020 : vector<128x256xf32>
    %select_n3A_2031 = arith.select %lt3A_2030, %add3A_2029, %select_n3A_2020 : vector<128x256xi1>, vector<128x256xf32>
    %jit3A_2032 = arith.constant 14 : i32
    %broadcast_in_dim3A_2033 = vector.broadcast %jit3A_2032 : i32 to vector<128x256xi32>
    %select_n3A_2034 = arith.select %lt3A_2030, %broadcast_in_dim3A_2033, %select_n3A_2023 : vector<128x256xi1>, vector<128x256xi32>
    %slice3A_2035 = vector.extract_strided_slice %dot_general3A_1869 {offsets = [0, 3840], sizes = [128, 256], strides = [1, 1]} : vector<128x8192xf32> to vector<128x256xf32>
    %sub3A_2036 = arith.subf %broadcast_in_dim3A_1872, %slice3A_2035 : vector<128x256xf32>
    %get3A_2037 = arith.constant 0 : index
    %get3A_2038 = arith.constant 3840 : index
    %get3A_2039 = vector.load %arg6[%get3A_2037, %get3A_2038] : memref<128x8192xf32, #tpu.memory_space<vmem>>, vector<128x256xf32>
    %add3A_2040 = arith.addf %sub3A_2036, %get3A_2039 : vector<128x256xf32>
    %lt3A_2041 = arith.cmpf olt, %add3A_2040, %select_n3A_2031 : vector<128x256xf32>
    %select_n3A_2042 = arith.select %lt3A_2041, %add3A_2040, %select_n3A_2031 : vector<128x256xi1>, vector<128x256xf32>
    %jit3A_2043 = arith.constant 15 : i32
    %broadcast_in_dim3A_2044 = vector.broadcast %jit3A_2043 : i32 to vector<128x256xi32>
    %select_n3A_2045 = arith.select %lt3A_2041, %broadcast_in_dim3A_2044, %select_n3A_2034 : vector<128x256xi1>, vector<128x256xi32>
    %slice3A_2046 = vector.extract_strided_slice %dot_general3A_1869 {offsets = [0, 4096], sizes = [128, 256], strides = [1, 1]} : vector<128x8192xf32> to vector<128x256xf32>
    %sub3A_2047 = arith.subf %broadcast_in_dim3A_1872, %slice3A_2046 : vector<128x256xf32>
    %get3A_2048 = arith.constant 0 : index
    %get3A_2049 = arith.constant 4096 : index
    %get3A_2050 = vector.load %arg6[%get3A_2048, %get3A_2049] : memref<128x8192xf32, #tpu.memory_space<vmem>>, vector<128x256xf32>
    %add3A_2051 = arith.addf %sub3A_2047, %get3A_2050 : vector<128x256xf32>
    %lt3A_2052 = arith.cmpf olt, %add3A_2051, %select_n3A_2042 : vector<128x256xf32>
    %select_n3A_2053 = arith.select %lt3A_2052, %add3A_2051, %select_n3A_2042 : vector<128x256xi1>, vector<128x256xf32>
    %jit3A_2054 = arith.constant 16 : i32
    %broadcast_in_dim3A_2055 = vector.broadcast %jit3A_2054 : i32 to vector<128x256xi32>
    %select_n3A_2056 = arith.select %lt3A_2052, %broadcast_in_dim3A_2055, %select_n3A_2045 : vector<128x256xi1>, vector<128x256xi32>
    %slice3A_2057 = vector.extract_strided_slice %dot_general3A_1869 {offsets = [0, 4352], sizes = [128, 256], strides = [1, 1]} : vector<128x8192xf32> to vector<128x256xf32>
    %sub3A_2058 = arith.subf %broadcast_in_dim3A_1872, %slice3A_2057 : vector<128x256xf32>
    %get3A_2059 = arith.constant 0 : index
    %get3A_2060 = arith.constant 4352 : index
    %get3A_2061 = vector.load %arg6[%get3A_2059, %get3A_2060] : memref<128x8192xf32, #tpu.memory_space<vmem>>, vector<128x256xf32>
    %add3A_2062 = arith.addf %sub3A_2058, %get3A_2061 : vector<128x256xf32>
    %lt3A_2063 = arith.cmpf olt, %add3A_2062, %select_n3A_2053 : vector<128x256xf32>
    %select_n3A_2064 = arith.select %lt3A_2063, %add3A_2062, %select_n3A_2053 : vector<128x256xi1>, vector<128x256xf32>
    %jit3A_2065 = arith.constant 17 : i32
    %broadcast_in_dim3A_2066 = vector.broadcast %jit3A_2065 : i32 to vector<128x256xi32>
    %select_n3A_2067 = arith.select %lt3A_2063, %broadcast_in_dim3A_2066, %select_n3A_2056 : vector<128x256xi1>, vector<128x256xi32>
    %slice3A_2068 = vector.extract_strided_slice %dot_general3A_1869 {offsets = [0, 4608], sizes = [128, 256], strides = [1, 1]} : vector<128x8192xf32> to vector<128x256xf32>
    %sub3A_2069 = arith.subf %broadcast_in_dim3A_1872, %slice3A_2068 : vector<128x256xf32>
    %get3A_2070 = arith.constant 0 : index
    %get3A_2071 = arith.constant 4608 : index
    %get3A_2072 = vector.load %arg6[%get3A_2070, %get3A_2071] : memref<128x8192xf32, #tpu.memory_space<vmem>>, vector<128x256xf32>
    %add3A_2073 = arith.addf %sub3A_2069, %get3A_2072 : vector<128x256xf32>
    %lt3A_2074 = arith.cmpf olt, %add3A_2073, %select_n3A_2064 : vector<128x256xf32>
    %select_n3A_2075 = arith.select %lt3A_2074, %add3A_2073, %select_n3A_2064 : vector<128x256xi1>, vector<128x256xf32>
    %jit3A_2076 = arith.constant 18 : i32
    %broadcast_in_dim3A_2077 = vector.broadcast %jit3A_2076 : i32 to vector<128x256xi32>
    %select_n3A_2078 = arith.select %lt3A_2074, %broadcast_in_dim3A_2077, %select_n3A_2067 : vector<128x256xi1>, vector<128x256xi32>
    %slice3A_2079 = vector.extract_strided_slice %dot_general3A_1869 {offsets = [0, 4864], sizes = [128, 256], strides = [1, 1]} : vector<128x8192xf32> to vector<128x256xf32>
    %sub3A_2080 = arith.subf %broadcast_in_dim3A_1872, %slice3A_2079 : vector<128x256xf32>
    %get3A_2081 = arith.constant 0 : index
    %get3A_2082 = arith.constant 4864 : index
    %get3A_2083 = vector.load %arg6[%get3A_2081, %get3A_2082] : memref<128x8192xf32, #tpu.memory_space<vmem>>, vector<128x256xf32>
    %add3A_2084 = arith.addf %sub3A_2080, %get3A_2083 : vector<128x256xf32>
    %lt3A_2085 = arith.cmpf olt, %add3A_2084, %select_n3A_2075 : vector<128x256xf32>
    %select_n3A_2086 = arith.select %lt3A_2085, %add3A_2084, %select_n3A_2075 : vector<128x256xi1>, vector<128x256xf32>
    %jit3A_2087 = arith.constant 19 : i32
    %broadcast_in_dim3A_2088 = vector.broadcast %jit3A_2087 : i32 to vector<128x256xi32>
    %select_n3A_2089 = arith.select %lt3A_2085, %broadcast_in_dim3A_2088, %select_n3A_2078 : vector<128x256xi1>, vector<128x256xi32>
    %slice3A_2090 = vector.extract_strided_slice %dot_general3A_1869 {offsets = [0, 5120], sizes = [128, 256], strides = [1, 1]} : vector<128x8192xf32> to vector<128x256xf32>
    %sub3A_2091 = arith.subf %broadcast_in_dim3A_1872, %slice3A_2090 : vector<128x256xf32>
    %get3A_2092 = arith.constant 0 : index
    %get3A_2093 = arith.constant 5120 : index
    %get3A_2094 = vector.load %arg6[%get3A_2092, %get3A_2093] : memref<128x8192xf32, #tpu.memory_space<vmem>>, vector<128x256xf32>
    %add3A_2095 = arith.addf %sub3A_2091, %get3A_2094 : vector<128x256xf32>
    %lt3A_2096 = arith.cmpf olt, %add3A_2095, %select_n3A_2086 : vector<128x256xf32>
    %select_n3A_2097 = arith.select %lt3A_2096, %add3A_2095, %select_n3A_2086 : vector<128x256xi1>, vector<128x256xf32>
    %jit3A_2098 = arith.constant 20 : i32
    %broadcast_in_dim3A_2099 = vector.broadcast %jit3A_2098 : i32 to vector<128x256xi32>
    %select_n3A_2100 = arith.select %lt3A_2096, %broadcast_in_dim3A_2099, %select_n3A_2089 : vector<128x256xi1>, vector<128x256xi32>
    %slice3A_2101 = vector.extract_strided_slice %dot_general3A_1869 {offsets = [0, 5376], sizes = [128, 256], strides = [1, 1]} : vector<128x8192xf32> to vector<128x256xf32>
    %sub3A_2102 = arith.subf %broadcast_in_dim3A_1872, %slice3A_2101 : vector<128x256xf32>
    %get3A_2103 = arith.constant 0 : index
    %get3A_2104 = arith.constant 5376 : index
    %get3A_2105 = vector.load %arg6[%get3A_2103, %get3A_2104] : memref<128x8192xf32, #tpu.memory_space<vmem>>, vector<128x256xf32>
    %add3A_2106 = arith.addf %sub3A_2102, %get3A_2105 : vector<128x256xf32>
    %lt3A_2107 = arith.cmpf olt, %add3A_2106, %select_n3A_2097 : vector<128x256xf32>
    %select_n3A_2108 = arith.select %lt3A_2107, %add3A_2106, %select_n3A_2097 : vector<128x256xi1>, vector<128x256xf32>
    %jit3A_2109 = arith.constant 21 : i32
    %broadcast_in_dim3A_2110 = vector.broadcast %jit3A_2109 : i32 to vector<128x256xi32>
    %select_n3A_2111 = arith.select %lt3A_2107, %broadcast_in_dim3A_2110, %select_n3A_2100 : vector<128x256xi1>, vector<128x256xi32>
    %slice3A_2112 = vector.extract_strided_slice %dot_general3A_1869 {offsets = [0, 5632], sizes = [128, 256], strides = [1, 1]} : vector<128x8192xf32> to vector<128x256xf32>
    %sub3A_2113 = arith.subf %broadcast_in_dim3A_1872, %slice3A_2112 : vector<128x256xf32>
    %get3A_2114 = arith.constant 0 : index
    %get3A_2115 = arith.constant 5632 : index
    %get3A_2116 = vector.load %arg6[%get3A_2114, %get3A_2115] : memref<128x8192xf32, #tpu.memory_space<vmem>>, vector<128x256xf32>
    %add3A_2117 = arith.addf %sub3A_2113, %get3A_2116 : vector<128x256xf32>
    %lt3A_2118 = arith.cmpf olt, %add3A_2117, %select_n3A_2108 : vector<128x256xf32>
    %select_n3A_2119 = arith.select %lt3A_2118, %add3A_2117, %select_n3A_2108 : vector<128x256xi1>, vector<128x256xf32>
    %jit3A_2120 = arith.constant 22 : i32
    %broadcast_in_dim3A_2121 = vector.broadcast %jit3A_2120 : i32 to vector<128x256xi32>
    %select_n3A_2122 = arith.select %lt3A_2118, %broadcast_in_dim3A_2121, %select_n3A_2111 : vector<128x256xi1>, vector<128x256xi32>
    %slice3A_2123 = vector.extract_strided_slice %dot_general3A_1869 {offsets = [0, 5888], sizes = [128, 256], strides = [1, 1]} : vector<128x8192xf32> to vector<128x256xf32>
    %sub3A_2124 = arith.subf %broadcast_in_dim3A_1872, %slice3A_2123 : vector<128x256xf32>
    %get3A_2125 = arith.constant 0 : index
    %get3A_2126 = arith.constant 5888 : index
    %get3A_2127 = vector.load %arg6[%get3A_2125, %get3A_2126] : memref<128x8192xf32, #tpu.memory_space<vmem>>, vector<128x256xf32>
    %add3A_2128 = arith.addf %sub3A_2124, %get3A_2127 : vector<128x256xf32>
    %lt3A_2129 = arith.cmpf olt, %add3A_2128, %select_n3A_2119 : vector<128x256xf32>
    %select_n3A_2130 = arith.select %lt3A_2129, %add3A_2128, %select_n3A_2119 : vector<128x256xi1>, vector<128x256xf32>
    %jit3A_2131 = arith.constant 23 : i32
    %broadcast_in_dim3A_2132 = vector.broadcast %jit3A_2131 : i32 to vector<128x256xi32>
    %select_n3A_2133 = arith.select %lt3A_2129, %broadcast_in_dim3A_2132, %select_n3A_2122 : vector<128x256xi1>, vector<128x256xi32>
    %slice3A_2134 = vector.extract_strided_slice %dot_general3A_1869 {offsets = [0, 6144], sizes = [128, 256], strides = [1, 1]} : vector<128x8192xf32> to vector<128x256xf32>
    %sub3A_2135 = arith.subf %broadcast_in_dim3A_1872, %slice3A_2134 : vector<128x256xf32>
    %get3A_2136 = arith.constant 0 : index
    %get3A_2137 = arith.constant 6144 : index
    %get3A_2138 = vector.load %arg6[%get3A_2136, %get3A_2137] : memref<128x8192xf32, #tpu.memory_space<vmem>>, vector<128x256xf32>
    %add3A_2139 = arith.addf %sub3A_2135, %get3A_2138 : vector<128x256xf32>
    %lt3A_2140 = arith.cmpf olt, %add3A_2139, %select_n3A_2130 : vector<128x256xf32>
    %select_n3A_2141 = arith.select %lt3A_2140, %add3A_2139, %select_n3A_2130 : vector<128x256xi1>, vector<128x256xf32>
    %jit3A_2142 = arith.constant 24 : i32
    %broadcast_in_dim3A_2143 = vector.broadcast %jit3A_2142 : i32 to vector<128x256xi32>
    %select_n3A_2144 = arith.select %lt3A_2140, %broadcast_in_dim3A_2143, %select_n3A_2133 : vector<128x256xi1>, vector<128x256xi32>
    %slice3A_2145 = vector.extract_strided_slice %dot_general3A_1869 {offsets = [0, 6400], sizes = [128, 256], strides = [1, 1]} : vector<128x8192xf32> to vector<128x256xf32>
    %sub3A_2146 = arith.subf %broadcast_in_dim3A_1872, %slice3A_2145 : vector<128x256xf32>
    %get3A_2147 = arith.constant 0 : index
    %get3A_2148 = arith.constant 6400 : index
    %get3A_2149 = vector.load %arg6[%get3A_2147, %get3A_2148] : memref<128x8192xf32, #tpu.memory_space<vmem>>, vector<128x256xf32>
    %add3A_2150 = arith.addf %sub3A_2146, %get3A_2149 : vector<128x256xf32>
    %lt3A_2151 = arith.cmpf olt, %add3A_2150, %select_n3A_2141 : vector<128x256xf32>
    %select_n3A_2152 = arith.select %lt3A_2151, %add3A_2150, %select_n3A_2141 : vector<128x256xi1>, vector<128x256xf32>
    %jit3A_2153 = arith.constant 25 : i32
    %broadcast_in_dim3A_2154 = vector.broadcast %jit3A_2153 : i32 to vector<128x256xi32>
    %select_n3A_2155 = arith.select %lt3A_2151, %broadcast_in_dim3A_2154, %select_n3A_2144 : vector<128x256xi1>, vector<128x256xi32>
    %slice3A_2156 = vector.extract_strided_slice %dot_general3A_1869 {offsets = [0, 6656], sizes = [128, 256], strides = [1, 1]} : vector<128x8192xf32> to vector<128x256xf32>
    %sub3A_2157 = arith.subf %broadcast_in_dim3A_1872, %slice3A_2156 : vector<128x256xf32>
    %get3A_2158 = arith.constant 0 : index
    %get3A_2159 = arith.constant 6656 : index
    %get3A_2160 = vector.load %arg6[%get3A_2158, %get3A_2159] : memref<128x8192xf32, #tpu.memory_space<vmem>>, vector<128x256xf32>
    %add3A_2161 = arith.addf %sub3A_2157, %get3A_2160 : vector<128x256xf32>
    %lt3A_2162 = arith.cmpf olt, %add3A_2161, %select_n3A_2152 : vector<128x256xf32>
    %select_n3A_2163 = arith.select %lt3A_2162, %add3A_2161, %select_n3A_2152 : vector<128x256xi1>, vector<128x256xf32>
    %jit3A_2164 = arith.constant 26 : i32
    %broadcast_in_dim3A_2165 = vector.broadcast %jit3A_2164 : i32 to vector<128x256xi32>
    %select_n3A_2166 = arith.select %lt3A_2162, %broadcast_in_dim3A_2165, %select_n3A_2155 : vector<128x256xi1>, vector<128x256xi32>
    %slice3A_2167 = vector.extract_strided_slice %dot_general3A_1869 {offsets = [0, 6912], sizes = [128, 256], strides = [1, 1]} : vector<128x8192xf32> to vector<128x256xf32>
    %sub3A_2168 = arith.subf %broadcast_in_dim3A_1872, %slice3A_2167 : vector<128x256xf32>
    %get3A_2169 = arith.constant 0 : index
    %get3A_2170 = arith.constant 6912 : index
    %get3A_2171 = vector.load %arg6[%get3A_2169, %get3A_2170] : memref<128x8192xf32, #tpu.memory_space<vmem>>, vector<128x256xf32>
    %add3A_2172 = arith.addf %sub3A_2168, %get3A_2171 : vector<128x256xf32>
    %lt3A_2173 = arith.cmpf olt, %add3A_2172, %select_n3A_2163 : vector<128x256xf32>
    %select_n3A_2174 = arith.select %lt3A_2173, %add3A_2172, %select_n3A_2163 : vector<128x256xi1>, vector<128x256xf32>
    %jit3A_2175 = arith.constant 27 : i32
    %broadcast_in_dim3A_2176 = vector.broadcast %jit3A_2175 : i32 to vector<128x256xi32>
    %select_n3A_2177 = arith.select %lt3A_2173, %broadcast_in_dim3A_2176, %select_n3A_2166 : vector<128x256xi1>, vector<128x256xi32>
    %slice3A_2178 = vector.extract_strided_slice %dot_general3A_1869 {offsets = [0, 7168], sizes = [128, 256], strides = [1, 1]} : vector<128x8192xf32> to vector<128x256xf32>
    %sub3A_2179 = arith.subf %broadcast_in_dim3A_1872, %slice3A_2178 : vector<128x256xf32>
    %get3A_2180 = arith.constant 0 : index
    %get3A_2181 = arith.constant 7168 : index
    %get3A_2182 = vector.load %arg6[%get3A_2180, %get3A_2181] : memref<128x8192xf32, #tpu.memory_space<vmem>>, vector<128x256xf32>
    %add3A_2183 = arith.addf %sub3A_2179, %get3A_2182 : vector<128x256xf32>
    %lt3A_2184 = arith.cmpf olt, %add3A_2183, %select_n3A_2174 : vector<128x256xf32>
    %select_n3A_2185 = arith.select %lt3A_2184, %add3A_2183, %select_n3A_2174 : vector<128x256xi1>, vector<128x256xf32>
    %jit3A_2186 = arith.constant 28 : i32
    %broadcast_in_dim3A_2187 = vector.broadcast %jit3A_2186 : i32 to vector<128x256xi32>
    %select_n3A_2188 = arith.select %lt3A_2184, %broadcast_in_dim3A_2187, %select_n3A_2177 : vector<128x256xi1>, vector<128x256xi32>
    %slice3A_2189 = vector.extract_strided_slice %dot_general3A_1869 {offsets = [0, 7424], sizes = [128, 256], strides = [1, 1]} : vector<128x8192xf32> to vector<128x256xf32>
    %sub3A_2190 = arith.subf %broadcast_in_dim3A_1872, %slice3A_2189 : vector<128x256xf32>
    %get3A_2191 = arith.constant 0 : index
    %get3A_2192 = arith.constant 7424 : index
    %get3A_2193 = vector.load %arg6[%get3A_2191, %get3A_2192] : memref<128x8192xf32, #tpu.memory_space<vmem>>, vector<128x256xf32>
    %add3A_2194 = arith.addf %sub3A_2190, %get3A_2193 : vector<128x256xf32>
    %lt3A_2195 = arith.cmpf olt, %add3A_2194, %select_n3A_2185 : vector<128x256xf32>
    %select_n3A_2196 = arith.select %lt3A_2195, %add3A_2194, %select_n3A_2185 : vector<128x256xi1>, vector<128x256xf32>
    %jit3A_2197 = arith.constant 29 : i32
    %broadcast_in_dim3A_2198 = vector.broadcast %jit3A_2197 : i32 to vector<128x256xi32>
    %select_n3A_2199 = arith.select %lt3A_2195, %broadcast_in_dim3A_2198, %select_n3A_2188 : vector<128x256xi1>, vector<128x256xi32>
    %slice3A_2200 = vector.extract_strided_slice %dot_general3A_1869 {offsets = [0, 7680], sizes = [128, 256], strides = [1, 1]} : vector<128x8192xf32> to vector<128x256xf32>
    %sub3A_2201 = arith.subf %broadcast_in_dim3A_1872, %slice3A_2200 : vector<128x256xf32>
    %get3A_2202 = arith.constant 0 : index
    %get3A_2203 = arith.constant 7680 : index
    %get3A_2204 = vector.load %arg6[%get3A_2202, %get3A_2203] : memref<128x8192xf32, #tpu.memory_space<vmem>>, vector<128x256xf32>
    %add3A_2205 = arith.addf %sub3A_2201, %get3A_2204 : vector<128x256xf32>
    %lt3A_2206 = arith.cmpf olt, %add3A_2205, %select_n3A_2196 : vector<128x256xf32>
    %select_n3A_2207 = arith.select %lt3A_2206, %add3A_2205, %select_n3A_2196 : vector<128x256xi1>, vector<128x256xf32>
    %jit3A_2208 = arith.constant 30 : i32
    %broadcast_in_dim3A_2209 = vector.broadcast %jit3A_2208 : i32 to vector<128x256xi32>
    %select_n3A_2210 = arith.select %lt3A_2206, %broadcast_in_dim3A_2209, %select_n3A_2199 : vector<128x256xi1>, vector<128x256xi32>
    %slice3A_2211 = vector.extract_strided_slice %dot_general3A_1869 {offsets = [0, 7936], sizes = [128, 256], strides = [1, 1]} : vector<128x8192xf32> to vector<128x256xf32>
    %sub3A_2212 = arith.subf %broadcast_in_dim3A_1872, %slice3A_2211 : vector<128x256xf32>
    %get3A_2213 = arith.constant 0 : index
    %get3A_2214 = arith.constant 7936 : index
    %get3A_2215 = vector.load %arg6[%get3A_2213, %get3A_2214] : memref<128x8192xf32, #tpu.memory_space<vmem>>, vector<128x256xf32>
    %add3A_2216 = arith.addf %sub3A_2212, %get3A_2215 : vector<128x256xf32>
    %lt3A_2217 = arith.cmpf olt, %add3A_2216, %select_n3A_2207 : vector<128x256xf32>
    %select_n3A_2218 = arith.select %lt3A_2217, %add3A_2216, %select_n3A_2207 : vector<128x256xi1>, vector<128x256xf32>
    %jit3A_2219 = arith.constant 31 : i32
    %broadcast_in_dim3A_2220 = vector.broadcast %jit3A_2219 : i32 to vector<128x256xi32>
    %select_n3A_2221 = arith.select %lt3A_2217, %broadcast_in_dim3A_2220, %select_n3A_2210 : vector<128x256xi1>, vector<128x256xi32>
    %reduce_min3A_2222 = arith.constant dense<0x7F800000> : vector<128xf32>
    %reduce_min3A_2223 = vector.multi_reduction <minimumf>, %select_n3A_2218, %reduce_min3A_2222 [1] : vector<128x256xf32> to vector<128xf32>
    %broadcast_in_dim3A_2224 = vector.shape_cast %reduce_min3A_2223 : vector<128xf32> to vector<128x1xf32>
    %eq3A_2225 = vector.broadcast %broadcast_in_dim3A_2224 : vector<128x1xf32> to vector<128x256xf32>
    %eq3A_2226 = arith.cmpf oeq, %select_n3A_2218, %eq3A_2225 : vector<128x256xf32>
    %mul3A_2227 = arith.constant 256 : i32
    %mul3A_2228 = vector.broadcast %mul3A_2227 : i32 to vector<128x256xi32>
    %mul3A_2229 = arith.muli %select_n3A_2221, %mul3A_2228 : vector<128x256xi32>
    %add3A_2230 = arith.addi %mul3A_2229, %iota3A : vector<128x256xi32>
    %jit3A_2231 = arith.constant 16384 : i32
    %broadcast_in_dim3A_2232 = vector.broadcast %jit3A_2231 : i32 to vector<128x256xi32>
    %select_n3A_2233 = arith.select %eq3A_2226, %add3A_2230, %broadcast_in_dim3A_2232 : vector<128x256xi1>, vector<128x256xi32>
    %reduce_min3A_2234 = arith.constant dense<2147483647> : vector<128xi32>
    %reduce_min3A_2235 = vector.multi_reduction <minsi>, %select_n3A_2233, %reduce_min3A_2234 [1] : vector<128x256xi32> to vector<128xi32>
    %broadcast_in_dim3A_2236 = vector.shape_cast %reduce_min3A_2235 : vector<128xi32> to vector<128x1xi32>
    %slice3A_2237 = vector.extract_strided_slice %add3A {offsets = [768, 0], sizes = [128, 32], strides = [1, 1]} : vector<1024x32xf32> to vector<128x32xf32>
    %dot_general3A_2238 = arith.constant dense<0.000000e+00> : vector<128x8192xf32>
    %dot_general3A_2239 = tpu.matmul %slice3A_2237, %get3A_8, %dot_general3A_2238 {dimension_numbers = #tpu.dot_dimension_numbers<[1], [0], [0], [1], [0, 0, 1, 1], [], []>, transpose_lhs_hint = false} : vector<128x32xf32>, vector<32x8192xf32>, vector<128x8192xf32> -> vector<128x8192xf32>
    %slice3A_2240 = vector.extract_strided_slice %broadcast_in_dim3A {offsets = [768, 0], sizes = [128, 1], strides = [1, 1]} : vector<1024x1xf32> to vector<128x1xf32>
    %broadcast_in_dim3A_2241 = vector.shape_cast %slice3A_2240 : vector<128x1xf32> to vector<128x1xf32>
    %broadcast_in_dim3A_2242 = vector.broadcast %broadcast_in_dim3A_2241 : vector<128x1xf32> to vector<128x256xf32>
    %slice3A_2243 = vector.extract_strided_slice %dot_general3A_2239 {offsets = [0, 0], sizes = [128, 256], strides = [1, 1]} : vector<128x8192xf32> to vector<128x256xf32>
    %sub3A_2244 = arith.subf %broadcast_in_dim3A_2242, %slice3A_2243 : vector<128x256xf32>
    %get3A_2245 = arith.constant 0 : index
    %get3A_2246 = arith.constant 0 : index
    %get3A_2247 = vector.load %arg6[%get3A_2245, %get3A_2246] : memref<128x8192xf32, #tpu.memory_space<vmem>>, vector<128x256xf32>
    %add3A_2248 = arith.addf %sub3A_2244, %get3A_2247 : vector<128x256xf32>
    %broadcast_in_dim3A_2249 = arith.constant 0 : i32
    %broadcast_in_dim3A_2250 = vector.broadcast %broadcast_in_dim3A_2249 : i32 to vector<128x256xi32>
    %slice3A_2251 = vector.extract_strided_slice %dot_general3A_2239 {offsets = [0, 256], sizes = [128, 256], strides = [1, 1]} : vector<128x8192xf32> to vector<128x256xf32>
    %sub3A_2252 = arith.subf %broadcast_in_dim3A_2242, %slice3A_2251 : vector<128x256xf32>
    %get3A_2253 = arith.constant 0 : index
    %get3A_2254 = arith.constant 256 : index
    %get3A_2255 = vector.load %arg6[%get3A_2253, %get3A_2254] : memref<128x8192xf32, #tpu.memory_space<vmem>>, vector<128x256xf32>
    %add3A_2256 = arith.addf %sub3A_2252, %get3A_2255 : vector<128x256xf32>
    %lt3A_2257 = arith.cmpf olt, %add3A_2256, %add3A_2248 : vector<128x256xf32>
    %select_n3A_2258 = arith.select %lt3A_2257, %add3A_2256, %add3A_2248 : vector<128x256xi1>, vector<128x256xf32>
    %jit3A_2259 = arith.constant 1 : i32
    %broadcast_in_dim3A_2260 = vector.broadcast %jit3A_2259 : i32 to vector<128x256xi32>
    %select_n3A_2261 = arith.select %lt3A_2257, %broadcast_in_dim3A_2260, %broadcast_in_dim3A_2250 : vector<128x256xi1>, vector<128x256xi32>
    %slice3A_2262 = vector.extract_strided_slice %dot_general3A_2239 {offsets = [0, 512], sizes = [128, 256], strides = [1, 1]} : vector<128x8192xf32> to vector<128x256xf32>
    %sub3A_2263 = arith.subf %broadcast_in_dim3A_2242, %slice3A_2262 : vector<128x256xf32>
    %get3A_2264 = arith.constant 0 : index
    %get3A_2265 = arith.constant 512 : index
    %get3A_2266 = vector.load %arg6[%get3A_2264, %get3A_2265] : memref<128x8192xf32, #tpu.memory_space<vmem>>, vector<128x256xf32>
    %add3A_2267 = arith.addf %sub3A_2263, %get3A_2266 : vector<128x256xf32>
    %lt3A_2268 = arith.cmpf olt, %add3A_2267, %select_n3A_2258 : vector<128x256xf32>
    %select_n3A_2269 = arith.select %lt3A_2268, %add3A_2267, %select_n3A_2258 : vector<128x256xi1>, vector<128x256xf32>
    %jit3A_2270 = arith.constant 2 : i32
    %broadcast_in_dim3A_2271 = vector.broadcast %jit3A_2270 : i32 to vector<128x256xi32>
    %select_n3A_2272 = arith.select %lt3A_2268, %broadcast_in_dim3A_2271, %select_n3A_2261 : vector<128x256xi1>, vector<128x256xi32>
    %slice3A_2273 = vector.extract_strided_slice %dot_general3A_2239 {offsets = [0, 768], sizes = [128, 256], strides = [1, 1]} : vector<128x8192xf32> to vector<128x256xf32>
    %sub3A_2274 = arith.subf %broadcast_in_dim3A_2242, %slice3A_2273 : vector<128x256xf32>
    %get3A_2275 = arith.constant 0 : index
    %get3A_2276 = arith.constant 768 : index
    %get3A_2277 = vector.load %arg6[%get3A_2275, %get3A_2276] : memref<128x8192xf32, #tpu.memory_space<vmem>>, vector<128x256xf32>
    %add3A_2278 = arith.addf %sub3A_2274, %get3A_2277 : vector<128x256xf32>
    %lt3A_2279 = arith.cmpf olt, %add3A_2278, %select_n3A_2269 : vector<128x256xf32>
    %select_n3A_2280 = arith.select %lt3A_2279, %add3A_2278, %select_n3A_2269 : vector<128x256xi1>, vector<128x256xf32>
    %jit3A_2281 = arith.constant 3 : i32
    %broadcast_in_dim3A_2282 = vector.broadcast %jit3A_2281 : i32 to vector<128x256xi32>
    %select_n3A_2283 = arith.select %lt3A_2279, %broadcast_in_dim3A_2282, %select_n3A_2272 : vector<128x256xi1>, vector<128x256xi32>
    %slice3A_2284 = vector.extract_strided_slice %dot_general3A_2239 {offsets = [0, 1024], sizes = [128, 256], strides = [1, 1]} : vector<128x8192xf32> to vector<128x256xf32>
    %sub3A_2285 = arith.subf %broadcast_in_dim3A_2242, %slice3A_2284 : vector<128x256xf32>
    %get3A_2286 = arith.constant 0 : index
    %get3A_2287 = arith.constant 1024 : index
    %get3A_2288 = vector.load %arg6[%get3A_2286, %get3A_2287] : memref<128x8192xf32, #tpu.memory_space<vmem>>, vector<128x256xf32>
    %add3A_2289 = arith.addf %sub3A_2285, %get3A_2288 : vector<128x256xf32>
    %lt3A_2290 = arith.cmpf olt, %add3A_2289, %select_n3A_2280 : vector<128x256xf32>
    %select_n3A_2291 = arith.select %lt3A_2290, %add3A_2289, %select_n3A_2280 : vector<128x256xi1>, vector<128x256xf32>
    %jit3A_2292 = arith.constant 4 : i32
    %broadcast_in_dim3A_2293 = vector.broadcast %jit3A_2292 : i32 to vector<128x256xi32>
    %select_n3A_2294 = arith.select %lt3A_2290, %broadcast_in_dim3A_2293, %select_n3A_2283 : vector<128x256xi1>, vector<128x256xi32>
    %slice3A_2295 = vector.extract_strided_slice %dot_general3A_2239 {offsets = [0, 1280], sizes = [128, 256], strides = [1, 1]} : vector<128x8192xf32> to vector<128x256xf32>
    %sub3A_2296 = arith.subf %broadcast_in_dim3A_2242, %slice3A_2295 : vector<128x256xf32>
    %get3A_2297 = arith.constant 0 : index
    %get3A_2298 = arith.constant 1280 : index
    %get3A_2299 = vector.load %arg6[%get3A_2297, %get3A_2298] : memref<128x8192xf32, #tpu.memory_space<vmem>>, vector<128x256xf32>
    %add3A_2300 = arith.addf %sub3A_2296, %get3A_2299 : vector<128x256xf32>
    %lt3A_2301 = arith.cmpf olt, %add3A_2300, %select_n3A_2291 : vector<128x256xf32>
    %select_n3A_2302 = arith.select %lt3A_2301, %add3A_2300, %select_n3A_2291 : vector<128x256xi1>, vector<128x256xf32>
    %jit3A_2303 = arith.constant 5 : i32
    %broadcast_in_dim3A_2304 = vector.broadcast %jit3A_2303 : i32 to vector<128x256xi32>
    %select_n3A_2305 = arith.select %lt3A_2301, %broadcast_in_dim3A_2304, %select_n3A_2294 : vector<128x256xi1>, vector<128x256xi32>
    %slice3A_2306 = vector.extract_strided_slice %dot_general3A_2239 {offsets = [0, 1536], sizes = [128, 256], strides = [1, 1]} : vector<128x8192xf32> to vector<128x256xf32>
    %sub3A_2307 = arith.subf %broadcast_in_dim3A_2242, %slice3A_2306 : vector<128x256xf32>
    %get3A_2308 = arith.constant 0 : index
    %get3A_2309 = arith.constant 1536 : index
    %get3A_2310 = vector.load %arg6[%get3A_2308, %get3A_2309] : memref<128x8192xf32, #tpu.memory_space<vmem>>, vector<128x256xf32>
    %add3A_2311 = arith.addf %sub3A_2307, %get3A_2310 : vector<128x256xf32>
    %lt3A_2312 = arith.cmpf olt, %add3A_2311, %select_n3A_2302 : vector<128x256xf32>
    %select_n3A_2313 = arith.select %lt3A_2312, %add3A_2311, %select_n3A_2302 : vector<128x256xi1>, vector<128x256xf32>
    %jit3A_2314 = arith.constant 6 : i32
    %broadcast_in_dim3A_2315 = vector.broadcast %jit3A_2314 : i32 to vector<128x256xi32>
    %select_n3A_2316 = arith.select %lt3A_2312, %broadcast_in_dim3A_2315, %select_n3A_2305 : vector<128x256xi1>, vector<128x256xi32>
    %slice3A_2317 = vector.extract_strided_slice %dot_general3A_2239 {offsets = [0, 1792], sizes = [128, 256], strides = [1, 1]} : vector<128x8192xf32> to vector<128x256xf32>
    %sub3A_2318 = arith.subf %broadcast_in_dim3A_2242, %slice3A_2317 : vector<128x256xf32>
    %get3A_2319 = arith.constant 0 : index
    %get3A_2320 = arith.constant 1792 : index
    %get3A_2321 = vector.load %arg6[%get3A_2319, %get3A_2320] : memref<128x8192xf32, #tpu.memory_space<vmem>>, vector<128x256xf32>
    %add3A_2322 = arith.addf %sub3A_2318, %get3A_2321 : vector<128x256xf32>
    %lt3A_2323 = arith.cmpf olt, %add3A_2322, %select_n3A_2313 : vector<128x256xf32>
    %select_n3A_2324 = arith.select %lt3A_2323, %add3A_2322, %select_n3A_2313 : vector<128x256xi1>, vector<128x256xf32>
    %jit3A_2325 = arith.constant 7 : i32
    %broadcast_in_dim3A_2326 = vector.broadcast %jit3A_2325 : i32 to vector<128x256xi32>
    %select_n3A_2327 = arith.select %lt3A_2323, %broadcast_in_dim3A_2326, %select_n3A_2316 : vector<128x256xi1>, vector<128x256xi32>
    %slice3A_2328 = vector.extract_strided_slice %dot_general3A_2239 {offsets = [0, 2048], sizes = [128, 256], strides = [1, 1]} : vector<128x8192xf32> to vector<128x256xf32>
    %sub3A_2329 = arith.subf %broadcast_in_dim3A_2242, %slice3A_2328 : vector<128x256xf32>
    %get3A_2330 = arith.constant 0 : index
    %get3A_2331 = arith.constant 2048 : index
    %get3A_2332 = vector.load %arg6[%get3A_2330, %get3A_2331] : memref<128x8192xf32, #tpu.memory_space<vmem>>, vector<128x256xf32>
    %add3A_2333 = arith.addf %sub3A_2329, %get3A_2332 : vector<128x256xf32>
    %lt3A_2334 = arith.cmpf olt, %add3A_2333, %select_n3A_2324 : vector<128x256xf32>
    %select_n3A_2335 = arith.select %lt3A_2334, %add3A_2333, %select_n3A_2324 : vector<128x256xi1>, vector<128x256xf32>
    %jit3A_2336 = arith.constant 8 : i32
    %broadcast_in_dim3A_2337 = vector.broadcast %jit3A_2336 : i32 to vector<128x256xi32>
    %select_n3A_2338 = arith.select %lt3A_2334, %broadcast_in_dim3A_2337, %select_n3A_2327 : vector<128x256xi1>, vector<128x256xi32>
    %slice3A_2339 = vector.extract_strided_slice %dot_general3A_2239 {offsets = [0, 2304], sizes = [128, 256], strides = [1, 1]} : vector<128x8192xf32> to vector<128x256xf32>
    %sub3A_2340 = arith.subf %broadcast_in_dim3A_2242, %slice3A_2339 : vector<128x256xf32>
    %get3A_2341 = arith.constant 0 : index
    %get3A_2342 = arith.constant 2304 : index
    %get3A_2343 = vector.load %arg6[%get3A_2341, %get3A_2342] : memref<128x8192xf32, #tpu.memory_space<vmem>>, vector<128x256xf32>
    %add3A_2344 = arith.addf %sub3A_2340, %get3A_2343 : vector<128x256xf32>
    %lt3A_2345 = arith.cmpf olt, %add3A_2344, %select_n3A_2335 : vector<128x256xf32>
    %select_n3A_2346 = arith.select %lt3A_2345, %add3A_2344, %select_n3A_2335 : vector<128x256xi1>, vector<128x256xf32>
    %jit3A_2347 = arith.constant 9 : i32
    %broadcast_in_dim3A_2348 = vector.broadcast %jit3A_2347 : i32 to vector<128x256xi32>
    %select_n3A_2349 = arith.select %lt3A_2345, %broadcast_in_dim3A_2348, %select_n3A_2338 : vector<128x256xi1>, vector<128x256xi32>
    %slice3A_2350 = vector.extract_strided_slice %dot_general3A_2239 {offsets = [0, 2560], sizes = [128, 256], strides = [1, 1]} : vector<128x8192xf32> to vector<128x256xf32>
    %sub3A_2351 = arith.subf %broadcast_in_dim3A_2242, %slice3A_2350 : vector<128x256xf32>
    %get3A_2352 = arith.constant 0 : index
    %get3A_2353 = arith.constant 2560 : index
    %get3A_2354 = vector.load %arg6[%get3A_2352, %get3A_2353] : memref<128x8192xf32, #tpu.memory_space<vmem>>, vector<128x256xf32>
    %add3A_2355 = arith.addf %sub3A_2351, %get3A_2354 : vector<128x256xf32>
    %lt3A_2356 = arith.cmpf olt, %add3A_2355, %select_n3A_2346 : vector<128x256xf32>
    %select_n3A_2357 = arith.select %lt3A_2356, %add3A_2355, %select_n3A_2346 : vector<128x256xi1>, vector<128x256xf32>
    %jit3A_2358 = arith.constant 10 : i32
    %broadcast_in_dim3A_2359 = vector.broadcast %jit3A_2358 : i32 to vector<128x256xi32>
    %select_n3A_2360 = arith.select %lt3A_2356, %broadcast_in_dim3A_2359, %select_n3A_2349 : vector<128x256xi1>, vector<128x256xi32>
    %slice3A_2361 = vector.extract_strided_slice %dot_general3A_2239 {offsets = [0, 2816], sizes = [128, 256], strides = [1, 1]} : vector<128x8192xf32> to vector<128x256xf32>
    %sub3A_2362 = arith.subf %broadcast_in_dim3A_2242, %slice3A_2361 : vector<128x256xf32>
    %get3A_2363 = arith.constant 0 : index
    %get3A_2364 = arith.constant 2816 : index
    %get3A_2365 = vector.load %arg6[%get3A_2363, %get3A_2364] : memref<128x8192xf32, #tpu.memory_space<vmem>>, vector<128x256xf32>
    %add3A_2366 = arith.addf %sub3A_2362, %get3A_2365 : vector<128x256xf32>
    %lt3A_2367 = arith.cmpf olt, %add3A_2366, %select_n3A_2357 : vector<128x256xf32>
    %select_n3A_2368 = arith.select %lt3A_2367, %add3A_2366, %select_n3A_2357 : vector<128x256xi1>, vector<128x256xf32>
    %jit3A_2369 = arith.constant 11 : i32
    %broadcast_in_dim3A_2370 = vector.broadcast %jit3A_2369 : i32 to vector<128x256xi32>
    %select_n3A_2371 = arith.select %lt3A_2367, %broadcast_in_dim3A_2370, %select_n3A_2360 : vector<128x256xi1>, vector<128x256xi32>
    %slice3A_2372 = vector.extract_strided_slice %dot_general3A_2239 {offsets = [0, 3072], sizes = [128, 256], strides = [1, 1]} : vector<128x8192xf32> to vector<128x256xf32>
    %sub3A_2373 = arith.subf %broadcast_in_dim3A_2242, %slice3A_2372 : vector<128x256xf32>
    %get3A_2374 = arith.constant 0 : index
    %get3A_2375 = arith.constant 3072 : index
    %get3A_2376 = vector.load %arg6[%get3A_2374, %get3A_2375] : memref<128x8192xf32, #tpu.memory_space<vmem>>, vector<128x256xf32>
    %add3A_2377 = arith.addf %sub3A_2373, %get3A_2376 : vector<128x256xf32>
    %lt3A_2378 = arith.cmpf olt, %add3A_2377, %select_n3A_2368 : vector<128x256xf32>
    %select_n3A_2379 = arith.select %lt3A_2378, %add3A_2377, %select_n3A_2368 : vector<128x256xi1>, vector<128x256xf32>
    %jit3A_2380 = arith.constant 12 : i32
    %broadcast_in_dim3A_2381 = vector.broadcast %jit3A_2380 : i32 to vector<128x256xi32>
    %select_n3A_2382 = arith.select %lt3A_2378, %broadcast_in_dim3A_2381, %select_n3A_2371 : vector<128x256xi1>, vector<128x256xi32>
    %slice3A_2383 = vector.extract_strided_slice %dot_general3A_2239 {offsets = [0, 3328], sizes = [128, 256], strides = [1, 1]} : vector<128x8192xf32> to vector<128x256xf32>
    %sub3A_2384 = arith.subf %broadcast_in_dim3A_2242, %slice3A_2383 : vector<128x256xf32>
    %get3A_2385 = arith.constant 0 : index
    %get3A_2386 = arith.constant 3328 : index
    %get3A_2387 = vector.load %arg6[%get3A_2385, %get3A_2386] : memref<128x8192xf32, #tpu.memory_space<vmem>>, vector<128x256xf32>
    %add3A_2388 = arith.addf %sub3A_2384, %get3A_2387 : vector<128x256xf32>
    %lt3A_2389 = arith.cmpf olt, %add3A_2388, %select_n3A_2379 : vector<128x256xf32>
    %select_n3A_2390 = arith.select %lt3A_2389, %add3A_2388, %select_n3A_2379 : vector<128x256xi1>, vector<128x256xf32>
    %jit3A_2391 = arith.constant 13 : i32
    %broadcast_in_dim3A_2392 = vector.broadcast %jit3A_2391 : i32 to vector<128x256xi32>
    %select_n3A_2393 = arith.select %lt3A_2389, %broadcast_in_dim3A_2392, %select_n3A_2382 : vector<128x256xi1>, vector<128x256xi32>
    %slice3A_2394 = vector.extract_strided_slice %dot_general3A_2239 {offsets = [0, 3584], sizes = [128, 256], strides = [1, 1]} : vector<128x8192xf32> to vector<128x256xf32>
    %sub3A_2395 = arith.subf %broadcast_in_dim3A_2242, %slice3A_2394 : vector<128x256xf32>
    %get3A_2396 = arith.constant 0 : index
    %get3A_2397 = arith.constant 3584 : index
    %get3A_2398 = vector.load %arg6[%get3A_2396, %get3A_2397] : memref<128x8192xf32, #tpu.memory_space<vmem>>, vector<128x256xf32>
    %add3A_2399 = arith.addf %sub3A_2395, %get3A_2398 : vector<128x256xf32>
    %lt3A_2400 = arith.cmpf olt, %add3A_2399, %select_n3A_2390 : vector<128x256xf32>
    %select_n3A_2401 = arith.select %lt3A_2400, %add3A_2399, %select_n3A_2390 : vector<128x256xi1>, vector<128x256xf32>
    %jit3A_2402 = arith.constant 14 : i32
    %broadcast_in_dim3A_2403 = vector.broadcast %jit3A_2402 : i32 to vector<128x256xi32>
    %select_n3A_2404 = arith.select %lt3A_2400, %broadcast_in_dim3A_2403, %select_n3A_2393 : vector<128x256xi1>, vector<128x256xi32>
    %slice3A_2405 = vector.extract_strided_slice %dot_general3A_2239 {offsets = [0, 3840], sizes = [128, 256], strides = [1, 1]} : vector<128x8192xf32> to vector<128x256xf32>
    %sub3A_2406 = arith.subf %broadcast_in_dim3A_2242, %slice3A_2405 : vector<128x256xf32>
    %get3A_2407 = arith.constant 0 : index
    %get3A_2408 = arith.constant 3840 : index
    %get3A_2409 = vector.load %arg6[%get3A_2407, %get3A_2408] : memref<128x8192xf32, #tpu.memory_space<vmem>>, vector<128x256xf32>
    %add3A_2410 = arith.addf %sub3A_2406, %get3A_2409 : vector<128x256xf32>
    %lt3A_2411 = arith.cmpf olt, %add3A_2410, %select_n3A_2401 : vector<128x256xf32>
    %select_n3A_2412 = arith.select %lt3A_2411, %add3A_2410, %select_n3A_2401 : vector<128x256xi1>, vector<128x256xf32>
    %jit3A_2413 = arith.constant 15 : i32
    %broadcast_in_dim3A_2414 = vector.broadcast %jit3A_2413 : i32 to vector<128x256xi32>
    %select_n3A_2415 = arith.select %lt3A_2411, %broadcast_in_dim3A_2414, %select_n3A_2404 : vector<128x256xi1>, vector<128x256xi32>
    %slice3A_2416 = vector.extract_strided_slice %dot_general3A_2239 {offsets = [0, 4096], sizes = [128, 256], strides = [1, 1]} : vector<128x8192xf32> to vector<128x256xf32>
    %sub3A_2417 = arith.subf %broadcast_in_dim3A_2242, %slice3A_2416 : vector<128x256xf32>
    %get3A_2418 = arith.constant 0 : index
    %get3A_2419 = arith.constant 4096 : index
    %get3A_2420 = vector.load %arg6[%get3A_2418, %get3A_2419] : memref<128x8192xf32, #tpu.memory_space<vmem>>, vector<128x256xf32>
    %add3A_2421 = arith.addf %sub3A_2417, %get3A_2420 : vector<128x256xf32>
    %lt3A_2422 = arith.cmpf olt, %add3A_2421, %select_n3A_2412 : vector<128x256xf32>
    %select_n3A_2423 = arith.select %lt3A_2422, %add3A_2421, %select_n3A_2412 : vector<128x256xi1>, vector<128x256xf32>
    %jit3A_2424 = arith.constant 16 : i32
    %broadcast_in_dim3A_2425 = vector.broadcast %jit3A_2424 : i32 to vector<128x256xi32>
    %select_n3A_2426 = arith.select %lt3A_2422, %broadcast_in_dim3A_2425, %select_n3A_2415 : vector<128x256xi1>, vector<128x256xi32>
    %slice3A_2427 = vector.extract_strided_slice %dot_general3A_2239 {offsets = [0, 4352], sizes = [128, 256], strides = [1, 1]} : vector<128x8192xf32> to vector<128x256xf32>
    %sub3A_2428 = arith.subf %broadcast_in_dim3A_2242, %slice3A_2427 : vector<128x256xf32>
    %get3A_2429 = arith.constant 0 : index
    %get3A_2430 = arith.constant 4352 : index
    %get3A_2431 = vector.load %arg6[%get3A_2429, %get3A_2430] : memref<128x8192xf32, #tpu.memory_space<vmem>>, vector<128x256xf32>
    %add3A_2432 = arith.addf %sub3A_2428, %get3A_2431 : vector<128x256xf32>
    %lt3A_2433 = arith.cmpf olt, %add3A_2432, %select_n3A_2423 : vector<128x256xf32>
    %select_n3A_2434 = arith.select %lt3A_2433, %add3A_2432, %select_n3A_2423 : vector<128x256xi1>, vector<128x256xf32>
    %jit3A_2435 = arith.constant 17 : i32
    %broadcast_in_dim3A_2436 = vector.broadcast %jit3A_2435 : i32 to vector<128x256xi32>
    %select_n3A_2437 = arith.select %lt3A_2433, %broadcast_in_dim3A_2436, %select_n3A_2426 : vector<128x256xi1>, vector<128x256xi32>
    %slice3A_2438 = vector.extract_strided_slice %dot_general3A_2239 {offsets = [0, 4608], sizes = [128, 256], strides = [1, 1]} : vector<128x8192xf32> to vector<128x256xf32>
    %sub3A_2439 = arith.subf %broadcast_in_dim3A_2242, %slice3A_2438 : vector<128x256xf32>
    %get3A_2440 = arith.constant 0 : index
    %get3A_2441 = arith.constant 4608 : index
    %get3A_2442 = vector.load %arg6[%get3A_2440, %get3A_2441] : memref<128x8192xf32, #tpu.memory_space<vmem>>, vector<128x256xf32>
    %add3A_2443 = arith.addf %sub3A_2439, %get3A_2442 : vector<128x256xf32>
    %lt3A_2444 = arith.cmpf olt, %add3A_2443, %select_n3A_2434 : vector<128x256xf32>
    %select_n3A_2445 = arith.select %lt3A_2444, %add3A_2443, %select_n3A_2434 : vector<128x256xi1>, vector<128x256xf32>
    %jit3A_2446 = arith.constant 18 : i32
    %broadcast_in_dim3A_2447 = vector.broadcast %jit3A_2446 : i32 to vector<128x256xi32>
    %select_n3A_2448 = arith.select %lt3A_2444, %broadcast_in_dim3A_2447, %select_n3A_2437 : vector<128x256xi1>, vector<128x256xi32>
    %slice3A_2449 = vector.extract_strided_slice %dot_general3A_2239 {offsets = [0, 4864], sizes = [128, 256], strides = [1, 1]} : vector<128x8192xf32> to vector<128x256xf32>
    %sub3A_2450 = arith.subf %broadcast_in_dim3A_2242, %slice3A_2449 : vector<128x256xf32>
    %get3A_2451 = arith.constant 0 : index
    %get3A_2452 = arith.constant 4864 : index
    %get3A_2453 = vector.load %arg6[%get3A_2451, %get3A_2452] : memref<128x8192xf32, #tpu.memory_space<vmem>>, vector<128x256xf32>
    %add3A_2454 = arith.addf %sub3A_2450, %get3A_2453 : vector<128x256xf32>
    %lt3A_2455 = arith.cmpf olt, %add3A_2454, %select_n3A_2445 : vector<128x256xf32>
    %select_n3A_2456 = arith.select %lt3A_2455, %add3A_2454, %select_n3A_2445 : vector<128x256xi1>, vector<128x256xf32>
    %jit3A_2457 = arith.constant 19 : i32
    %broadcast_in_dim3A_2458 = vector.broadcast %jit3A_2457 : i32 to vector<128x256xi32>
    %select_n3A_2459 = arith.select %lt3A_2455, %broadcast_in_dim3A_2458, %select_n3A_2448 : vector<128x256xi1>, vector<128x256xi32>
    %slice3A_2460 = vector.extract_strided_slice %dot_general3A_2239 {offsets = [0, 5120], sizes = [128, 256], strides = [1, 1]} : vector<128x8192xf32> to vector<128x256xf32>
    %sub3A_2461 = arith.subf %broadcast_in_dim3A_2242, %slice3A_2460 : vector<128x256xf32>
    %get3A_2462 = arith.constant 0 : index
    %get3A_2463 = arith.constant 5120 : index
    %get3A_2464 = vector.load %arg6[%get3A_2462, %get3A_2463] : memref<128x8192xf32, #tpu.memory_space<vmem>>, vector<128x256xf32>
    %add3A_2465 = arith.addf %sub3A_2461, %get3A_2464 : vector<128x256xf32>
    %lt3A_2466 = arith.cmpf olt, %add3A_2465, %select_n3A_2456 : vector<128x256xf32>
    %select_n3A_2467 = arith.select %lt3A_2466, %add3A_2465, %select_n3A_2456 : vector<128x256xi1>, vector<128x256xf32>
    %jit3A_2468 = arith.constant 20 : i32
    %broadcast_in_dim3A_2469 = vector.broadcast %jit3A_2468 : i32 to vector<128x256xi32>
    %select_n3A_2470 = arith.select %lt3A_2466, %broadcast_in_dim3A_2469, %select_n3A_2459 : vector<128x256xi1>, vector<128x256xi32>
    %slice3A_2471 = vector.extract_strided_slice %dot_general3A_2239 {offsets = [0, 5376], sizes = [128, 256], strides = [1, 1]} : vector<128x8192xf32> to vector<128x256xf32>
    %sub3A_2472 = arith.subf %broadcast_in_dim3A_2242, %slice3A_2471 : vector<128x256xf32>
    %get3A_2473 = arith.constant 0 : index
    %get3A_2474 = arith.constant 5376 : index
    %get3A_2475 = vector.load %arg6[%get3A_2473, %get3A_2474] : memref<128x8192xf32, #tpu.memory_space<vmem>>, vector<128x256xf32>
    %add3A_2476 = arith.addf %sub3A_2472, %get3A_2475 : vector<128x256xf32>
    %lt3A_2477 = arith.cmpf olt, %add3A_2476, %select_n3A_2467 : vector<128x256xf32>
    %select_n3A_2478 = arith.select %lt3A_2477, %add3A_2476, %select_n3A_2467 : vector<128x256xi1>, vector<128x256xf32>
    %jit3A_2479 = arith.constant 21 : i32
    %broadcast_in_dim3A_2480 = vector.broadcast %jit3A_2479 : i32 to vector<128x256xi32>
    %select_n3A_2481 = arith.select %lt3A_2477, %broadcast_in_dim3A_2480, %select_n3A_2470 : vector<128x256xi1>, vector<128x256xi32>
    %slice3A_2482 = vector.extract_strided_slice %dot_general3A_2239 {offsets = [0, 5632], sizes = [128, 256], strides = [1, 1]} : vector<128x8192xf32> to vector<128x256xf32>
    %sub3A_2483 = arith.subf %broadcast_in_dim3A_2242, %slice3A_2482 : vector<128x256xf32>
    %get3A_2484 = arith.constant 0 : index
    %get3A_2485 = arith.constant 5632 : index
    %get3A_2486 = vector.load %arg6[%get3A_2484, %get3A_2485] : memref<128x8192xf32, #tpu.memory_space<vmem>>, vector<128x256xf32>
    %add3A_2487 = arith.addf %sub3A_2483, %get3A_2486 : vector<128x256xf32>
    %lt3A_2488 = arith.cmpf olt, %add3A_2487, %select_n3A_2478 : vector<128x256xf32>
    %select_n3A_2489 = arith.select %lt3A_2488, %add3A_2487, %select_n3A_2478 : vector<128x256xi1>, vector<128x256xf32>
    %jit3A_2490 = arith.constant 22 : i32
    %broadcast_in_dim3A_2491 = vector.broadcast %jit3A_2490 : i32 to vector<128x256xi32>
    %select_n3A_2492 = arith.select %lt3A_2488, %broadcast_in_dim3A_2491, %select_n3A_2481 : vector<128x256xi1>, vector<128x256xi32>
    %slice3A_2493 = vector.extract_strided_slice %dot_general3A_2239 {offsets = [0, 5888], sizes = [128, 256], strides = [1, 1]} : vector<128x8192xf32> to vector<128x256xf32>
    %sub3A_2494 = arith.subf %broadcast_in_dim3A_2242, %slice3A_2493 : vector<128x256xf32>
    %get3A_2495 = arith.constant 0 : index
    %get3A_2496 = arith.constant 5888 : index
    %get3A_2497 = vector.load %arg6[%get3A_2495, %get3A_2496] : memref<128x8192xf32, #tpu.memory_space<vmem>>, vector<128x256xf32>
    %add3A_2498 = arith.addf %sub3A_2494, %get3A_2497 : vector<128x256xf32>
    %lt3A_2499 = arith.cmpf olt, %add3A_2498, %select_n3A_2489 : vector<128x256xf32>
    %select_n3A_2500 = arith.select %lt3A_2499, %add3A_2498, %select_n3A_2489 : vector<128x256xi1>, vector<128x256xf32>
    %jit3A_2501 = arith.constant 23 : i32
    %broadcast_in_dim3A_2502 = vector.broadcast %jit3A_2501 : i32 to vector<128x256xi32>
    %select_n3A_2503 = arith.select %lt3A_2499, %broadcast_in_dim3A_2502, %select_n3A_2492 : vector<128x256xi1>, vector<128x256xi32>
    %slice3A_2504 = vector.extract_strided_slice %dot_general3A_2239 {offsets = [0, 6144], sizes = [128, 256], strides = [1, 1]} : vector<128x8192xf32> to vector<128x256xf32>
    %sub3A_2505 = arith.subf %broadcast_in_dim3A_2242, %slice3A_2504 : vector<128x256xf32>
    %get3A_2506 = arith.constant 0 : index
    %get3A_2507 = arith.constant 6144 : index
    %get3A_2508 = vector.load %arg6[%get3A_2506, %get3A_2507] : memref<128x8192xf32, #tpu.memory_space<vmem>>, vector<128x256xf32>
    %add3A_2509 = arith.addf %sub3A_2505, %get3A_2508 : vector<128x256xf32>
    %lt3A_2510 = arith.cmpf olt, %add3A_2509, %select_n3A_2500 : vector<128x256xf32>
    %select_n3A_2511 = arith.select %lt3A_2510, %add3A_2509, %select_n3A_2500 : vector<128x256xi1>, vector<128x256xf32>
    %jit3A_2512 = arith.constant 24 : i32
    %broadcast_in_dim3A_2513 = vector.broadcast %jit3A_2512 : i32 to vector<128x256xi32>
    %select_n3A_2514 = arith.select %lt3A_2510, %broadcast_in_dim3A_2513, %select_n3A_2503 : vector<128x256xi1>, vector<128x256xi32>
    %slice3A_2515 = vector.extract_strided_slice %dot_general3A_2239 {offsets = [0, 6400], sizes = [128, 256], strides = [1, 1]} : vector<128x8192xf32> to vector<128x256xf32>
    %sub3A_2516 = arith.subf %broadcast_in_dim3A_2242, %slice3A_2515 : vector<128x256xf32>
    %get3A_2517 = arith.constant 0 : index
    %get3A_2518 = arith.constant 6400 : index
    %get3A_2519 = vector.load %arg6[%get3A_2517, %get3A_2518] : memref<128x8192xf32, #tpu.memory_space<vmem>>, vector<128x256xf32>
    %add3A_2520 = arith.addf %sub3A_2516, %get3A_2519 : vector<128x256xf32>
    %lt3A_2521 = arith.cmpf olt, %add3A_2520, %select_n3A_2511 : vector<128x256xf32>
    %select_n3A_2522 = arith.select %lt3A_2521, %add3A_2520, %select_n3A_2511 : vector<128x256xi1>, vector<128x256xf32>
    %jit3A_2523 = arith.constant 25 : i32
    %broadcast_in_dim3A_2524 = vector.broadcast %jit3A_2523 : i32 to vector<128x256xi32>
    %select_n3A_2525 = arith.select %lt3A_2521, %broadcast_in_dim3A_2524, %select_n3A_2514 : vector<128x256xi1>, vector<128x256xi32>
    %slice3A_2526 = vector.extract_strided_slice %dot_general3A_2239 {offsets = [0, 6656], sizes = [128, 256], strides = [1, 1]} : vector<128x8192xf32> to vector<128x256xf32>
    %sub3A_2527 = arith.subf %broadcast_in_dim3A_2242, %slice3A_2526 : vector<128x256xf32>
    %get3A_2528 = arith.constant 0 : index
    %get3A_2529 = arith.constant 6656 : index
    %get3A_2530 = vector.load %arg6[%get3A_2528, %get3A_2529] : memref<128x8192xf32, #tpu.memory_space<vmem>>, vector<128x256xf32>
    %add3A_2531 = arith.addf %sub3A_2527, %get3A_2530 : vector<128x256xf32>
    %lt3A_2532 = arith.cmpf olt, %add3A_2531, %select_n3A_2522 : vector<128x256xf32>
    %select_n3A_2533 = arith.select %lt3A_2532, %add3A_2531, %select_n3A_2522 : vector<128x256xi1>, vector<128x256xf32>
    %jit3A_2534 = arith.constant 26 : i32
    %broadcast_in_dim3A_2535 = vector.broadcast %jit3A_2534 : i32 to vector<128x256xi32>
    %select_n3A_2536 = arith.select %lt3A_2532, %broadcast_in_dim3A_2535, %select_n3A_2525 : vector<128x256xi1>, vector<128x256xi32>
    %slice3A_2537 = vector.extract_strided_slice %dot_general3A_2239 {offsets = [0, 6912], sizes = [128, 256], strides = [1, 1]} : vector<128x8192xf32> to vector<128x256xf32>
    %sub3A_2538 = arith.subf %broadcast_in_dim3A_2242, %slice3A_2537 : vector<128x256xf32>
    %get3A_2539 = arith.constant 0 : index
    %get3A_2540 = arith.constant 6912 : index
    %get3A_2541 = vector.load %arg6[%get3A_2539, %get3A_2540] : memref<128x8192xf32, #tpu.memory_space<vmem>>, vector<128x256xf32>
    %add3A_2542 = arith.addf %sub3A_2538, %get3A_2541 : vector<128x256xf32>
    %lt3A_2543 = arith.cmpf olt, %add3A_2542, %select_n3A_2533 : vector<128x256xf32>
    %select_n3A_2544 = arith.select %lt3A_2543, %add3A_2542, %select_n3A_2533 : vector<128x256xi1>, vector<128x256xf32>
    %jit3A_2545 = arith.constant 27 : i32
    %broadcast_in_dim3A_2546 = vector.broadcast %jit3A_2545 : i32 to vector<128x256xi32>
    %select_n3A_2547 = arith.select %lt3A_2543, %broadcast_in_dim3A_2546, %select_n3A_2536 : vector<128x256xi1>, vector<128x256xi32>
    %slice3A_2548 = vector.extract_strided_slice %dot_general3A_2239 {offsets = [0, 7168], sizes = [128, 256], strides = [1, 1]} : vector<128x8192xf32> to vector<128x256xf32>
    %sub3A_2549 = arith.subf %broadcast_in_dim3A_2242, %slice3A_2548 : vector<128x256xf32>
    %get3A_2550 = arith.constant 0 : index
    %get3A_2551 = arith.constant 7168 : index
    %get3A_2552 = vector.load %arg6[%get3A_2550, %get3A_2551] : memref<128x8192xf32, #tpu.memory_space<vmem>>, vector<128x256xf32>
    %add3A_2553 = arith.addf %sub3A_2549, %get3A_2552 : vector<128x256xf32>
    %lt3A_2554 = arith.cmpf olt, %add3A_2553, %select_n3A_2544 : vector<128x256xf32>
    %select_n3A_2555 = arith.select %lt3A_2554, %add3A_2553, %select_n3A_2544 : vector<128x256xi1>, vector<128x256xf32>
    %jit3A_2556 = arith.constant 28 : i32
    %broadcast_in_dim3A_2557 = vector.broadcast %jit3A_2556 : i32 to vector<128x256xi32>
    %select_n3A_2558 = arith.select %lt3A_2554, %broadcast_in_dim3A_2557, %select_n3A_2547 : vector<128x256xi1>, vector<128x256xi32>
    %slice3A_2559 = vector.extract_strided_slice %dot_general3A_2239 {offsets = [0, 7424], sizes = [128, 256], strides = [1, 1]} : vector<128x8192xf32> to vector<128x256xf32>
    %sub3A_2560 = arith.subf %broadcast_in_dim3A_2242, %slice3A_2559 : vector<128x256xf32>
    %get3A_2561 = arith.constant 0 : index
    %get3A_2562 = arith.constant 7424 : index
    %get3A_2563 = vector.load %arg6[%get3A_2561, %get3A_2562] : memref<128x8192xf32, #tpu.memory_space<vmem>>, vector<128x256xf32>
    %add3A_2564 = arith.addf %sub3A_2560, %get3A_2563 : vector<128x256xf32>
    %lt3A_2565 = arith.cmpf olt, %add3A_2564, %select_n3A_2555 : vector<128x256xf32>
    %select_n3A_2566 = arith.select %lt3A_2565, %add3A_2564, %select_n3A_2555 : vector<128x256xi1>, vector<128x256xf32>
    %jit3A_2567 = arith.constant 29 : i32
    %broadcast_in_dim3A_2568 = vector.broadcast %jit3A_2567 : i32 to vector<128x256xi32>
    %select_n3A_2569 = arith.select %lt3A_2565, %broadcast_in_dim3A_2568, %select_n3A_2558 : vector<128x256xi1>, vector<128x256xi32>
    %slice3A_2570 = vector.extract_strided_slice %dot_general3A_2239 {offsets = [0, 7680], sizes = [128, 256], strides = [1, 1]} : vector<128x8192xf32> to vector<128x256xf32>
    %sub3A_2571 = arith.subf %broadcast_in_dim3A_2242, %slice3A_2570 : vector<128x256xf32>
    %get3A_2572 = arith.constant 0 : index
    %get3A_2573 = arith.constant 7680 : index
    %get3A_2574 = vector.load %arg6[%get3A_2572, %get3A_2573] : memref<128x8192xf32, #tpu.memory_space<vmem>>, vector<128x256xf32>
    %add3A_2575 = arith.addf %sub3A_2571, %get3A_2574 : vector<128x256xf32>
    %lt3A_2576 = arith.cmpf olt, %add3A_2575, %select_n3A_2566 : vector<128x256xf32>
    %select_n3A_2577 = arith.select %lt3A_2576, %add3A_2575, %select_n3A_2566 : vector<128x256xi1>, vector<128x256xf32>
    %jit3A_2578 = arith.constant 30 : i32
    %broadcast_in_dim3A_2579 = vector.broadcast %jit3A_2578 : i32 to vector<128x256xi32>
    %select_n3A_2580 = arith.select %lt3A_2576, %broadcast_in_dim3A_2579, %select_n3A_2569 : vector<128x256xi1>, vector<128x256xi32>
    %slice3A_2581 = vector.extract_strided_slice %dot_general3A_2239 {offsets = [0, 7936], sizes = [128, 256], strides = [1, 1]} : vector<128x8192xf32> to vector<128x256xf32>
    %sub3A_2582 = arith.subf %broadcast_in_dim3A_2242, %slice3A_2581 : vector<128x256xf32>
    %get3A_2583 = arith.constant 0 : index
    %get3A_2584 = arith.constant 7936 : index
    %get3A_2585 = vector.load %arg6[%get3A_2583, %get3A_2584] : memref<128x8192xf32, #tpu.memory_space<vmem>>, vector<128x256xf32>
    %add3A_2586 = arith.addf %sub3A_2582, %get3A_2585 : vector<128x256xf32>
    %lt3A_2587 = arith.cmpf olt, %add3A_2586, %select_n3A_2577 : vector<128x256xf32>
    %select_n3A_2588 = arith.select %lt3A_2587, %add3A_2586, %select_n3A_2577 : vector<128x256xi1>, vector<128x256xf32>
    %jit3A_2589 = arith.constant 31 : i32
    %broadcast_in_dim3A_2590 = vector.broadcast %jit3A_2589 : i32 to vector<128x256xi32>
    %select_n3A_2591 = arith.select %lt3A_2587, %broadcast_in_dim3A_2590, %select_n3A_2580 : vector<128x256xi1>, vector<128x256xi32>
    %reduce_min3A_2592 = arith.constant dense<0x7F800000> : vector<128xf32>
    %reduce_min3A_2593 = vector.multi_reduction <minimumf>, %select_n3A_2588, %reduce_min3A_2592 [1] : vector<128x256xf32> to vector<128xf32>
    %broadcast_in_dim3A_2594 = vector.shape_cast %reduce_min3A_2593 : vector<128xf32> to vector<128x1xf32>
    %eq3A_2595 = vector.broadcast %broadcast_in_dim3A_2594 : vector<128x1xf32> to vector<128x256xf32>
    %eq3A_2596 = arith.cmpf oeq, %select_n3A_2588, %eq3A_2595 : vector<128x256xf32>
    %mul3A_2597 = arith.constant 256 : i32
    %mul3A_2598 = vector.broadcast %mul3A_2597 : i32 to vector<128x256xi32>
    %mul3A_2599 = arith.muli %select_n3A_2591, %mul3A_2598 : vector<128x256xi32>
    %add3A_2600 = arith.addi %mul3A_2599, %iota3A : vector<128x256xi32>
    %jit3A_2601 = arith.constant 16384 : i32
    %broadcast_in_dim3A_2602 = vector.broadcast %jit3A_2601 : i32 to vector<128x256xi32>
    %select_n3A_2603 = arith.select %eq3A_2596, %add3A_2600, %broadcast_in_dim3A_2602 : vector<128x256xi1>, vector<128x256xi32>
    %reduce_min3A_2604 = arith.constant dense<2147483647> : vector<128xi32>
    %reduce_min3A_2605 = vector.multi_reduction <minsi>, %select_n3A_2603, %reduce_min3A_2604 [1] : vector<128x256xi32> to vector<128xi32>
    %broadcast_in_dim3A_2606 = vector.shape_cast %reduce_min3A_2605 : vector<128xi32> to vector<128x1xi32>
    %slice3A_2607 = vector.extract_strided_slice %add3A {offsets = [896, 0], sizes = [128, 32], strides = [1, 1]} : vector<1024x32xf32> to vector<128x32xf32>
    %dot_general3A_2608 = arith.constant dense<0.000000e+00> : vector<128x8192xf32>
    %dot_general3A_2609 = tpu.matmul %slice3A_2607, %get3A_8, %dot_general3A_2608 {dimension_numbers = #tpu.dot_dimension_numbers<[1], [0], [0], [1], [0, 0, 1, 1], [], []>, transpose_lhs_hint = false} : vector<128x32xf32>, vector<32x8192xf32>, vector<128x8192xf32> -> vector<128x8192xf32>
    %slice3A_2610 = vector.extract_strided_slice %broadcast_in_dim3A {offsets = [896, 0], sizes = [128, 1], strides = [1, 1]} : vector<1024x1xf32> to vector<128x1xf32>
    %broadcast_in_dim3A_2611 = vector.shape_cast %slice3A_2610 : vector<128x1xf32> to vector<128x1xf32>
    %broadcast_in_dim3A_2612 = vector.broadcast %broadcast_in_dim3A_2611 : vector<128x1xf32> to vector<128x256xf32>
    %slice3A_2613 = vector.extract_strided_slice %dot_general3A_2609 {offsets = [0, 0], sizes = [128, 256], strides = [1, 1]} : vector<128x8192xf32> to vector<128x256xf32>
    %sub3A_2614 = arith.subf %broadcast_in_dim3A_2612, %slice3A_2613 : vector<128x256xf32>
    %get3A_2615 = arith.constant 0 : index
    %get3A_2616 = arith.constant 0 : index
    %get3A_2617 = vector.load %arg6[%get3A_2615, %get3A_2616] : memref<128x8192xf32, #tpu.memory_space<vmem>>, vector<128x256xf32>
    %add3A_2618 = arith.addf %sub3A_2614, %get3A_2617 : vector<128x256xf32>
    %broadcast_in_dim3A_2619 = arith.constant 0 : i32
    %broadcast_in_dim3A_2620 = vector.broadcast %broadcast_in_dim3A_2619 : i32 to vector<128x256xi32>
    %slice3A_2621 = vector.extract_strided_slice %dot_general3A_2609 {offsets = [0, 256], sizes = [128, 256], strides = [1, 1]} : vector<128x8192xf32> to vector<128x256xf32>
    %sub3A_2622 = arith.subf %broadcast_in_dim3A_2612, %slice3A_2621 : vector<128x256xf32>
    %get3A_2623 = arith.constant 0 : index
    %get3A_2624 = arith.constant 256 : index
    %get3A_2625 = vector.load %arg6[%get3A_2623, %get3A_2624] : memref<128x8192xf32, #tpu.memory_space<vmem>>, vector<128x256xf32>
    %add3A_2626 = arith.addf %sub3A_2622, %get3A_2625 : vector<128x256xf32>
    %lt3A_2627 = arith.cmpf olt, %add3A_2626, %add3A_2618 : vector<128x256xf32>
    %select_n3A_2628 = arith.select %lt3A_2627, %add3A_2626, %add3A_2618 : vector<128x256xi1>, vector<128x256xf32>
    %jit3A_2629 = arith.constant 1 : i32
    %broadcast_in_dim3A_2630 = vector.broadcast %jit3A_2629 : i32 to vector<128x256xi32>
    %select_n3A_2631 = arith.select %lt3A_2627, %broadcast_in_dim3A_2630, %broadcast_in_dim3A_2620 : vector<128x256xi1>, vector<128x256xi32>
    %slice3A_2632 = vector.extract_strided_slice %dot_general3A_2609 {offsets = [0, 512], sizes = [128, 256], strides = [1, 1]} : vector<128x8192xf32> to vector<128x256xf32>
    %sub3A_2633 = arith.subf %broadcast_in_dim3A_2612, %slice3A_2632 : vector<128x256xf32>
    %get3A_2634 = arith.constant 0 : index
    %get3A_2635 = arith.constant 512 : index
    %get3A_2636 = vector.load %arg6[%get3A_2634, %get3A_2635] : memref<128x8192xf32, #tpu.memory_space<vmem>>, vector<128x256xf32>
    %add3A_2637 = arith.addf %sub3A_2633, %get3A_2636 : vector<128x256xf32>
    %lt3A_2638 = arith.cmpf olt, %add3A_2637, %select_n3A_2628 : vector<128x256xf32>
    %select_n3A_2639 = arith.select %lt3A_2638, %add3A_2637, %select_n3A_2628 : vector<128x256xi1>, vector<128x256xf32>
    %jit3A_2640 = arith.constant 2 : i32
    %broadcast_in_dim3A_2641 = vector.broadcast %jit3A_2640 : i32 to vector<128x256xi32>
    %select_n3A_2642 = arith.select %lt3A_2638, %broadcast_in_dim3A_2641, %select_n3A_2631 : vector<128x256xi1>, vector<128x256xi32>
    %slice3A_2643 = vector.extract_strided_slice %dot_general3A_2609 {offsets = [0, 768], sizes = [128, 256], strides = [1, 1]} : vector<128x8192xf32> to vector<128x256xf32>
    %sub3A_2644 = arith.subf %broadcast_in_dim3A_2612, %slice3A_2643 : vector<128x256xf32>
    %get3A_2645 = arith.constant 0 : index
    %get3A_2646 = arith.constant 768 : index
    %get3A_2647 = vector.load %arg6[%get3A_2645, %get3A_2646] : memref<128x8192xf32, #tpu.memory_space<vmem>>, vector<128x256xf32>
    %add3A_2648 = arith.addf %sub3A_2644, %get3A_2647 : vector<128x256xf32>
    %lt3A_2649 = arith.cmpf olt, %add3A_2648, %select_n3A_2639 : vector<128x256xf32>
    %select_n3A_2650 = arith.select %lt3A_2649, %add3A_2648, %select_n3A_2639 : vector<128x256xi1>, vector<128x256xf32>
    %jit3A_2651 = arith.constant 3 : i32
    %broadcast_in_dim3A_2652 = vector.broadcast %jit3A_2651 : i32 to vector<128x256xi32>
    %select_n3A_2653 = arith.select %lt3A_2649, %broadcast_in_dim3A_2652, %select_n3A_2642 : vector<128x256xi1>, vector<128x256xi32>
    %slice3A_2654 = vector.extract_strided_slice %dot_general3A_2609 {offsets = [0, 1024], sizes = [128, 256], strides = [1, 1]} : vector<128x8192xf32> to vector<128x256xf32>
    %sub3A_2655 = arith.subf %broadcast_in_dim3A_2612, %slice3A_2654 : vector<128x256xf32>
    %get3A_2656 = arith.constant 0 : index
    %get3A_2657 = arith.constant 1024 : index
    %get3A_2658 = vector.load %arg6[%get3A_2656, %get3A_2657] : memref<128x8192xf32, #tpu.memory_space<vmem>>, vector<128x256xf32>
    %add3A_2659 = arith.addf %sub3A_2655, %get3A_2658 : vector<128x256xf32>
    %lt3A_2660 = arith.cmpf olt, %add3A_2659, %select_n3A_2650 : vector<128x256xf32>
    %select_n3A_2661 = arith.select %lt3A_2660, %add3A_2659, %select_n3A_2650 : vector<128x256xi1>, vector<128x256xf32>
    %jit3A_2662 = arith.constant 4 : i32
    %broadcast_in_dim3A_2663 = vector.broadcast %jit3A_2662 : i32 to vector<128x256xi32>
    %select_n3A_2664 = arith.select %lt3A_2660, %broadcast_in_dim3A_2663, %select_n3A_2653 : vector<128x256xi1>, vector<128x256xi32>
    %slice3A_2665 = vector.extract_strided_slice %dot_general3A_2609 {offsets = [0, 1280], sizes = [128, 256], strides = [1, 1]} : vector<128x8192xf32> to vector<128x256xf32>
    %sub3A_2666 = arith.subf %broadcast_in_dim3A_2612, %slice3A_2665 : vector<128x256xf32>
    %get3A_2667 = arith.constant 0 : index
    %get3A_2668 = arith.constant 1280 : index
    %get3A_2669 = vector.load %arg6[%get3A_2667, %get3A_2668] : memref<128x8192xf32, #tpu.memory_space<vmem>>, vector<128x256xf32>
    %add3A_2670 = arith.addf %sub3A_2666, %get3A_2669 : vector<128x256xf32>
    %lt3A_2671 = arith.cmpf olt, %add3A_2670, %select_n3A_2661 : vector<128x256xf32>
    %select_n3A_2672 = arith.select %lt3A_2671, %add3A_2670, %select_n3A_2661 : vector<128x256xi1>, vector<128x256xf32>
    %jit3A_2673 = arith.constant 5 : i32
    %broadcast_in_dim3A_2674 = vector.broadcast %jit3A_2673 : i32 to vector<128x256xi32>
    %select_n3A_2675 = arith.select %lt3A_2671, %broadcast_in_dim3A_2674, %select_n3A_2664 : vector<128x256xi1>, vector<128x256xi32>
    %slice3A_2676 = vector.extract_strided_slice %dot_general3A_2609 {offsets = [0, 1536], sizes = [128, 256], strides = [1, 1]} : vector<128x8192xf32> to vector<128x256xf32>
    %sub3A_2677 = arith.subf %broadcast_in_dim3A_2612, %slice3A_2676 : vector<128x256xf32>
    %get3A_2678 = arith.constant 0 : index
    %get3A_2679 = arith.constant 1536 : index
    %get3A_2680 = vector.load %arg6[%get3A_2678, %get3A_2679] : memref<128x8192xf32, #tpu.memory_space<vmem>>, vector<128x256xf32>
    %add3A_2681 = arith.addf %sub3A_2677, %get3A_2680 : vector<128x256xf32>
    %lt3A_2682 = arith.cmpf olt, %add3A_2681, %select_n3A_2672 : vector<128x256xf32>
    %select_n3A_2683 = arith.select %lt3A_2682, %add3A_2681, %select_n3A_2672 : vector<128x256xi1>, vector<128x256xf32>
    %jit3A_2684 = arith.constant 6 : i32
    %broadcast_in_dim3A_2685 = vector.broadcast %jit3A_2684 : i32 to vector<128x256xi32>
    %select_n3A_2686 = arith.select %lt3A_2682, %broadcast_in_dim3A_2685, %select_n3A_2675 : vector<128x256xi1>, vector<128x256xi32>
    %slice3A_2687 = vector.extract_strided_slice %dot_general3A_2609 {offsets = [0, 1792], sizes = [128, 256], strides = [1, 1]} : vector<128x8192xf32> to vector<128x256xf32>
    %sub3A_2688 = arith.subf %broadcast_in_dim3A_2612, %slice3A_2687 : vector<128x256xf32>
    %get3A_2689 = arith.constant 0 : index
    %get3A_2690 = arith.constant 1792 : index
    %get3A_2691 = vector.load %arg6[%get3A_2689, %get3A_2690] : memref<128x8192xf32, #tpu.memory_space<vmem>>, vector<128x256xf32>
    %add3A_2692 = arith.addf %sub3A_2688, %get3A_2691 : vector<128x256xf32>
    %lt3A_2693 = arith.cmpf olt, %add3A_2692, %select_n3A_2683 : vector<128x256xf32>
    %select_n3A_2694 = arith.select %lt3A_2693, %add3A_2692, %select_n3A_2683 : vector<128x256xi1>, vector<128x256xf32>
    %jit3A_2695 = arith.constant 7 : i32
    %broadcast_in_dim3A_2696 = vector.broadcast %jit3A_2695 : i32 to vector<128x256xi32>
    %select_n3A_2697 = arith.select %lt3A_2693, %broadcast_in_dim3A_2696, %select_n3A_2686 : vector<128x256xi1>, vector<128x256xi32>
    %slice3A_2698 = vector.extract_strided_slice %dot_general3A_2609 {offsets = [0, 2048], sizes = [128, 256], strides = [1, 1]} : vector<128x8192xf32> to vector<128x256xf32>
    %sub3A_2699 = arith.subf %broadcast_in_dim3A_2612, %slice3A_2698 : vector<128x256xf32>
    %get3A_2700 = arith.constant 0 : index
    %get3A_2701 = arith.constant 2048 : index
    %get3A_2702 = vector.load %arg6[%get3A_2700, %get3A_2701] : memref<128x8192xf32, #tpu.memory_space<vmem>>, vector<128x256xf32>
    %add3A_2703 = arith.addf %sub3A_2699, %get3A_2702 : vector<128x256xf32>
    %lt3A_2704 = arith.cmpf olt, %add3A_2703, %select_n3A_2694 : vector<128x256xf32>
    %select_n3A_2705 = arith.select %lt3A_2704, %add3A_2703, %select_n3A_2694 : vector<128x256xi1>, vector<128x256xf32>
    %jit3A_2706 = arith.constant 8 : i32
    %broadcast_in_dim3A_2707 = vector.broadcast %jit3A_2706 : i32 to vector<128x256xi32>
    %select_n3A_2708 = arith.select %lt3A_2704, %broadcast_in_dim3A_2707, %select_n3A_2697 : vector<128x256xi1>, vector<128x256xi32>
    %slice3A_2709 = vector.extract_strided_slice %dot_general3A_2609 {offsets = [0, 2304], sizes = [128, 256], strides = [1, 1]} : vector<128x8192xf32> to vector<128x256xf32>
    %sub3A_2710 = arith.subf %broadcast_in_dim3A_2612, %slice3A_2709 : vector<128x256xf32>
    %get3A_2711 = arith.constant 0 : index
    %get3A_2712 = arith.constant 2304 : index
    %get3A_2713 = vector.load %arg6[%get3A_2711, %get3A_2712] : memref<128x8192xf32, #tpu.memory_space<vmem>>, vector<128x256xf32>
    %add3A_2714 = arith.addf %sub3A_2710, %get3A_2713 : vector<128x256xf32>
    %lt3A_2715 = arith.cmpf olt, %add3A_2714, %select_n3A_2705 : vector<128x256xf32>
    %select_n3A_2716 = arith.select %lt3A_2715, %add3A_2714, %select_n3A_2705 : vector<128x256xi1>, vector<128x256xf32>
    %jit3A_2717 = arith.constant 9 : i32
    %broadcast_in_dim3A_2718 = vector.broadcast %jit3A_2717 : i32 to vector<128x256xi32>
    %select_n3A_2719 = arith.select %lt3A_2715, %broadcast_in_dim3A_2718, %select_n3A_2708 : vector<128x256xi1>, vector<128x256xi32>
    %slice3A_2720 = vector.extract_strided_slice %dot_general3A_2609 {offsets = [0, 2560], sizes = [128, 256], strides = [1, 1]} : vector<128x8192xf32> to vector<128x256xf32>
    %sub3A_2721 = arith.subf %broadcast_in_dim3A_2612, %slice3A_2720 : vector<128x256xf32>
    %get3A_2722 = arith.constant 0 : index
    %get3A_2723 = arith.constant 2560 : index
    %get3A_2724 = vector.load %arg6[%get3A_2722, %get3A_2723] : memref<128x8192xf32, #tpu.memory_space<vmem>>, vector<128x256xf32>
    %add3A_2725 = arith.addf %sub3A_2721, %get3A_2724 : vector<128x256xf32>
    %lt3A_2726 = arith.cmpf olt, %add3A_2725, %select_n3A_2716 : vector<128x256xf32>
    %select_n3A_2727 = arith.select %lt3A_2726, %add3A_2725, %select_n3A_2716 : vector<128x256xi1>, vector<128x256xf32>
    %jit3A_2728 = arith.constant 10 : i32
    %broadcast_in_dim3A_2729 = vector.broadcast %jit3A_2728 : i32 to vector<128x256xi32>
    %select_n3A_2730 = arith.select %lt3A_2726, %broadcast_in_dim3A_2729, %select_n3A_2719 : vector<128x256xi1>, vector<128x256xi32>
    %slice3A_2731 = vector.extract_strided_slice %dot_general3A_2609 {offsets = [0, 2816], sizes = [128, 256], strides = [1, 1]} : vector<128x8192xf32> to vector<128x256xf32>
    %sub3A_2732 = arith.subf %broadcast_in_dim3A_2612, %slice3A_2731 : vector<128x256xf32>
    %get3A_2733 = arith.constant 0 : index
    %get3A_2734 = arith.constant 2816 : index
    %get3A_2735 = vector.load %arg6[%get3A_2733, %get3A_2734] : memref<128x8192xf32, #tpu.memory_space<vmem>>, vector<128x256xf32>
    %add3A_2736 = arith.addf %sub3A_2732, %get3A_2735 : vector<128x256xf32>
    %lt3A_2737 = arith.cmpf olt, %add3A_2736, %select_n3A_2727 : vector<128x256xf32>
    %select_n3A_2738 = arith.select %lt3A_2737, %add3A_2736, %select_n3A_2727 : vector<128x256xi1>, vector<128x256xf32>
    %jit3A_2739 = arith.constant 11 : i32
    %broadcast_in_dim3A_2740 = vector.broadcast %jit3A_2739 : i32 to vector<128x256xi32>
    %select_n3A_2741 = arith.select %lt3A_2737, %broadcast_in_dim3A_2740, %select_n3A_2730 : vector<128x256xi1>, vector<128x256xi32>
    %slice3A_2742 = vector.extract_strided_slice %dot_general3A_2609 {offsets = [0, 3072], sizes = [128, 256], strides = [1, 1]} : vector<128x8192xf32> to vector<128x256xf32>
    %sub3A_2743 = arith.subf %broadcast_in_dim3A_2612, %slice3A_2742 : vector<128x256xf32>
    %get3A_2744 = arith.constant 0 : index
    %get3A_2745 = arith.constant 3072 : index
    %get3A_2746 = vector.load %arg6[%get3A_2744, %get3A_2745] : memref<128x8192xf32, #tpu.memory_space<vmem>>, vector<128x256xf32>
    %add3A_2747 = arith.addf %sub3A_2743, %get3A_2746 : vector<128x256xf32>
    %lt3A_2748 = arith.cmpf olt, %add3A_2747, %select_n3A_2738 : vector<128x256xf32>
    %select_n3A_2749 = arith.select %lt3A_2748, %add3A_2747, %select_n3A_2738 : vector<128x256xi1>, vector<128x256xf32>
    %jit3A_2750 = arith.constant 12 : i32
    %broadcast_in_dim3A_2751 = vector.broadcast %jit3A_2750 : i32 to vector<128x256xi32>
    %select_n3A_2752 = arith.select %lt3A_2748, %broadcast_in_dim3A_2751, %select_n3A_2741 : vector<128x256xi1>, vector<128x256xi32>
    %slice3A_2753 = vector.extract_strided_slice %dot_general3A_2609 {offsets = [0, 3328], sizes = [128, 256], strides = [1, 1]} : vector<128x8192xf32> to vector<128x256xf32>
    %sub3A_2754 = arith.subf %broadcast_in_dim3A_2612, %slice3A_2753 : vector<128x256xf32>
    %get3A_2755 = arith.constant 0 : index
    %get3A_2756 = arith.constant 3328 : index
    %get3A_2757 = vector.load %arg6[%get3A_2755, %get3A_2756] : memref<128x8192xf32, #tpu.memory_space<vmem>>, vector<128x256xf32>
    %add3A_2758 = arith.addf %sub3A_2754, %get3A_2757 : vector<128x256xf32>
    %lt3A_2759 = arith.cmpf olt, %add3A_2758, %select_n3A_2749 : vector<128x256xf32>
    %select_n3A_2760 = arith.select %lt3A_2759, %add3A_2758, %select_n3A_2749 : vector<128x256xi1>, vector<128x256xf32>
    %jit3A_2761 = arith.constant 13 : i32
    %broadcast_in_dim3A_2762 = vector.broadcast %jit3A_2761 : i32 to vector<128x256xi32>
    %select_n3A_2763 = arith.select %lt3A_2759, %broadcast_in_dim3A_2762, %select_n3A_2752 : vector<128x256xi1>, vector<128x256xi32>
    %slice3A_2764 = vector.extract_strided_slice %dot_general3A_2609 {offsets = [0, 3584], sizes = [128, 256], strides = [1, 1]} : vector<128x8192xf32> to vector<128x256xf32>
    %sub3A_2765 = arith.subf %broadcast_in_dim3A_2612, %slice3A_2764 : vector<128x256xf32>
    %get3A_2766 = arith.constant 0 : index
    %get3A_2767 = arith.constant 3584 : index
    %get3A_2768 = vector.load %arg6[%get3A_2766, %get3A_2767] : memref<128x8192xf32, #tpu.memory_space<vmem>>, vector<128x256xf32>
    %add3A_2769 = arith.addf %sub3A_2765, %get3A_2768 : vector<128x256xf32>
    %lt3A_2770 = arith.cmpf olt, %add3A_2769, %select_n3A_2760 : vector<128x256xf32>
    %select_n3A_2771 = arith.select %lt3A_2770, %add3A_2769, %select_n3A_2760 : vector<128x256xi1>, vector<128x256xf32>
    %jit3A_2772 = arith.constant 14 : i32
    %broadcast_in_dim3A_2773 = vector.broadcast %jit3A_2772 : i32 to vector<128x256xi32>
    %select_n3A_2774 = arith.select %lt3A_2770, %broadcast_in_dim3A_2773, %select_n3A_2763 : vector<128x256xi1>, vector<128x256xi32>
    %slice3A_2775 = vector.extract_strided_slice %dot_general3A_2609 {offsets = [0, 3840], sizes = [128, 256], strides = [1, 1]} : vector<128x8192xf32> to vector<128x256xf32>
    %sub3A_2776 = arith.subf %broadcast_in_dim3A_2612, %slice3A_2775 : vector<128x256xf32>
    %get3A_2777 = arith.constant 0 : index
    %get3A_2778 = arith.constant 3840 : index
    %get3A_2779 = vector.load %arg6[%get3A_2777, %get3A_2778] : memref<128x8192xf32, #tpu.memory_space<vmem>>, vector<128x256xf32>
    %add3A_2780 = arith.addf %sub3A_2776, %get3A_2779 : vector<128x256xf32>
    %lt3A_2781 = arith.cmpf olt, %add3A_2780, %select_n3A_2771 : vector<128x256xf32>
    %select_n3A_2782 = arith.select %lt3A_2781, %add3A_2780, %select_n3A_2771 : vector<128x256xi1>, vector<128x256xf32>
    %jit3A_2783 = arith.constant 15 : i32
    %broadcast_in_dim3A_2784 = vector.broadcast %jit3A_2783 : i32 to vector<128x256xi32>
    %select_n3A_2785 = arith.select %lt3A_2781, %broadcast_in_dim3A_2784, %select_n3A_2774 : vector<128x256xi1>, vector<128x256xi32>
    %slice3A_2786 = vector.extract_strided_slice %dot_general3A_2609 {offsets = [0, 4096], sizes = [128, 256], strides = [1, 1]} : vector<128x8192xf32> to vector<128x256xf32>
    %sub3A_2787 = arith.subf %broadcast_in_dim3A_2612, %slice3A_2786 : vector<128x256xf32>
    %get3A_2788 = arith.constant 0 : index
    %get3A_2789 = arith.constant 4096 : index
    %get3A_2790 = vector.load %arg6[%get3A_2788, %get3A_2789] : memref<128x8192xf32, #tpu.memory_space<vmem>>, vector<128x256xf32>
    %add3A_2791 = arith.addf %sub3A_2787, %get3A_2790 : vector<128x256xf32>
    %lt3A_2792 = arith.cmpf olt, %add3A_2791, %select_n3A_2782 : vector<128x256xf32>
    %select_n3A_2793 = arith.select %lt3A_2792, %add3A_2791, %select_n3A_2782 : vector<128x256xi1>, vector<128x256xf32>
    %jit3A_2794 = arith.constant 16 : i32
    %broadcast_in_dim3A_2795 = vector.broadcast %jit3A_2794 : i32 to vector<128x256xi32>
    %select_n3A_2796 = arith.select %lt3A_2792, %broadcast_in_dim3A_2795, %select_n3A_2785 : vector<128x256xi1>, vector<128x256xi32>
    %slice3A_2797 = vector.extract_strided_slice %dot_general3A_2609 {offsets = [0, 4352], sizes = [128, 256], strides = [1, 1]} : vector<128x8192xf32> to vector<128x256xf32>
    %sub3A_2798 = arith.subf %broadcast_in_dim3A_2612, %slice3A_2797 : vector<128x256xf32>
    %get3A_2799 = arith.constant 0 : index
    %get3A_2800 = arith.constant 4352 : index
    %get3A_2801 = vector.load %arg6[%get3A_2799, %get3A_2800] : memref<128x8192xf32, #tpu.memory_space<vmem>>, vector<128x256xf32>
    %add3A_2802 = arith.addf %sub3A_2798, %get3A_2801 : vector<128x256xf32>
    %lt3A_2803 = arith.cmpf olt, %add3A_2802, %select_n3A_2793 : vector<128x256xf32>
    %select_n3A_2804 = arith.select %lt3A_2803, %add3A_2802, %select_n3A_2793 : vector<128x256xi1>, vector<128x256xf32>
    %jit3A_2805 = arith.constant 17 : i32
    %broadcast_in_dim3A_2806 = vector.broadcast %jit3A_2805 : i32 to vector<128x256xi32>
    %select_n3A_2807 = arith.select %lt3A_2803, %broadcast_in_dim3A_2806, %select_n3A_2796 : vector<128x256xi1>, vector<128x256xi32>
    %slice3A_2808 = vector.extract_strided_slice %dot_general3A_2609 {offsets = [0, 4608], sizes = [128, 256], strides = [1, 1]} : vector<128x8192xf32> to vector<128x256xf32>
    %sub3A_2809 = arith.subf %broadcast_in_dim3A_2612, %slice3A_2808 : vector<128x256xf32>
    %get3A_2810 = arith.constant 0 : index
    %get3A_2811 = arith.constant 4608 : index
    %get3A_2812 = vector.load %arg6[%get3A_2810, %get3A_2811] : memref<128x8192xf32, #tpu.memory_space<vmem>>, vector<128x256xf32>
    %add3A_2813 = arith.addf %sub3A_2809, %get3A_2812 : vector<128x256xf32>
    %lt3A_2814 = arith.cmpf olt, %add3A_2813, %select_n3A_2804 : vector<128x256xf32>
    %select_n3A_2815 = arith.select %lt3A_2814, %add3A_2813, %select_n3A_2804 : vector<128x256xi1>, vector<128x256xf32>
    %jit3A_2816 = arith.constant 18 : i32
    %broadcast_in_dim3A_2817 = vector.broadcast %jit3A_2816 : i32 to vector<128x256xi32>
    %select_n3A_2818 = arith.select %lt3A_2814, %broadcast_in_dim3A_2817, %select_n3A_2807 : vector<128x256xi1>, vector<128x256xi32>
    %slice3A_2819 = vector.extract_strided_slice %dot_general3A_2609 {offsets = [0, 4864], sizes = [128, 256], strides = [1, 1]} : vector<128x8192xf32> to vector<128x256xf32>
    %sub3A_2820 = arith.subf %broadcast_in_dim3A_2612, %slice3A_2819 : vector<128x256xf32>
    %get3A_2821 = arith.constant 0 : index
    %get3A_2822 = arith.constant 4864 : index
    %get3A_2823 = vector.load %arg6[%get3A_2821, %get3A_2822] : memref<128x8192xf32, #tpu.memory_space<vmem>>, vector<128x256xf32>
    %add3A_2824 = arith.addf %sub3A_2820, %get3A_2823 : vector<128x256xf32>
    %lt3A_2825 = arith.cmpf olt, %add3A_2824, %select_n3A_2815 : vector<128x256xf32>
    %select_n3A_2826 = arith.select %lt3A_2825, %add3A_2824, %select_n3A_2815 : vector<128x256xi1>, vector<128x256xf32>
    %jit3A_2827 = arith.constant 19 : i32
    %broadcast_in_dim3A_2828 = vector.broadcast %jit3A_2827 : i32 to vector<128x256xi32>
    %select_n3A_2829 = arith.select %lt3A_2825, %broadcast_in_dim3A_2828, %select_n3A_2818 : vector<128x256xi1>, vector<128x256xi32>
    %slice3A_2830 = vector.extract_strided_slice %dot_general3A_2609 {offsets = [0, 5120], sizes = [128, 256], strides = [1, 1]} : vector<128x8192xf32> to vector<128x256xf32>
    %sub3A_2831 = arith.subf %broadcast_in_dim3A_2612, %slice3A_2830 : vector<128x256xf32>
    %get3A_2832 = arith.constant 0 : index
    %get3A_2833 = arith.constant 5120 : index
    %get3A_2834 = vector.load %arg6[%get3A_2832, %get3A_2833] : memref<128x8192xf32, #tpu.memory_space<vmem>>, vector<128x256xf32>
    %add3A_2835 = arith.addf %sub3A_2831, %get3A_2834 : vector<128x256xf32>
    %lt3A_2836 = arith.cmpf olt, %add3A_2835, %select_n3A_2826 : vector<128x256xf32>
    %select_n3A_2837 = arith.select %lt3A_2836, %add3A_2835, %select_n3A_2826 : vector<128x256xi1>, vector<128x256xf32>
    %jit3A_2838 = arith.constant 20 : i32
    %broadcast_in_dim3A_2839 = vector.broadcast %jit3A_2838 : i32 to vector<128x256xi32>
    %select_n3A_2840 = arith.select %lt3A_2836, %broadcast_in_dim3A_2839, %select_n3A_2829 : vector<128x256xi1>, vector<128x256xi32>
    %slice3A_2841 = vector.extract_strided_slice %dot_general3A_2609 {offsets = [0, 5376], sizes = [128, 256], strides = [1, 1]} : vector<128x8192xf32> to vector<128x256xf32>
    %sub3A_2842 = arith.subf %broadcast_in_dim3A_2612, %slice3A_2841 : vector<128x256xf32>
    %get3A_2843 = arith.constant 0 : index
    %get3A_2844 = arith.constant 5376 : index
    %get3A_2845 = vector.load %arg6[%get3A_2843, %get3A_2844] : memref<128x8192xf32, #tpu.memory_space<vmem>>, vector<128x256xf32>
    %add3A_2846 = arith.addf %sub3A_2842, %get3A_2845 : vector<128x256xf32>
    %lt3A_2847 = arith.cmpf olt, %add3A_2846, %select_n3A_2837 : vector<128x256xf32>
    %select_n3A_2848 = arith.select %lt3A_2847, %add3A_2846, %select_n3A_2837 : vector<128x256xi1>, vector<128x256xf32>
    %jit3A_2849 = arith.constant 21 : i32
    %broadcast_in_dim3A_2850 = vector.broadcast %jit3A_2849 : i32 to vector<128x256xi32>
    %select_n3A_2851 = arith.select %lt3A_2847, %broadcast_in_dim3A_2850, %select_n3A_2840 : vector<128x256xi1>, vector<128x256xi32>
    %slice3A_2852 = vector.extract_strided_slice %dot_general3A_2609 {offsets = [0, 5632], sizes = [128, 256], strides = [1, 1]} : vector<128x8192xf32> to vector<128x256xf32>
    %sub3A_2853 = arith.subf %broadcast_in_dim3A_2612, %slice3A_2852 : vector<128x256xf32>
    %get3A_2854 = arith.constant 0 : index
    %get3A_2855 = arith.constant 5632 : index
    %get3A_2856 = vector.load %arg6[%get3A_2854, %get3A_2855] : memref<128x8192xf32, #tpu.memory_space<vmem>>, vector<128x256xf32>
    %add3A_2857 = arith.addf %sub3A_2853, %get3A_2856 : vector<128x256xf32>
    %lt3A_2858 = arith.cmpf olt, %add3A_2857, %select_n3A_2848 : vector<128x256xf32>
    %select_n3A_2859 = arith.select %lt3A_2858, %add3A_2857, %select_n3A_2848 : vector<128x256xi1>, vector<128x256xf32>
    %jit3A_2860 = arith.constant 22 : i32
    %broadcast_in_dim3A_2861 = vector.broadcast %jit3A_2860 : i32 to vector<128x256xi32>
    %select_n3A_2862 = arith.select %lt3A_2858, %broadcast_in_dim3A_2861, %select_n3A_2851 : vector<128x256xi1>, vector<128x256xi32>
    %slice3A_2863 = vector.extract_strided_slice %dot_general3A_2609 {offsets = [0, 5888], sizes = [128, 256], strides = [1, 1]} : vector<128x8192xf32> to vector<128x256xf32>
    %sub3A_2864 = arith.subf %broadcast_in_dim3A_2612, %slice3A_2863 : vector<128x256xf32>
    %get3A_2865 = arith.constant 0 : index
    %get3A_2866 = arith.constant 5888 : index
    %get3A_2867 = vector.load %arg6[%get3A_2865, %get3A_2866] : memref<128x8192xf32, #tpu.memory_space<vmem>>, vector<128x256xf32>
    %add3A_2868 = arith.addf %sub3A_2864, %get3A_2867 : vector<128x256xf32>
    %lt3A_2869 = arith.cmpf olt, %add3A_2868, %select_n3A_2859 : vector<128x256xf32>
    %select_n3A_2870 = arith.select %lt3A_2869, %add3A_2868, %select_n3A_2859 : vector<128x256xi1>, vector<128x256xf32>
    %jit3A_2871 = arith.constant 23 : i32
    %broadcast_in_dim3A_2872 = vector.broadcast %jit3A_2871 : i32 to vector<128x256xi32>
    %select_n3A_2873 = arith.select %lt3A_2869, %broadcast_in_dim3A_2872, %select_n3A_2862 : vector<128x256xi1>, vector<128x256xi32>
    %slice3A_2874 = vector.extract_strided_slice %dot_general3A_2609 {offsets = [0, 6144], sizes = [128, 256], strides = [1, 1]} : vector<128x8192xf32> to vector<128x256xf32>
    %sub3A_2875 = arith.subf %broadcast_in_dim3A_2612, %slice3A_2874 : vector<128x256xf32>
    %get3A_2876 = arith.constant 0 : index
    %get3A_2877 = arith.constant 6144 : index
    %get3A_2878 = vector.load %arg6[%get3A_2876, %get3A_2877] : memref<128x8192xf32, #tpu.memory_space<vmem>>, vector<128x256xf32>
    %add3A_2879 = arith.addf %sub3A_2875, %get3A_2878 : vector<128x256xf32>
    %lt3A_2880 = arith.cmpf olt, %add3A_2879, %select_n3A_2870 : vector<128x256xf32>
    %select_n3A_2881 = arith.select %lt3A_2880, %add3A_2879, %select_n3A_2870 : vector<128x256xi1>, vector<128x256xf32>
    %jit3A_2882 = arith.constant 24 : i32
    %broadcast_in_dim3A_2883 = vector.broadcast %jit3A_2882 : i32 to vector<128x256xi32>
    %select_n3A_2884 = arith.select %lt3A_2880, %broadcast_in_dim3A_2883, %select_n3A_2873 : vector<128x256xi1>, vector<128x256xi32>
    %slice3A_2885 = vector.extract_strided_slice %dot_general3A_2609 {offsets = [0, 6400], sizes = [128, 256], strides = [1, 1]} : vector<128x8192xf32> to vector<128x256xf32>
    %sub3A_2886 = arith.subf %broadcast_in_dim3A_2612, %slice3A_2885 : vector<128x256xf32>
    %get3A_2887 = arith.constant 0 : index
    %get3A_2888 = arith.constant 6400 : index
    %get3A_2889 = vector.load %arg6[%get3A_2887, %get3A_2888] : memref<128x8192xf32, #tpu.memory_space<vmem>>, vector<128x256xf32>
    %add3A_2890 = arith.addf %sub3A_2886, %get3A_2889 : vector<128x256xf32>
    %lt3A_2891 = arith.cmpf olt, %add3A_2890, %select_n3A_2881 : vector<128x256xf32>
    %select_n3A_2892 = arith.select %lt3A_2891, %add3A_2890, %select_n3A_2881 : vector<128x256xi1>, vector<128x256xf32>
    %jit3A_2893 = arith.constant 25 : i32
    %broadcast_in_dim3A_2894 = vector.broadcast %jit3A_2893 : i32 to vector<128x256xi32>
    %select_n3A_2895 = arith.select %lt3A_2891, %broadcast_in_dim3A_2894, %select_n3A_2884 : vector<128x256xi1>, vector<128x256xi32>
    %slice3A_2896 = vector.extract_strided_slice %dot_general3A_2609 {offsets = [0, 6656], sizes = [128, 256], strides = [1, 1]} : vector<128x8192xf32> to vector<128x256xf32>
    %sub3A_2897 = arith.subf %broadcast_in_dim3A_2612, %slice3A_2896 : vector<128x256xf32>
    %get3A_2898 = arith.constant 0 : index
    %get3A_2899 = arith.constant 6656 : index
    %get3A_2900 = vector.load %arg6[%get3A_2898, %get3A_2899] : memref<128x8192xf32, #tpu.memory_space<vmem>>, vector<128x256xf32>
    %add3A_2901 = arith.addf %sub3A_2897, %get3A_2900 : vector<128x256xf32>
    %lt3A_2902 = arith.cmpf olt, %add3A_2901, %select_n3A_2892 : vector<128x256xf32>
    %select_n3A_2903 = arith.select %lt3A_2902, %add3A_2901, %select_n3A_2892 : vector<128x256xi1>, vector<128x256xf32>
    %jit3A_2904 = arith.constant 26 : i32
    %broadcast_in_dim3A_2905 = vector.broadcast %jit3A_2904 : i32 to vector<128x256xi32>
    %select_n3A_2906 = arith.select %lt3A_2902, %broadcast_in_dim3A_2905, %select_n3A_2895 : vector<128x256xi1>, vector<128x256xi32>
    %slice3A_2907 = vector.extract_strided_slice %dot_general3A_2609 {offsets = [0, 6912], sizes = [128, 256], strides = [1, 1]} : vector<128x8192xf32> to vector<128x256xf32>
    %sub3A_2908 = arith.subf %broadcast_in_dim3A_2612, %slice3A_2907 : vector<128x256xf32>
    %get3A_2909 = arith.constant 0 : index
    %get3A_2910 = arith.constant 6912 : index
    %get3A_2911 = vector.load %arg6[%get3A_2909, %get3A_2910] : memref<128x8192xf32, #tpu.memory_space<vmem>>, vector<128x256xf32>
    %add3A_2912 = arith.addf %sub3A_2908, %get3A_2911 : vector<128x256xf32>
    %lt3A_2913 = arith.cmpf olt, %add3A_2912, %select_n3A_2903 : vector<128x256xf32>
    %select_n3A_2914 = arith.select %lt3A_2913, %add3A_2912, %select_n3A_2903 : vector<128x256xi1>, vector<128x256xf32>
    %jit3A_2915 = arith.constant 27 : i32
    %broadcast_in_dim3A_2916 = vector.broadcast %jit3A_2915 : i32 to vector<128x256xi32>
    %select_n3A_2917 = arith.select %lt3A_2913, %broadcast_in_dim3A_2916, %select_n3A_2906 : vector<128x256xi1>, vector<128x256xi32>
    %slice3A_2918 = vector.extract_strided_slice %dot_general3A_2609 {offsets = [0, 7168], sizes = [128, 256], strides = [1, 1]} : vector<128x8192xf32> to vector<128x256xf32>
    %sub3A_2919 = arith.subf %broadcast_in_dim3A_2612, %slice3A_2918 : vector<128x256xf32>
    %get3A_2920 = arith.constant 0 : index
    %get3A_2921 = arith.constant 7168 : index
    %get3A_2922 = vector.load %arg6[%get3A_2920, %get3A_2921] : memref<128x8192xf32, #tpu.memory_space<vmem>>, vector<128x256xf32>
    %add3A_2923 = arith.addf %sub3A_2919, %get3A_2922 : vector<128x256xf32>
    %lt3A_2924 = arith.cmpf olt, %add3A_2923, %select_n3A_2914 : vector<128x256xf32>
    %select_n3A_2925 = arith.select %lt3A_2924, %add3A_2923, %select_n3A_2914 : vector<128x256xi1>, vector<128x256xf32>
    %jit3A_2926 = arith.constant 28 : i32
    %broadcast_in_dim3A_2927 = vector.broadcast %jit3A_2926 : i32 to vector<128x256xi32>
    %select_n3A_2928 = arith.select %lt3A_2924, %broadcast_in_dim3A_2927, %select_n3A_2917 : vector<128x256xi1>, vector<128x256xi32>
    %slice3A_2929 = vector.extract_strided_slice %dot_general3A_2609 {offsets = [0, 7424], sizes = [128, 256], strides = [1, 1]} : vector<128x8192xf32> to vector<128x256xf32>
    %sub3A_2930 = arith.subf %broadcast_in_dim3A_2612, %slice3A_2929 : vector<128x256xf32>
    %get3A_2931 = arith.constant 0 : index
    %get3A_2932 = arith.constant 7424 : index
    %get3A_2933 = vector.load %arg6[%get3A_2931, %get3A_2932] : memref<128x8192xf32, #tpu.memory_space<vmem>>, vector<128x256xf32>
    %add3A_2934 = arith.addf %sub3A_2930, %get3A_2933 : vector<128x256xf32>
    %lt3A_2935 = arith.cmpf olt, %add3A_2934, %select_n3A_2925 : vector<128x256xf32>
    %select_n3A_2936 = arith.select %lt3A_2935, %add3A_2934, %select_n3A_2925 : vector<128x256xi1>, vector<128x256xf32>
    %jit3A_2937 = arith.constant 29 : i32
    %broadcast_in_dim3A_2938 = vector.broadcast %jit3A_2937 : i32 to vector<128x256xi32>
    %select_n3A_2939 = arith.select %lt3A_2935, %broadcast_in_dim3A_2938, %select_n3A_2928 : vector<128x256xi1>, vector<128x256xi32>
    %slice3A_2940 = vector.extract_strided_slice %dot_general3A_2609 {offsets = [0, 7680], sizes = [128, 256], strides = [1, 1]} : vector<128x8192xf32> to vector<128x256xf32>
    %sub3A_2941 = arith.subf %broadcast_in_dim3A_2612, %slice3A_2940 : vector<128x256xf32>
    %get3A_2942 = arith.constant 0 : index
    %get3A_2943 = arith.constant 7680 : index
    %get3A_2944 = vector.load %arg6[%get3A_2942, %get3A_2943] : memref<128x8192xf32, #tpu.memory_space<vmem>>, vector<128x256xf32>
    %add3A_2945 = arith.addf %sub3A_2941, %get3A_2944 : vector<128x256xf32>
    %lt3A_2946 = arith.cmpf olt, %add3A_2945, %select_n3A_2936 : vector<128x256xf32>
    %select_n3A_2947 = arith.select %lt3A_2946, %add3A_2945, %select_n3A_2936 : vector<128x256xi1>, vector<128x256xf32>
    %jit3A_2948 = arith.constant 30 : i32
    %broadcast_in_dim3A_2949 = vector.broadcast %jit3A_2948 : i32 to vector<128x256xi32>
    %select_n3A_2950 = arith.select %lt3A_2946, %broadcast_in_dim3A_2949, %select_n3A_2939 : vector<128x256xi1>, vector<128x256xi32>
    %slice3A_2951 = vector.extract_strided_slice %dot_general3A_2609 {offsets = [0, 7936], sizes = [128, 256], strides = [1, 1]} : vector<128x8192xf32> to vector<128x256xf32>
    %sub3A_2952 = arith.subf %broadcast_in_dim3A_2612, %slice3A_2951 : vector<128x256xf32>
    %get3A_2953 = arith.constant 0 : index
    %get3A_2954 = arith.constant 7936 : index
    %get3A_2955 = vector.load %arg6[%get3A_2953, %get3A_2954] : memref<128x8192xf32, #tpu.memory_space<vmem>>, vector<128x256xf32>
    %add3A_2956 = arith.addf %sub3A_2952, %get3A_2955 : vector<128x256xf32>
    %lt3A_2957 = arith.cmpf olt, %add3A_2956, %select_n3A_2947 : vector<128x256xf32>
    %select_n3A_2958 = arith.select %lt3A_2957, %add3A_2956, %select_n3A_2947 : vector<128x256xi1>, vector<128x256xf32>
    %jit3A_2959 = arith.constant 31 : i32
    %broadcast_in_dim3A_2960 = vector.broadcast %jit3A_2959 : i32 to vector<128x256xi32>
    %select_n3A_2961 = arith.select %lt3A_2957, %broadcast_in_dim3A_2960, %select_n3A_2950 : vector<128x256xi1>, vector<128x256xi32>
    %reduce_min3A_2962 = arith.constant dense<0x7F800000> : vector<128xf32>
    %reduce_min3A_2963 = vector.multi_reduction <minimumf>, %select_n3A_2958, %reduce_min3A_2962 [1] : vector<128x256xf32> to vector<128xf32>
    %broadcast_in_dim3A_2964 = vector.shape_cast %reduce_min3A_2963 : vector<128xf32> to vector<128x1xf32>
    %eq3A_2965 = vector.broadcast %broadcast_in_dim3A_2964 : vector<128x1xf32> to vector<128x256xf32>
    %eq3A_2966 = arith.cmpf oeq, %select_n3A_2958, %eq3A_2965 : vector<128x256xf32>
    %mul3A_2967 = arith.constant 256 : i32
    %mul3A_2968 = vector.broadcast %mul3A_2967 : i32 to vector<128x256xi32>
    %mul3A_2969 = arith.muli %select_n3A_2961, %mul3A_2968 : vector<128x256xi32>
    %add3A_2970 = arith.addi %mul3A_2969, %iota3A : vector<128x256xi32>
    %jit3A_2971 = arith.constant 16384 : i32
    %broadcast_in_dim3A_2972 = vector.broadcast %jit3A_2971 : i32 to vector<128x256xi32>
    %select_n3A_2973 = arith.select %eq3A_2966, %add3A_2970, %broadcast_in_dim3A_2972 : vector<128x256xi1>, vector<128x256xi32>
    %reduce_min3A_2974 = arith.constant dense<2147483647> : vector<128xi32>
    %reduce_min3A_2975 = vector.multi_reduction <minsi>, %select_n3A_2973, %reduce_min3A_2974 [1] : vector<128x256xi32> to vector<128xi32>
    %broadcast_in_dim3A_2976 = vector.shape_cast %reduce_min3A_2975 : vector<128xi32> to vector<128x1xi32>
    %concatenate3A = tpu.concatenate %broadcast_in_dim3A_386, %broadcast_in_dim3A_756, %broadcast_in_dim3A_1126, %broadcast_in_dim3A_1496, %broadcast_in_dim3A_1866, %broadcast_in_dim3A_2236, %broadcast_in_dim3A_2606, %broadcast_in_dim3A_2976 in 0 : vector<128x1xi32>, vector<128x1xi32>, vector<128x1xi32>, vector<128x1xi32>, vector<128x1xi32>, vector<128x1xi32>, vector<128x1xi32>, vector<128x1xi32> -> vector<1024x1xi32>
    %mul3A_2977 = arith.constant 8192 : i32
    %mul3A_2978 = arith.muli %arg0, %mul3A_2977 : i32
    %add3A_2979 = vector.broadcast %mul3A_2978 : i32 to vector<1024x1xi32>
    %add3A_2980 = arith.addi %concatenate3A, %add3A_2979 : vector<1024x1xi32>
    %transpose3A_2981 = tpu.transpose %add3A_2980, [1, 0] : vector<1024x1xi32> -> vector<1x1024xi32>
    %swap3A_2982 = arith.constant 0 : index
    %swap3A_2983 = arith.constant 0 : index
    %swap3A_2984 = arith.constant 0 : index
    %swap3A_2985 = vector.load %arg4[%swap3A_2982, %swap3A_2983, %swap3A_2984] : memref<1x1x1024xi32, #tpu.memory_space<vmem>>, vector<1x1x1024xi32>
    %swap3A_2986 = vector.shape_cast %swap3A_2985 : vector<1x1x1024xi32> to vector<1x1024xi32>
    %swap3A_2987 = vector.shape_cast %transpose3A_2981 : vector<1x1024xi32> to vector<1x1x1024xi32>
    tpu.vector_store %arg4[%swap3A_2982, %swap3A_2983, %swap3A_2984], %swap3A_2987 {strides = array<i32>} : memref<1x1x1024xi32, #tpu.memory_space<vmem>>, vector<1x1x1024xi32>,
    return
  }
  func.func @transform_0(%arg0: i32, %arg1: i32) -> (i32, i32, i32) {
    %c0_i32 = arith.constant 0 : i32
    %c0_i32_0 = arith.constant 0 : i32
    return %arg0, %arg1, %c0_i32 : i32, i32, i32
  }
  func.func @transform_1(%arg0: i32, %arg1: i32) -> (i32, i32, i32) {
    %c0_i32 = arith.constant 0 : i32
    %c0_i32_0 = arith.constant 0 : i32
    %c0_i32_1 = arith.constant 0 : i32
    return %arg0, %c0_i32, %c0_i32_0 : i32, i32, i32
  }
  func.func @transform_2(%arg0: i32, %arg1: i32) -> (i32, i32, i32) {
    %mul3A = arith.constant 1 : i32
    %mul3A_0 = arith.muli %arg0, %mul3A : i32
    %add3A = arith.addi %mul3A_0, %arg1 : i32
    %c0_i32 = arith.constant 0 : i32
    %c0_i32_1 = arith.constant 0 : i32
    %c0_i32_2 = arith.constant 0 : i32
    return %add3A, %c0_i32, %c0_i32_1 : i32, i32, i32
  }
  func.func @transform_3(%arg0: i32, %arg1: i32) -> (i32, i32, i32) {
    %c0_i32 = arith.constant 0 : i32
    %c0_i32_0 = arith.constant 0 : i32
    return %arg0, %arg1, %c0_i32 : i32, i32, i32
  }
}

</mosaic_0001>

<sc_bundles>
// kernel: kernel.4.cloned.1.call-start
scs
__scs_entry_jumppad:
0x0: {  	(pc) =	sbr.rel $0x88, $3  }
0x1: {  	(tag) =	ssettag $0x0;
	lr =	simm.s32 $0x1  }
0x2: {  	[smem:$0x3F9F] =	sst lr;
	_ =	strace $0xD0000000  }
0x3: {  	_ = 	snop  }
0x4: {  	_ = 	snop  }
0x5: {  	_ = 	snop  }
0x6: {  	_ = 	snop  }
0x7: {  	_ = 	snop  }
__scs_overlays_trampoline_lowered:
0x8: {  	[smem:$0x3FAE] =	sst s0  }
0x9: {  	[smem:$0x3FAF] =	sst s1  }
0xa: {  	[smem:$0x3FB0] =	sst s2  }
0xb: {  	[smem:$0x3FB1] =	sst s3  }
0xc: {  	[smem:$0x3FB2] =	sst s4  }
0xd: {  	[smem:$0x3FB3] =	sst s5  }
0xe: {  	[smem:$0x3FB4] =	sst s6  }
0xf: {  	[smem:$0x3FB5] =	sst s7  }
0x10: {  	[smem:$0x3FB6] =	sst s8  }
0x11: {  	[smem:$0x3FB7] =	sst s9;
	s0 =	simm.s32 @!p0 $0x0  }
0x12: {  	s1 =	sld [smem:$0x3F9D];
	s0 =	simm.s32 @p0 $0x1  }
0x13: {  	[smem:$0x3FB8] =	sst s0;
	s0 =	simm.s32 @!p1 $0x0  }
0x14: {  	s2 =	sld [smem:$0x3F9C];
	s0 =	simm.s32 @p1 $0x1  }
0x15: {  	[smem:$0x3FB9] =	sst s0;
	s0 =	simm.s32 @!p2 $0x0  }
0x16: {  	s3 =	sld [smem:$0x3FDB];
	s0 =	simm.s32 @p2 $0x1  }
0x17: {  	s4 =	simm.s32 $0x1BF5;
	[smem:$0x3FBB] =	sst s0  }
0x18: {  	s0 =	sld [smem:$0x3F9E];
	_ =	swait.ge [sflag:s4], $0x0  }
0x19: {  	s7 =	sld [smem:$0x3F9F]  }
0x1a: {  	s8 =	sadd.s32 $0xFFFFE003, lr  }
0x1b: {  	s9 =	sadd.s32 $0xFFFFFEF7, lr;
	s5 =	simm.s32 $0xFFFFFFFF;
	p2 =	slt.u32 s8, $0xFFFFF086  }
0x1c: {  	p1 =	slt.u32 s9, $0xF7A;
	s5 =	simm.s32 @!p2 $0x0  }
0x1d: {  	s5 =	simm.s32 @p1 $0x1;
	p0 =	seq.s32 s7, s2  }
0x1e: {  	s7 =	smul.u32 @!p0 $0xF7A, s2;
	p2 =	seq.s32 @!p0 s5, $0x0  }
0x1f: {  	s9 =	smul.u32 $0xF7A, s1;
	s8 =	simm.s32 @!p0 $0x1BF5;
	p2 =	por !p2, p0  }
0x20: {  	[sflag:s8] =	ssyncset.s32 @!p0 $0xFFFFF086;
	s6 =	sadd.s32 @!p0 s3, s7;
	s7 =	simm.s32 @!p0 $0x108  }
0x21: {  	s3 =	sadd.s32 s3, s9;
	s6 =	sadd.s32 @!p0 $0x88, s6;
	s7 =	simm.s32 @p2 $0x1082  }
0x22: {  	[simem:s7], [sflag:s8] =	dma.local @!p0 [hbm:s6], $0xF7A  }
0x23: {  	s9 =	sor.u32 $0xD0000000, s2;
	s6 =	simm.s32 $0x108;
	_ =	swait.ge @!p0 [sflag:s8], $0x0  }
0x24: {  	s3 =	sadd.s32 $0x88, s3;
	s6 =	simm.s32 @!p1 $0x1082;
	[sflag:s4] =	ssyncset.s32 $0xFFFFF086  }
0x25: {  	[simem:s6], [sflag:s4] =	dma.local [hbm:s3], $0xF7A  }
0x26: {  	[smem:$0x3F9F] =	sst s1;
	(tag) =	ssettag s2;
	_ =	strace s9  }
0x27: {  	s1 =	sld [smem:$0x3FAF]  }
0x28: {  	s2 =	sld [smem:$0x3FB0]  }
0x29: {  	s4 =	sld [smem:$0x3FB2]  }
0x2a: {  	p0 =	seq.s32 s5, $0x0;
	s5 =	sld [smem:$0x3FB3]  }
0x2b: {  	s6 =	sld [smem:$0x3FB4]  }
0x2c: {  	s7 =	sld [smem:$0x3FB5]  }
0x2d: {  	s3 =	simm.s32 $0x108;
	s8 =	sld [smem:$0x3FB6]  }
0x2e: {  	s3 =	simm.s32 @!p0 $0x1082;
	s9 =	sld [smem:$0x3FB7]  }
0x2f: {  	lr =	sadd.s32 s0, s3;
	s0 =	sld [smem:$0x3FAE]  }
0x30: {  	s3 =	sld [smem:$0x3FB1]  }
0x31: {  	[smem:$0x3FBA] =	sst s10  }
0x32: {  	s10 =	sld [smem:$0x3FB8];
	_ =	sdelay $0x3  }
0x33: {  	p0 =	seq.s32 s10, $0x1;
	s10 =	sld [smem:$0x3FBA];
	_ =	sdelay $0x3  }
0x34: {  	[smem:$0x3FBA] =	sst s10  }
0x35: {  	s10 =	sld [smem:$0x3FB9];
	_ =	sdelay $0x3  }
0x36: {  	p1 =	seq.s32 s10, $0x1;
	s10 =	sld [smem:$0x3FBA];
	_ =	sdelay $0x3  }
0x37: {  	[smem:$0x3FBA] =	sst s10  }
0x38: {  	s10 =	sld [smem:$0x3FBB]  }
0x39: {  	_ = 	snop;
	(pc) =	sbr.ind lr, $3  }
0x3a: {  	_ = 	snop  }
0x3b: {  	_ = 	snop  }
0x3c: {  	p2 =	seq.s32 s10, $0x1;
	s10 =	sld [smem:$0x3FBA]  }
0x3d: {  	_ =	shalt  }
0x3e: {  	_ =	shalt  }
0x3f: {  	_ =	shalt  }
0x40: {  	_ =	shalt  }
0x41: {  	_ =	shalt  }
0x42: {  	_ =	shalt  }
0x43: {  	_ =	shalt  }
0x44: {  	_ =	shalt  }
0x45: {  	_ =	shalt  }
0x46: {  	_ =	shalt  }
0x47: {  	_ =	shalt  }
0x48: {  	_ =	shalt  }
0x49: {  	_ =	shalt  }
0x4a: {  	_ =	shalt  }
0x4b: {  	_ =	shalt  }
0x4c: {  	_ =	shalt  }
0x4d: {  	_ =	shalt  }
0x4e: {  	_ =	shalt  }
0x4f: {  	_ =	shalt  }
0x50: {  	_ =	shalt  }
0x51: {  	_ =	shalt  }
0x52: {  	_ =	shalt  }
0x53: {  	_ =	shalt  }
0x54: {  	_ =	shalt  }
0x55: {  	_ =	shalt  }
0x56: {  	_ =	shalt  }
0x57: {  	_ =	shalt  }
0x58: {  	_ =	shalt  }
0x59: {  	_ =	shalt  }
0x5a: {  	_ =	shalt  }
0x5b: {  	_ =	shalt  }
0x5c: {  	_ =	shalt  }
0x5d: {  	_ =	shalt  }
0x5e: {  	_ =	shalt  }
0x5f: {  	_ =	shalt  }
0x60: {  	_ =	shalt  }
0x61: {  	_ =	shalt  }
0x62: {  	_ =	shalt  }
0x63: {  	_ =	shalt  }
0x64: {  	_ =	shalt  }
0x65: {  	_ =	shalt  }
0x66: {  	_ =	shalt  }
0x67: {  	_ =	shalt  }
0x68: {  	_ =	shalt  }
0x69: {  	_ =	shalt  }
0x6a: {  	_ =	shalt  }
0x6b: {  	_ =	shalt  }
0x6c: {  	_ =	shalt  }
0x6d: {  	_ =	shalt  }
0x6e: {  	_ =	shalt  }
0x6f: {  	_ =	shalt  }
0x70: {  	_ =	shalt  }
0x71: {  	_ =	shalt  }
0x72: {  	_ =	shalt  }
0x73: {  	_ =	shalt  }
0x74: {  	_ =	shalt  }
0x75: {  	_ =	shalt  }
0x76: {  	_ =	shalt  }
0x77: {  	_ =	shalt  }
0x78: {  	_ =	shalt  }
0x79: {  	_ =	shalt  }
0x7a: {  	_ =	shalt  }
0x7b: {  	_ =	shalt  }
0x7c: {  	_ =	shalt  }
0x7d: {  	_ =	shalt  }
0x7e: {  	_ =	shalt  }
0x7f: {  	_ =	shalt  }
0x80: {  	_ =	shalt  }
0x81: {  	_ =	shalt  }
0x82: {  	_ =	shalt  }
0x83: {  	_ =	shalt  }
0x84: {  	_ =	shalt  }
0x85: {  	_ =	shalt  }
0x86: {  	_ =	shalt  }
0x87: {  	_ =	shalt  }
.Lfunc_end0:
.L_simem_size_0:
called_computation_lowered:
.L_overlay_start_0:
0x88: {  	s2 =	sld [smem:$0x3FD9]  }
0x89: {  	s3 =	sld [smem:$0x3FFE];
	_ =	sdelay $0x1  }
0x8a: {  	s1 =	srdreg.scid  }
0x8b: {  	s0 =	sand.u32 $0x1, s1  }
0x8c: {  	s17 =	sshll.u32 s0, $0xA;
	s2 =	sadd.s32 s3, s2  }
0x8d: {  	s2 =	sadd.s32 s2, s17  }
0x8e: {  	[smem:$0x3FC6] =	sst s2  }
0x8f: {  	_ = 	snop  }
0x90: {  	s2 =	sld [smem:$0x3FD0];
	(tm) =	ssettm $0x1  }
0x91: {  	s18 =	sld [smem:$0x3FFB];
	_ =	sdelay $0x3  }
0x92: {  	_ =	strace s18  }
0x93: {  	s3 =	sld [smem:$0x3FFC];
	_ =	sdelay $0x3  }
0x94: {  	_ =	strace s3  }
0x95: {  	s3 =	sld [smem:$0x3FFD];
	_ =	sdelay $0x3  }
0x96: {  	_ =	strace s3  }
0x97: {  	_ =	strace $0x8FFFFFFF  }
0x98: {  	s19 =	sld [smem:$0x3FDB];
	_ =	sdelay $0x1  }
0x99: {  	s4 =	simm.s32 $_scs_section_size  }
0x9a: {  	s5 =	simm.s32 $_size__tile_overlayer_lowered;
	s6 =	simm.s32 $_tile_overlayer_lowered  }
0x9b: {  	s22 =	simm.s32 $0x1BFF;
	s21 =	sshll.u32 s6, $0x1;
	s3 =	sadd.s32 s4, s19  }
0x9c: {  	s7 =	simm.s32 $0x0;
	s20 =	sshll.u32 s5, $0x1;
	s5 =	sadd.s32 s21, s3  }
0x9d: {  	[timem:s7], [sflag:s22] =	dma.local [hbm:s5], s20  }
0x9e: {  	_ =	swait.ge [sflag:s22], s20  }
0x9f: {  	s4 =	ssub.s32 $0x0, s20;
	[sflag:s22] =	ssyncset.done $0x0  }
0xa0: {  	[sflag:s22] =	ssyncadd.s32 s4;
	_ =	sdelay $0x1  }
0xa1: {  	s23 =	simm.s32 $0x1B8B  }
0xa2: {  	_ =	swait.ge [sflag:s23], $0x1  }
0xa3: {  	[sflag:s23] =	ssyncset.done $0x0  }
0xa4: {  	s25 =	simm.s32 $0x1B8E;
	s24 =	sld [smem:$0x3FFE];
	[sflag:s23] =	ssyncadd.s32 $0xFFFFFFFF  }
0xa5: {  	s26 =	simm.s32 $execute0_lowered;
	[smem:$0x3FD2] =	sst s25  }
0xa6: {  	s5 =	sshll.u32 s26, $0x1;
	_ =	strace $0x80000046;
	[dreg:$0x1] =	wrdreg $0xFFFFFFFF  }
0xa7: {  	s28 =	simm.s32 $_size_execute0_lowered;
	s3 =	sadd.s32 s3, s5;
	[dreg:$0x0] =	wrdreg $0x0  }
0xa8: {  	s5 =	sshll.u32 s28, $0x1;
	[dreg:$0x2] =	wrdreg s3  }
0xa9: {  	[dreg:$0x3] =	wrdreg s5  }
0xaa: {  	[dreg:$0x4] =	wrdreg $0xC0  }
0xab: {  	_ =	task [dreg:s7], $0x5FFFF  }
0xac: {  	[dreg:$0x1] =	wrdreg $0xFFFFFFFF  }
0xad: {  	[dreg:$0x0] =	wrdreg $0x60  }
0xae: {  	[dreg:$0x2] =	wrdreg s24  }
0xaf: {  	[dreg:$0x3] =	wrdreg s2  }
0xb0: {  	[dreg:$0x4] =	wrdreg $0x9  }
0xb1: {  	_ =	task.clear_ibuf [dreg:s7], $0x5FFFF;
	_ =	strace $0x90000046  }
0xb2: {  	s29 =	simm.s32 $0x9;
	_ =	strace $0x80000048  }
0xb3: {  	_ =	swait.ge [sflag:s29], $0x1  }
0xb4: {  	[sflag:s29] =	ssyncadd.s32 $0xFFFFFFFF  }
0xb5: {  	_ =	strace $0x90000048  }
0xb6: {  	_ =	sfence  }
0xb7: {  	s30 =	sld [smem:$0x0];
	_ =	sdelay $0x2  }
0xb8: {  	s31 =	sshll.u32 s1, $0xD;
	s1 =	sshrl.u32 s1, $0x2  }
0xb9: {  	s3 =	sand.u32 $0x4000, s31;
	s1 =	sadd.s32 s1, s30  }
0xba: {  	s0 =	sor.u32 s3, s0;
	s1 =	sshll.u32 s1, $0x11  }
0xbb: {  	s0 =	sor.u32 s1, s0  }
0xbc: {  	s0 =	sadd.s32 $0x8F2B, s0  }
0xbd: {  	[sflag:s0] =	ssyncadd.remote.s32 $0x1  }
0xbe: {  	_ =	sfence.sel $0xFFFF  }
0xbf: {  	[dreg:$0x0] =	wrdreg $0xFFFFFFFF;
	(pc) =	sbr.abs _section_cstart, $3  }
0xc0: {  	[dreg:$0x1] =	wrdreg $0xFFFFFFFF  }
0xc1: {  	_ =	task.clear_ibuf [dreg:s7], $0x2FFFF;
	_ =	strace $0x9FFFFFFF  }
0xc2: {  	(tm) =	ssettm $0x7FFFFFFF  }
0xc3: {  	_ =	shalt  }
tec
execute0_lowered:
.L_overlay_start_1:
0x0: {  	(tag) =	ssettag $0x1  }
0x1: {  	s1 =	srdreg.scid;
	s0 =	stileid.u32  }
0x2: {  	s5 =	rddreg [dreg:$0x0];
	s10 =	sand.u32 $0x1, s1;
	s29 =	sshll.u32 s0, $0x1  }
0x3: {  	s11 =	rddreg [dreg:$0x1];
	s12 =	sor.u32 s10, s29  }
0x4: {  	s2 =	simm.s32 $0x0;
	s1 =	rddreg [dreg:$0x2];
	s3 =	sshll.u32 s12, $0x5  }
0x5: {  	[smem:$0x7FF] =	sst s2;
	s3 =	sadd.s32 s3, s5  }
0x6: {  	_ =	strace $0x80000047;
	s4 =	sadd.s32 $0x100A00, s3;
	s3 =	simm.s32 $0x2  }
0x7: {  	[tilespmem:s2], [sflag:$0x2] =	stream.linear.gather [hbm4b:s4+s2], $0x100, $0x38;
	[tilespmem:$0x2100] =	vst v63  }
0x8: {  	_ =	swait.ge [sflag:s3], $0x100  }
0x9: {  	s6 =	simm.s32 $0x80;
	[sflag:s3] =	ssyncset.done $0x0  }
0xa: {  	s7 =	simm.s32 $0x100;
	s5 =	sadd.s32 $0x100E00, s5;
	[sflag:s3] =	ssyncadd.s32 $0xFFFFFF00  }
0xb: {  	[tilespmem:s7], [sflag:$0x1] =	stream.indirect.gather [hbm4b:s5+s6], $0x20, s2, s6, $0xb8;
	[tilespmem:$0x2100] =	vst v63  }
0xc: {  	s8 =	simm.s32 $0x1100;
	s9 =	simm.s32 $0x1;
	s10 =	ssub.s32 $0x2, s10  }
0xd: {  	[tilespmem:s8], [sflag:$0x1] =	stream.indirect.gather [hbm4b:s5+s6], $0x20, s6, s6, $0xb8;
	[tilespmem:$0x2100] =	vst v63  }
0xe: {  	s13 =	sshrl.u32 s10, $0x1;
	_ =	swait.ge [sflag:s9], $0x1000  }
0xf: {  	s13 =	ssub.s32 s10, s13;
	[sflag:s9] =	ssyncset.done $0x0  }
0x10: {  	s31 =	smax.u32 s13, $0x1;
	[sflag:s9] =	ssyncadd.s32 $0xFFFFF000  }
0x11: {  	p0 =	sne.s32 s31, $0x1;
	_ =	swait.ge [sflag:s9], $0x1000  }
.Ltmp0:
0x12: {  	s30 =	sshll.u32 s12, $0xA;
	[sflag:s9] =	ssyncset.done $0x0;
	(pc) =	sbr.rel @!p0 .LBB2_2-.Ltmp0, $4  }
0x13: {  	s10 =	sadd.s32 s11, s30;
	[sflag:s9] =	ssyncadd.s32 $0xFFFFF000  }
0x14: {  	[hbm4b:s10+s2] =	stream.linear.scatter [tilespmem:s7], [sflag:$0x2], $0x2000, $0x38;
	[tilespmem:$0x2100] =	vst v63  }
0x15: {  	_ =	swait.ge [sflag:s3], $0x2000  }
0x16: {  	s11 =	sadd.s32 $0xFFFFFFFF, s31;
	[sflag:s3] =	ssyncset.done $0x0  }
.LBB2_1:
0x17: {  	p0 =	sne.s32 s11, $0x1;
	s11 =	sadd.s32 $0xFFFFFFFF, s11;
	[sflag:s3] =	ssyncadd.s32 $0xFFFFE000  }
0x18: {  	[tilespmem:s2], [sflag:$0x2] =	stream.linear.gather [hbm4b:s4+s2], $0x100, $0x38;
	[tilespmem:$0x2100] =	vst v63  }
0x19: {  	_ =	swait.ge [sflag:s3], $0x100  }
0x1a: {  	[sflag:s3] =	ssyncset.done $0x0  }
0x1b: {  	[sflag:s3] =	ssyncadd.s32 $0xFFFFFF00  }
0x1c: {  	[tilespmem:s7], [sflag:$0x1] =	stream.indirect.gather [hbm4b:s5+s6], $0x20, s2, s6, $0xb8;
	[tilespmem:$0x2100] =	vst v63  }
0x1d: {  	_ = 	snop  }
0x1e: {  	[tilespmem:s8], [sflag:$0x1] =	stream.indirect.gather [hbm4b:s5+s6], $0x20, s6, s6, $0xb8;
	[tilespmem:$0x2100] =	vst v63  }
0x1f: {  	_ =	swait.ge [sflag:s9], $0x1000  }
0x20: {  	[sflag:s9] =	ssyncset.done $0x0  }
0x21: {  	[sflag:s9] =	ssyncadd.s32 $0xFFFFF000  }
0x22: {  	_ =	swait.ge [sflag:s9], $0x1000  }
.Ltmp1:
0x23: {  	[sflag:s9] =	ssyncset.done $0x0;
	(pc) =	sbr.rel @p0 .LBB2_1-.Ltmp1, $4  }
0x24: {  	[sflag:s9] =	ssyncadd.s32 $0xFFFFF000  }
0x25: {  	[hbm4b:s10+s2] =	stream.linear.scatter [tilespmem:s7], [sflag:$0x2], $0x2000, $0x38;
	[tilespmem:$0x2100] =	vst v63  }
0x26: {  	_ =	swait.ge [sflag:s3], $0x2000  }
0x27: {  	[sflag:s3] =	ssyncset.done $0x0  }
.LBB2_2:
0x28: {  	[sflag:s3] =	ssyncadd.s32 $0xFFFFE000  }
0x29: {  	_ =	sfence.sel $0x180000  }
0x2a: {  	[bflag:$0x0] =	sbarrier.arrive $0xFFFF  }
0x2b: {  	p0 =	sne.s32 s0, $0x0;
	_ =	strace $0x90000047  }
0x2c: {  	s0 =	sadd.s32 @!p0 $0x100000, s1;
	[bflag:$0x2] =	sbarrier.arrive $0xFFFF  }
0x2d: {  	[sflag:s0] =	ssyncadd.tile.s32 @!p0 $0x1;
	_ =	shalt  }
.Lfunc_end2:
_tile_overlayer_lowered:
.L_overlay_start_2:
0x2e: {  	(tag) =	ssettag $0x2  }
0x2f: {  	s0 =	rddreg [dreg:$0x0];
	s2 =	stileid.u32  }
0x30: {  	s1 =	rddreg [dreg:$0x1];
	p0 =	sne.s32 s2, $0x0  }
0x31: {  	s3 =	rddreg [dreg:$0x2];
	[bflag:$0x3] =	sbarrier.arrive $0xFFFF;
	s2 =	simm.s32 @!p0 $0x1C02  }
0x32: {  	[timem:s3], [sflag:s2] =	dma.local @!p0 [hbm:s0], s1  }
0x33: {  	s0 =	simm.s32 @!p0 $0x2  }
0x34: {  	_ =	swait.ge @!p0 [sflag:s0], s1  }
0x35: {  	s1 =	ssub.s32 @!p0 $0x0, s1;
	[sflag:s0] =	ssyncset.done @!p0 $0x0  }
0x36: {  	[sflag:s0] =	ssyncadd.s32 @!p0 s1  }
0x37: {  	[bflag:$0x3] =	sbarrier.arrive $0xFFFF  }
0x38: {  	_ =	shalt  }

</sc_bundles>
